<compile_context>
chip_gen: v7x
topology: tpu7x:2x2x1
jax: 0.10.2.dev20260603
libtpu: 0.0.44.dev20260713+nightly
codegen_flags: <defaults>
</compile_context>

<pallas_src>
import functools

import jax
import jax.numpy as jnp
from jax import lax
from jax.experimental import pallas as pl
from jax.experimental.pallas import tpu as pltpu
from jax.experimental.pallas import tpu_sc as plsc

EMB_DIM = 64
BATCH = 16384
NROWS = 1000001

NUM_CORES = 2
NUM_SUBCORES = 16
NUM_WORKERS = NUM_CORES * NUM_SUBCORES
LANES = 16

KCOLS = 7813
KW = 246
CK = 2
NCH = KW // CK
CLS = CK * 128
K0_MAX = (NROWS - CLS) // 128
TAIL_LO = 128 * (K0_MAX + CK)
TAIL_W = NROWS - TAIL_LO
W_CLS = KW * 128
IDX_ROWS = BATCH // LANES
TRASH = BATCH


@functools.partial(
    pl.kernel,
    mesh=plsc.VectorSubcoreMesh(core_axis_name="c", subcore_axis_name="s"),
    out_type=jax.ShapeDtypeStruct((BATCH + 1, 128), jnp.float32),
    compiler_params=pltpu.CompilerParams(needs_layout_passes=False),
    scratch_types=[
        pltpu.VMEM((BATCH,), jnp.int32),
        pltpu.VMEM((BATCH,), jnp.int32),
        pltpu.VMEM((BATCH,), jnp.int32),
        pltpu.VMEM((2, 8, 8, CLS), jnp.float32),
        pltpu.VMEM((8, 8, TAIL_W), jnp.float32),
        pltpu.VMEM((8, LANES, 128), jnp.float32),
        pltpu.SemaphoreType.DMA,
        pltpu.SemaphoreType.DMA,
        pltpu.SemaphoreType.DMA,
    ],
)
def _sc_stream_gather(idx_hbm, tt_hbm, out_hbm, idx_v, mpos_v, mcls_v,
                      buf_v, tail_v, stg_v, dsem0, dsem1, ssem):
    wid = lax.axis_index("s") * NUM_CORES + lax.axis_index("c")
    pltpu.sync_copy(idx_hbm, idx_v)

    iota = lax.iota(jnp.int32, LANES)
    lo = wid * W_CLS
    hi = jnp.where(wid == NUM_WORKERS - 1, NROWS, lo + W_CLS)

    def scan(t, n):
        v = plsc.load_gather(idx_v, [t * LANES + iota])
        m = (v >= lo) & (v < hi)
        c1 = plsc.cumsum(jnp.where(m, 1, 0))
        dst = n + c1 - 1
        plsc.store_scatter(mpos_v, [dst], t * LANES + iota, mask=m)
        plsc.store_scatter(mcls_v, [dst], v, mask=m)
        return n + c1[LANES - 1]

    n = lax.fori_loop(0, IDX_ROWS, scan, jnp.int32(0))
    pad = n + iota
    plsc.store_scatter(mcls_v, [pad], jnp.full((LANES,), -1, jnp.int32),
                       mask=pad < BATCH)
    nvr = (n + LANES - 1) >> 4

    def fire_chunk(c, par):
        k0 = pl.multiple_of(
            jnp.minimum(wid * KW + CK * c, K0_MAX) * 128, 128)
        sem = dsem0 if par == 0 else dsem1
        for a in range(8):
            pltpu.async_copy(
                tt_hbm.at[pl.ds(8 * a, 8), pl.ds(k0, CLS)],
                buf_v.at[par, a], sem)

    def wait_chunk(par):
        sem = dsem0 if par == 0 else dsem1
        for a in range(8):
            pltpu.make_async_copy(
                tt_hbm.at[pl.ds(0, 8), pl.ds(0, CLS)],
                buf_v.at[par, a], sem).wait()

    def wait_scatter():
        pltpu.make_async_copy(
            stg_v.at[0], out_hbm.at[pl.ds(0, LANES), :], ssem).wait()

    def assemble_and_scatter(src_ref, j, clo, width, nh):
        mp = plsc.load_gather(mpos_v, [j * LANES + iota])
        mc = plsc.load_gather(mcls_v, [j * LANES + iota])
        inb = (mc >= clo) & (mc < clo + width)
        hits = plsc.all_reduce_population_count(inb)

        def do16():
            pl.when(nh >= 8)(wait_scatter)
            slot = nh & 7

            def lane(f, _):
                cls_f = plsc.load_gather(mcls_v, [j * LANES + f + 0 * iota])
                mo = jnp.clip(cls_f - clo, 0, width - 1)
                for k in range(EMB_DIM // LANES):
                    cv = iota + k * LANES
                    vals = plsc.load_gather(
                        src_ref, [cv >> 3, cv & 7, mo])
                    stg_v[slot, f, pl.ds(k * LANES, LANES)] = vals
                return ()

            lax.fori_loop(0, LANES, lane, ())
            pos = jnp.where(inb, mp, TRASH)
            pltpu.async_copy(stg_v.at[slot], out_hbm.at[pos], ssem)

        pl.when(hits[0] > 0)(do16)
        return jnp.where(hits[0] > 0, nh + 1, nh)

    def drain_ring(nh):
        lax.fori_loop(0, jnp.minimum(nh, 8), lambda i, _: (wait_scatter(), ())[1], ())

    def process_chunk(c, width, nh):
        clo = jnp.minimum(wid * KW + CK * c, K0_MAX) * 128

        def pbody(j, nh2):
            return assemble_and_scatter(buf_v.at[c & 1], j, clo, width, nh2)

        return lax.fori_loop(0, nvr, pbody, nh)

    fire_chunk(0, 0)

    def body(c, nh):
        pl.when((c < NCH - 1) & (c % 2 == 0))(lambda: fire_chunk(c + 1, 1))
        pl.when((c < NCH - 1) & (c % 2 == 1))(lambda: fire_chunk(c + 1, 0))
        pl.when(c % 2 == 0)(lambda: wait_chunk(0))
        pl.when(c % 2 == 1)(lambda: wait_chunk(1))
        return process_chunk(c, CLS, nh)

    nh = lax.fori_loop(0, NCH, body, jnp.int32(0))
    drain_ring(nh)

    def tail():
        for a in range(8):
            pltpu.async_copy(
                tt_hbm.at[pl.ds(8 * a, 8), pl.ds(TAIL_LO, TAIL_W)],
                tail_v.at[a], dsem0)
        for a in range(8):
            pltpu.make_async_copy(
                tt_hbm.at[pl.ds(0, 8), pl.ds(TAIL_LO, TAIL_W)],
                tail_v.at[a], dsem0).wait()

        def pbody(j, nh2):
            return assemble_and_scatter(tail_v, j, jnp.int32(TAIL_LO),
                                        TAIL_W, nh2)

        nht = lax.fori_loop(0, nvr, pbody, jnp.int32(0))
        drain_ring(nht)

    pl.when(wid == NUM_WORKERS - 1)(tail)


def kernel(x, table):
    out2 = _sc_stream_gather(x.astype(jnp.int32), table.T)
    return out2[:BATCH, :EMB_DIM]

# --- scband reference (transcript-rebuilt; emitter-appended) ---
"""Pipeline reference for scband-class-encoder-25228637896808 (READ-ONLY COPY).

The authoritative reference and input builder live on the scoring server;
editing this copy changes nothing except your own understanding.
"""

import jax, jax.numpy as jnp
import numpy as np

NUM_CLASSES = 1000000
EMB_DIM = 64
BATCH = 16384

def setup_inputs(seed: int = 0) -> dict:
    key = jax.random.key(seed)
    k1, k2 = jax.random.split(key)
    x = jax.random.randint(k1, (BATCH,), 0, NUM_CLASSES + 1, dtype=jnp.int64 if jax.config.jax_enable_x64 else jnp.int32)
    table = jax.random.normal(k2, (NUM_CLASSES + 1, EMB_DIM), dtype=jnp.float32) * 0.02
    return {"x": x, "table": table}

def reference(x, table):
    # nn.Embedding forward: row gather from the embedding table
    return jnp.take(table, x, axis=0)

if __name__ == "__main__":
    import jax
    _d = setup_inputs()
    print(jax.jit(kernel)(*tuple(_d.values())))

</pallas_src>

<mosaic_0001>
#map = affine_map<(d0, d1) -> (0)>
#map1 = affine_map<(d0, d1) -> (0, 0)>
module attributes {stable_mosaic.version = 14 : i64} {
  func.func @_sc_stream_gather(%arg0: i32, %arg1: i32, %arg2: memref<16384xi32, #tpu.memory_space<hbm>>, %arg3: memref<64x1000001xf32, #tpu.memory_space<hbm>>, %arg4: memref<16385x128xf32, #tpu.memory_space<hbm>>, %arg5: memref<16384xi32, #tpu.memory_space<vmem>>, %arg6: memref<16384xi32, #tpu.memory_space<vmem>>, %arg7: memref<16384xi32, #tpu.memory_space<vmem>>, %arg8: memref<2x8x8x256xf32, #tpu.memory_space<vmem>>, %arg9: memref<8x8x65xf32, #tpu.memory_space<vmem>>, %arg10: memref<8x16x128xf32, #tpu.memory_space<vmem>>, %arg11: memref<!tpu.dma_semaphore, #tpu.memory_space<semaphore_mem>>, %arg12: memref<!tpu.dma_semaphore, #tpu.memory_space<semaphore_mem>>, %arg13: memref<!tpu.dma_semaphore, #tpu.memory_space<semaphore_mem>>) attributes {dimension_semantics = [#tpu.dimension_semantics<core_parallel>, #tpu.dimension_semantics<subcore_parallel>], iteration_bounds = array<i64: 2, 16>, scalar_prefetch = 0 : i64, scratch_operands = 9 : i64, tpu.core_type = #tpu.core_type<sc_vector_subcore>, window_params = [{transform_indices = #map}, {transform_indices = #map1}, {transform_indices = #map1}]} {
    %mul3A = arith.constant 2 : i32
    %mul3A_0 = arith.muli %arg1, %mul3A : i32
    %add3A = arith.addi %mul3A_0, %arg0 : i32
    "tpu.region"() ({
      %run_scoped3A = tpu.sem_alloc : memref<!tpu.dma_semaphore, #tpu.memory_space<semaphore_mem>>
      tpu.enqueue_dma source(%arg2 : memref<16384xi32, #tpu.memory_space<hbm>>) target(%arg5 : memref<16384xi32, #tpu.memory_space<vmem>>) target_semaphore(%run_scoped3A : memref<!tpu.dma_semaphore, #tpu.memory_space<semaphore_mem>>)
      tpu.wait_dma2 semaphore(%run_scoped3A : memref<!tpu.dma_semaphore, #tpu.memory_space<semaphore_mem>>) src(%arg2 : memref<16384xi32, #tpu.memory_space<hbm>>) dst(%arg5 : memref<16384xi32, #tpu.memory_space<vmem>>)
      tpu.yield
    }) : () -> ()
    %iota3A = tpu.iota {dimensions = array<i32: 0>} : vector<16xi32>
    %mul3A_1 = arith.constant 31488 : i32
    %mul3A_2 = arith.muli %add3A, %mul3A_1 : i32
    %eq3A = arith.constant 31 : i32
    %eq3A_3 = arith.cmpi eq, %add3A, %eq3A : i32
    %add3A_4 = arith.constant 31488 : i32
    %add3A_5 = arith.addi %mul3A_2, %add3A_4 : i32
    %jit3A = arith.constant 1000001 : i32
    %select_n3A = arith.select %eq3A_3, %jit3A, %add3A_5 : i32
    %scan3A = arith.constant 0 : i32
    %scan3A_6 = arith.constant 0 : i32
    %scan3A_7 = arith.constant 1024 : i32
    %scan3A_8 = arith.addi %scan3A_6, %scan3A_7 : i32
    %scan3A_9 = arith.constant 1 : i32
    %scan3A_10 = scf.for %scan3A_159 = %scan3A_6 to %scan3A_8 step %scan3A_9 iter_args(%scan3A_160 = %scan3A) -> (i32)  : i32 {
      %mul3A_161 = arith.constant 16 : i32
      %mul3A_162 = arith.muli %scan3A_159, %mul3A_161 : i32
      %add3A_163 = vector.broadcast %mul3A_162 : i32 to vector<16xi32>
      %add3A_164 = arith.addi %add3A_163, %iota3A : vector<16xi32>
      %gather3A = tpu.vector_load_idx %arg5[%add3A_164] : memref<16384xi32, #tpu.memory_space<vmem>>[vector<16xi32>], vector<16xi32>,
      %ge3A = vector.broadcast %mul3A_2 : i32 to vector<16xi32>
      %ge3A_165 = arith.cmpi sge, %gather3A, %ge3A : vector<16xi32>
      %lt3A_166 = vector.broadcast %select_n3A : i32 to vector<16xi32>
      %lt3A_167 = arith.cmpi slt, %gather3A, %lt3A_166 : vector<16xi32>
      %and3A = arith.andi %ge3A_165, %lt3A_167 : vector<16xi1>
      %jit3A_168 = arith.constant 1 : i32
      %jit3A_169 = arith.constant 0 : i32
      %broadcast_in_dim3A_170 = vector.broadcast %jit3A_168 : i32 to vector<16xi32>
      %broadcast_in_dim3A_171 = vector.broadcast %jit3A_169 : i32 to vector<16xi32>
      %select_n3A_172 = arith.select %and3A, %broadcast_in_dim3A_170, %broadcast_in_dim3A_171 : vector<16xi1>, vector<16xi32>
      %broadcast_in_dim3A_173 = arith.constant true
      %broadcast_in_dim3A_174 = vector.broadcast %broadcast_in_dim3A_173 : i1 to vector<16xi1>
      %masked_cumsum3A = tpu.scan <sum>, %select_n3A_172 masked %broadcast_in_dim3A_174 : vector<16xi32>, vector<16xi1> -> vector<16xi32>
      %add3A_175 = vector.broadcast %scan3A_160 : i32 to vector<16xi32>
      %add3A_176 = arith.addi %add3A_175, %masked_cumsum3A : vector<16xi32>
      %sub3A_177 = arith.constant 1 : i32
      %sub3A_178 = vector.broadcast %sub3A_177 : i32 to vector<16xi32>
      %sub3A_179 = arith.subi %add3A_176, %sub3A_178 : vector<16xi32>
      %mul3A_180 = arith.constant 16 : i32
      %mul3A_181 = arith.muli %scan3A_159, %mul3A_180 : i32
      %add3A_182 = vector.broadcast %mul3A_181 : i32 to vector<16xi32>
      %add3A_183 = arith.addi %add3A_182, %iota3A : vector<16xi32>
      tpu.vector_store_idx %arg6[%sub3A_179], %add3A_183 masked %and3A : memref<16384xi32, #tpu.memory_space<vmem>>[vector<16xi32>], vector<16xi32>, vector<16xi1>
      tpu.vector_store_idx %arg7[%sub3A_179], %gather3A masked %and3A : memref<16384xi32, #tpu.memory_space<vmem>>[vector<16xi32>], vector<16xi32>, vector<16xi1>
      %slice3A = vector.extract_strided_slice %masked_cumsum3A {offsets = [15], sizes = [1], strides = [1]} : vector<16xi32> to vector<1xi32>
      %squeeze3A = vector.extract %slice3A[0] : i32 from vector<1xi32>
      %add3A_184 = arith.addi %scan3A_160, %squeeze3A : i32
      scf.yield %add3A_184 : i32
    }
    %scan3A_11 = arith.constant 1024 : i32
    %add3A_12 = vector.broadcast %scan3A_10 : i32 to vector<16xi32>
    %add3A_13 = arith.addi %add3A_12, %iota3A : vector<16xi32>
    %broadcast_in_dim3A = arith.constant -1 : i32
    %broadcast_in_dim3A_14 = vector.broadcast %broadcast_in_dim3A : i32 to vector<16xi32>
    %lt3A = arith.constant 16384 : i32
    %lt3A_15 = vector.broadcast %lt3A : i32 to vector<16xi32>
    %lt3A_16 = arith.cmpi slt, %add3A_13, %lt3A_15 : vector<16xi32>
    tpu.vector_store_idx %arg7[%add3A_13], %broadcast_in_dim3A_14 masked %lt3A_16 : memref<16384xi32, #tpu.memory_space<vmem>>[vector<16xi32>], vector<16xi32>, vector<16xi1>
    %add3A_17 = arith.constant 16 : i32
    %add3A_18 = arith.addi %scan3A_10, %add3A_17 : i32
    %sub3A = arith.constant 1 : i32
    %sub3A_19 = arith.subi %add3A_18, %sub3A : i32
    %shift_right_arithmetic3A = arith.constant 4 : i32
    %shift_right_arithmetic3A_20 = arith.shrsi %sub3A_19, %shift_right_arithmetic3A : i32
    %mul3A_21 = arith.constant 246 : i32
    %mul3A_22 = arith.muli %add3A, %mul3A_21 : i32
    %add3A_23 = arith.constant 0 : i32
    %add3A_24 = arith.addi %mul3A_22, %add3A_23 : i32
    %min3A = arith.constant 7810 : i32
    %min3A_25 = arith.minsi %add3A_24, %min3A : i32
    %mul3A_26 = arith.constant 128 : i32
    %mul3A_27 = arith.muli %min3A_25, %mul3A_26 : i32
    %multiple_of3A = tpu.assume_multiple %mul3A_27, 128 : i32
    %dma_start3A = arith.constant 0 : i32
    %dma_start3A_28 = arith.constant 0 : i32
    %dma_start3A_29 = arith.constant 0 : i32
    %dma_start3A_30 = arith.constant 0 : i32
    %dma_start3A_31 = tpu.memref_slice %arg8[%dma_start3A, %dma_start3A_28, %dma_start3A_29, %dma_start3A_30] : memref<2x8x8x256xf32, #tpu.memory_space<vmem>> -> memref<1x1x8x256xf32, #tpu.memory_space<vmem>>
    %dma_start3A_32 = tpu.memref_squeeze %dma_start3A_31 : memref<1x1x8x256xf32, #tpu.memory_space<vmem>> -> memref<8x256xf32, #tpu.memory_space<vmem>>
    %dma_start3A_33 = arith.constant 0 : i32
    %dma_start3A_34 = tpu.memref_slice %arg3[%dma_start3A_33, %multiple_of3A] : memref<64x1000001xf32, #tpu.memory_space<hbm>> -> memref<8x256xf32, #tpu.memory_space<hbm>>
    %dma_start3A_35 = arith.constant 0 : i32
    %dma_start3A_36 = arith.constant 0 : i32
    %dma_start3A_37 = tpu.memref_slice %arg8[%dma_start3A, %dma_start3A_28, %dma_start3A_35, %dma_start3A_36] : memref<2x8x8x256xf32, #tpu.memory_space<vmem>> -> memref<1x1x8x256xf32, #tpu.memory_space<vmem>>
    %dma_start3A_38 = tpu.memref_squeeze %dma_start3A_37 : memref<1x1x8x256xf32, #tpu.memory_space<vmem>> -> memref<8x256xf32, #tpu.memory_space<vmem>>
    %dma_start3A_39 = arith.constant 0 : i32
    %dma_start3A_40 = tpu.memref_slice %arg3[%dma_start3A_39, %multiple_of3A] : memref<64x1000001xf32, #tpu.memory_space<hbm>> -> memref<8x256xf32, #tpu.memory_space<hbm>>
    tpu.enqueue_dma source(%dma_start3A_40 : memref<8x256xf32, #tpu.memory_space<hbm>>) target(%dma_start3A_38 : memref<8x256xf32, #tpu.memory_space<vmem>>) target_semaphore(%arg11 : memref<!tpu.dma_semaphore, #tpu.memory_space<semaphore_mem>>)
    %dma_start3A_41 = arith.constant 0 : i32
    %dma_start3A_42 = arith.constant 1 : i32
    %dma_start3A_43 = arith.constant 0 : i32
    %dma_start3A_44 = arith.constant 0 : i32
    %dma_start3A_45 = tpu.memref_slice %arg8[%dma_start3A_41, %dma_start3A_42, %dma_start3A_43, %dma_start3A_44] : memref<2x8x8x256xf32, #tpu.memory_space<vmem>> -> memref<1x1x8x256xf32, #tpu.memory_space<vmem>>
    %dma_start3A_46 = tpu.memref_squeeze %dma_start3A_45 : memref<1x1x8x256xf32, #tpu.memory_space<vmem>> -> memref<8x256xf32, #tpu.memory_space<vmem>>
    %dma_start3A_47 = arith.constant 8 : i32
    %dma_start3A_48 = tpu.memref_slice %arg3[%dma_start3A_47, %multiple_of3A] : memref<64x1000001xf32, #tpu.memory_space<hbm>> -> memref<8x256xf32, #tpu.memory_space<hbm>>
    %dma_start3A_49 = arith.constant 0 : i32
    %dma_start3A_50 = arith.constant 0 : i32
    %dma_start3A_51 = tpu.memref_slice %arg8[%dma_start3A_41, %dma_start3A_42, %dma_start3A_49, %dma_start3A_50] : memref<2x8x8x256xf32, #tpu.memory_space<vmem>> -> memref<1x1x8x256xf32, #tpu.memory_space<vmem>>
    %dma_start3A_52 = tpu.memref_squeeze %dma_start3A_51 : memref<1x1x8x256xf32, #tpu.memory_space<vmem>> -> memref<8x256xf32, #tpu.memory_space<vmem>>
    %dma_start3A_53 = arith.constant 8 : i32
    %dma_start3A_54 = tpu.memref_slice %arg3[%dma_start3A_53, %multiple_of3A] : memref<64x1000001xf32, #tpu.memory_space<hbm>> -> memref<8x256xf32, #tpu.memory_space<hbm>>
    tpu.enqueue_dma source(%dma_start3A_54 : memref<8x256xf32, #tpu.memory_space<hbm>>) target(%dma_start3A_52 : memref<8x256xf32, #tpu.memory_space<vmem>>) target_semaphore(%arg11 : memref<!tpu.dma_semaphore, #tpu.memory_space<semaphore_mem>>)
    %dma_start3A_55 = arith.constant 0 : i32
    %dma_start3A_56 = arith.constant 2 : i32
    %dma_start3A_57 = arith.constant 0 : i32
    %dma_start3A_58 = arith.constant 0 : i32
    %dma_start3A_59 = tpu.memref_slice %arg8[%dma_start3A_55, %dma_start3A_56, %dma_start3A_57, %dma_start3A_58] : memref<2x8x8x256xf32, #tpu.memory_space<vmem>> -> memref<1x1x8x256xf32, #tpu.memory_space<vmem>>
    %dma_start3A_60 = tpu.memref_squeeze %dma_start3A_59 : memref<1x1x8x256xf32, #tpu.memory_space<vmem>> -> memref<8x256xf32, #tpu.memory_space<vmem>>
    %dma_start3A_61 = arith.constant 16 : i32
    %dma_start3A_62 = tpu.memref_slice %arg3[%dma_start3A_61, %multiple_of3A] : memref<64x1000001xf32, #tpu.memory_space<hbm>> -> memref<8x256xf32, #tpu.memory_space<hbm>>
    %dma_start3A_63 = arith.constant 0 : i32
    %dma_start3A_64 = arith.constant 0 : i32
    %dma_start3A_65 = tpu.memref_slice %arg8[%dma_start3A_55, %dma_start3A_56, %dma_start3A_63, %dma_start3A_64] : memref<2x8x8x256xf32, #tpu.memory_space<vmem>> -> memref<1x1x8x256xf32, #tpu.memory_space<vmem>>
    %dma_start3A_66 = tpu.memref_squeeze %dma_start3A_65 : memref<1x1x8x256xf32, #tpu.memory_space<vmem>> -> memref<8x256xf32, #tpu.memory_space<vmem>>
    %dma_start3A_67 = arith.constant 16 : i32
    %dma_start3A_68 = tpu.memref_slice %arg3[%dma_start3A_67, %multiple_of3A] : memref<64x1000001xf32, #tpu.memory_space<hbm>> -> memref<8x256xf32, #tpu.memory_space<hbm>>
    tpu.enqueue_dma source(%dma_start3A_68 : memref<8x256xf32, #tpu.memory_space<hbm>>) target(%dma_start3A_66 : memref<8x256xf32, #tpu.memory_space<vmem>>) target_semaphore(%arg11 : memref<!tpu.dma_semaphore, #tpu.memory_space<semaphore_mem>>)
    %dma_start3A_69 = arith.constant 0 : i32
    %dma_start3A_70 = arith.constant 3 : i32
    %dma_start3A_71 = arith.constant 0 : i32
    %dma_start3A_72 = arith.constant 0 : i32
    %dma_start3A_73 = tpu.memref_slice %arg8[%dma_start3A_69, %dma_start3A_70, %dma_start3A_71, %dma_start3A_72] : memref<2x8x8x256xf32, #tpu.memory_space<vmem>> -> memref<1x1x8x256xf32, #tpu.memory_space<vmem>>
    %dma_start3A_74 = tpu.memref_squeeze %dma_start3A_73 : memref<1x1x8x256xf32, #tpu.memory_space<vmem>> -> memref<8x256xf32, #tpu.memory_space<vmem>>
    %dma_start3A_75 = arith.constant 24 : i32
    %dma_start3A_76 = tpu.memref_slice %arg3[%dma_start3A_75, %multiple_of3A] : memref<64x1000001xf32, #tpu.memory_space<hbm>> -> memref<8x256xf32, #tpu.memory_space<hbm>>
    %dma_start3A_77 = arith.constant 0 : i32
    %dma_start3A_78 = arith.constant 0 : i32
    %dma_start3A_79 = tpu.memref_slice %arg8[%dma_start3A_69, %dma_start3A_70, %dma_start3A_77, %dma_start3A_78] : memref<2x8x8x256xf32, #tpu.memory_space<vmem>> -> memref<1x1x8x256xf32, #tpu.memory_space<vmem>>
    %dma_start3A_80 = tpu.memref_squeeze %dma_start3A_79 : memref<1x1x8x256xf32, #tpu.memory_space<vmem>> -> memref<8x256xf32, #tpu.memory_space<vmem>>
    %dma_start3A_81 = arith.constant 24 : i32
    %dma_start3A_82 = tpu.memref_slice %arg3[%dma_start3A_81, %multiple_of3A] : memref<64x1000001xf32, #tpu.memory_space<hbm>> -> memref<8x256xf32, #tpu.memory_space<hbm>>
    tpu.enqueue_dma source(%dma_start3A_82 : memref<8x256xf32, #tpu.memory_space<hbm>>) target(%dma_start3A_80 : memref<8x256xf32, #tpu.memory_space<vmem>>) target_semaphore(%arg11 : memref<!tpu.dma_semaphore, #tpu.memory_space<semaphore_mem>>)
    %dma_start3A_83 = arith.constant 0 : i32
    %dma_start3A_84 = arith.constant 4 : i32
    %dma_start3A_85 = arith.constant 0 : i32
    %dma_start3A_86 = arith.constant 0 : i32
    %dma_start3A_87 = tpu.memref_slice %arg8[%dma_start3A_83, %dma_start3A_84, %dma_start3A_85, %dma_start3A_86] : memref<2x8x8x256xf32, #tpu.memory_space<vmem>> -> memref<1x1x8x256xf32, #tpu.memory_space<vmem>>
    %dma_start3A_88 = tpu.memref_squeeze %dma_start3A_87 : memref<1x1x8x256xf32, #tpu.memory_space<vmem>> -> memref<8x256xf32, #tpu.memory_space<vmem>>
    %dma_start3A_89 = arith.constant 32 : i32
    %dma_start3A_90 = tpu.memref_slice %arg3[%dma_start3A_89, %multiple_of3A] : memref<64x1000001xf32, #tpu.memory_space<hbm>> -> memref<8x256xf32, #tpu.memory_space<hbm>>
    %dma_start3A_91 = arith.constant 0 : i32
    %dma_start3A_92 = arith.constant 0 : i32
    %dma_start3A_93 = tpu.memref_slice %arg8[%dma_start3A_83, %dma_start3A_84, %dma_start3A_91, %dma_start3A_92] : memref<2x8x8x256xf32, #tpu.memory_space<vmem>> -> memref<1x1x8x256xf32, #tpu.memory_space<vmem>>
    %dma_start3A_94 = tpu.memref_squeeze %dma_start3A_93 : memref<1x1x8x256xf32, #tpu.memory_space<vmem>> -> memref<8x256xf32, #tpu.memory_space<vmem>>
    %dma_start3A_95 = arith.constant 32 : i32
    %dma_start3A_96 = tpu.memref_slice %arg3[%dma_start3A_95, %multiple_of3A] : memref<64x1000001xf32, #tpu.memory_space<hbm>> -> memref<8x256xf32, #tpu.memory_space<hbm>>
    tpu.enqueue_dma source(%dma_start3A_96 : memref<8x256xf32, #tpu.memory_space<hbm>>) target(%dma_start3A_94 : memref<8x256xf32, #tpu.memory_space<vmem>>) target_semaphore(%arg11 : memref<!tpu.dma_semaphore, #tpu.memory_space<semaphore_mem>>)
    %dma_start3A_97 = arith.constant 0 : i32
    %dma_start3A_98 = arith.constant 5 : i32
    %dma_start3A_99 = arith.constant 0 : i32
    %dma_start3A_100 = arith.constant 0 : i32
    %dma_start3A_101 = tpu.memref_slice %arg8[%dma_start3A_97, %dma_start3A_98, %dma_start3A_99, %dma_start3A_100] : memref<2x8x8x256xf32, #tpu.memory_space<vmem>> -> memref<1x1x8x256xf32, #tpu.memory_space<vmem>>
    %dma_start3A_102 = tpu.memref_squeeze %dma_start3A_101 : memref<1x1x8x256xf32, #tpu.memory_space<vmem>> -> memref<8x256xf32, #tpu.memory_space<vmem>>
    %dma_start3A_103 = arith.constant 40 : i32
    %dma_start3A_104 = tpu.memref_slice %arg3[%dma_start3A_103, %multiple_of3A] : memref<64x1000001xf32, #tpu.memory_space<hbm>> -> memref<8x256xf32, #tpu.memory_space<hbm>>
    %dma_start3A_105 = arith.constant 0 : i32
    %dma_start3A_106 = arith.constant 0 : i32
    %dma_start3A_107 = tpu.memref_slice %arg8[%dma_start3A_97, %dma_start3A_98, %dma_start3A_105, %dma_start3A_106] : memref<2x8x8x256xf32, #tpu.memory_space<vmem>> -> memref<1x1x8x256xf32, #tpu.memory_space<vmem>>
    %dma_start3A_108 = tpu.memref_squeeze %dma_start3A_107 : memref<1x1x8x256xf32, #tpu.memory_space<vmem>> -> memref<8x256xf32, #tpu.memory_space<vmem>>
    %dma_start3A_109 = arith.constant 40 : i32
    %dma_start3A_110 = tpu.memref_slice %arg3[%dma_start3A_109, %multiple_of3A] : memref<64x1000001xf32, #tpu.memory_space<hbm>> -> memref<8x256xf32, #tpu.memory_space<hbm>>
    tpu.enqueue_dma source(%dma_start3A_110 : memref<8x256xf32, #tpu.memory_space<hbm>>) target(%dma_start3A_108 : memref<8x256xf32, #tpu.memory_space<vmem>>) target_semaphore(%arg11 : memref<!tpu.dma_semaphore, #tpu.memory_space<semaphore_mem>>)
    %dma_start3A_111 = arith.constant 0 : i32
    %dma_start3A_112 = arith.constant 6 : i32
    %dma_start3A_113 = arith.constant 0 : i32
    %dma_start3A_114 = arith.constant 0 : i32
    %dma_start3A_115 = tpu.memref_slice %arg8[%dma_start3A_111, %dma_start3A_112, %dma_start3A_113, %dma_start3A_114] : memref<2x8x8x256xf32, #tpu.memory_space<vmem>> -> memref<1x1x8x256xf32, #tpu.memory_space<vmem>>
    %dma_start3A_116 = tpu.memref_squeeze %dma_start3A_115 : memref<1x1x8x256xf32, #tpu.memory_space<vmem>> -> memref<8x256xf32, #tpu.memory_space<vmem>>
    %dma_start3A_117 = arith.constant 48 : i32
    %dma_start3A_118 = tpu.memref_slice %arg3[%dma_start3A_117, %multiple_of3A] : memref<64x1000001xf32, #tpu.memory_space<hbm>> -> memref<8x256xf32, #tpu.memory_space<hbm>>
    %dma_start3A_119 = arith.constant 0 : i32
    %dma_start3A_120 = arith.constant 0 : i32
    %dma_start3A_121 = tpu.memref_slice %arg8[%dma_start3A_111, %dma_start3A_112, %dma_start3A_119, %dma_start3A_120] : memref<2x8x8x256xf32, #tpu.memory_space<vmem>> -> memref<1x1x8x256xf32, #tpu.memory_space<vmem>>
    %dma_start3A_122 = tpu.memref_squeeze %dma_start3A_121 : memref<1x1x8x256xf32, #tpu.memory_space<vmem>> -> memref<8x256xf32, #tpu.memory_space<vmem>>
    %dma_start3A_123 = arith.constant 48 : i32
    %dma_start3A_124 = tpu.memref_slice %arg3[%dma_start3A_123, %multiple_of3A] : memref<64x1000001xf32, #tpu.memory_space<hbm>> -> memref<8x256xf32, #tpu.memory_space<hbm>>
    tpu.enqueue_dma source(%dma_start3A_124 : memref<8x256xf32, #tpu.memory_space<hbm>>) target(%dma_start3A_122 : memref<8x256xf32, #tpu.memory_space<vmem>>) target_semaphore(%arg11 : memref<!tpu.dma_semaphore, #tpu.memory_space<semaphore_mem>>)
    %dma_start3A_125 = arith.constant 0 : i32
    %dma_start3A_126 = arith.constant 7 : i32
    %dma_start3A_127 = arith.constant 0 : i32
    %dma_start3A_128 = arith.constant 0 : i32
    %dma_start3A_129 = tpu.memref_slice %arg8[%dma_start3A_125, %dma_start3A_126, %dma_start3A_127, %dma_start3A_128] : memref<2x8x8x256xf32, #tpu.memory_space<vmem>> -> memref<1x1x8x256xf32, #tpu.memory_space<vmem>>
    %dma_start3A_130 = tpu.memref_squeeze %dma_start3A_129 : memref<1x1x8x256xf32, #tpu.memory_space<vmem>> -> memref<8x256xf32, #tpu.memory_space<vmem>>
    %dma_start3A_131 = arith.constant 56 : i32
    %dma_start3A_132 = tpu.memref_slice %arg3[%dma_start3A_131, %multiple_of3A] : memref<64x1000001xf32, #tpu.memory_space<hbm>> -> memref<8x256xf32, #tpu.memory_space<hbm>>
    %dma_start3A_133 = arith.constant 0 : i32
    %dma_start3A_134 = arith.constant 0 : i32
    %dma_start3A_135 = tpu.memref_slice %arg8[%dma_start3A_125, %dma_start3A_126, %dma_start3A_133, %dma_start3A_134] : memref<2x8x8x256xf32, #tpu.memory_space<vmem>> -> memref<1x1x8x256xf32, #tpu.memory_space<vmem>>
    %dma_start3A_136 = tpu.memref_squeeze %dma_start3A_135 : memref<1x1x8x256xf32, #tpu.memory_space<vmem>> -> memref<8x256xf32, #tpu.memory_space<vmem>>
    %dma_start3A_137 = arith.constant 56 : i32
    %dma_start3A_138 = tpu.memref_slice %arg3[%dma_start3A_137, %multiple_of3A] : memref<64x1000001xf32, #tpu.memory_space<hbm>> -> memref<8x256xf32, #tpu.memory_space<hbm>>
    tpu.enqueue_dma source(%dma_start3A_138 : memref<8x256xf32, #tpu.memory_space<hbm>>) target(%dma_start3A_136 : memref<8x256xf32, #tpu.memory_space<vmem>>) target_semaphore(%arg11 : memref<!tpu.dma_semaphore, #tpu.memory_space<semaphore_mem>>)
    %scan3A_139 = arith.constant 0 : i32
    %scan3A_140 = arith.constant 0 : i32
    %scan3A_141 = arith.constant 123 : i32
    %scan3A_142 = arith.addi %scan3A_140, %scan3A_141 : i32
    %scan3A_143 = arith.constant 1 : i32
    %scan3A_144 = scf.for %scan3A_159 = %scan3A_140 to %scan3A_142 step %scan3A_143 iter_args(%scan3A_160 = %scan3A_139) -> (i32)  : i32 {
      %lt3A_161 = arith.constant 122 : i32
      %lt3A_162 = arith.cmpi slt, %scan3A_159, %lt3A_161 : i32
      %jit3A_163 = arith.constant 2 : i32
      %eq3A_164 = arith.constant 0 : i32
      %eq3A_165 = arith.cmpi eq, %jit3A_163, %eq3A_164 : i32
      %jit3A_166 = arith.constant 1 : i32
      %select_n3A_167 = arith.select %eq3A_165, %jit3A_166, %jit3A_163 : i32
      %rem3A = arith.remsi %scan3A_159, %select_n3A_167 : i32
      %ne3A = arith.constant 0 : i32
      %ne3A_168 = arith.cmpi ne, %rem3A, %ne3A : i32
      %lt3A_169 = arith.constant 0 : i32
      %lt3A_170 = arith.cmpi slt, %rem3A, %lt3A_169 : i32
      %lt3A_171 = arith.constant 0 : i32
      %lt3A_172 = arith.cmpi slt, %select_n3A_167, %lt3A_171 : i32
      %ne3A_173 = arith.xori %lt3A_170, %lt3A_172 : i1
      %and3A = arith.andi %ne3A_173, %ne3A_168 : i1
      %add3A_174 = arith.addi %rem3A, %select_n3A_167 : i32
      %select_n3A_175 = arith.select %and3A, %add3A_174, %rem3A : i32
      %eq3A_176 = arith.constant 0 : i32
      %eq3A_177 = arith.cmpi eq, %select_n3A_175, %eq3A_176 : i32
      %and3A_178 = arith.andi %lt3A_162, %eq3A_177 : i1
      %convert_element_type3A_179 = arith.extui %and3A_178 : i1 to i32
      %cond3A_180 = arith.constant 0 : i32
      %cond3A_181 = arith.cmpi ne, %convert_element_type3A_179, %cond3A_180 : i32
      scf.if %cond3A_181 {
        %add3A_268 = arith.constant 1 : i32
        %add3A_269 = arith.addi %scan3A_159, %add3A_268 : i32
        %mul3A_270 = arith.constant 246 : i32
        %mul3A_271 = arith.muli %add3A, %mul3A_270 : i32
        %mul3A_272 = arith.constant 2 : i32
        %mul3A_273 = arith.muli %mul3A_272, %add3A_269 : i32
        %add3A_274 = arith.addi %mul3A_271, %mul3A_273 : i32
        %min3A_275 = arith.constant 7810 : i32
        %min3A_276 = arith.minsi %add3A_274, %min3A_275 : i32
        %mul3A_277 = arith.constant 128 : i32
        %mul3A_278 = arith.muli %min3A_276, %mul3A_277 : i32
        %multiple_of3A_279 = tpu.assume_multiple %mul3A_278, 128 : i32
        %dma_start3A_280 = arith.constant 1 : i32
        %dma_start3A_281 = arith.constant 0 : i32
        %dma_start3A_282 = arith.constant 0 : i32
        %dma_start3A_283 = arith.constant 0 : i32
        %dma_start3A_284 = tpu.memref_slice %arg8[%dma_start3A_280, %dma_start3A_281, %dma_start3A_282, %dma_start3A_283] : memref<2x8x8x256xf32, #tpu.memory_space<vmem>> -> memref<1x1x8x256xf32, #tpu.memory_space<vmem>>
        %dma_start3A_285 = tpu.memref_squeeze %dma_start3A_284 : memref<1x1x8x256xf32, #tpu.memory_space<vmem>> -> memref<8x256xf32, #tpu.memory_space<vmem>>
        %dma_start3A_286 = arith.constant 0 : i32
        %dma_start3A_287 = tpu.memref_slice %arg3[%dma_start3A_286, %multiple_of3A_279] : memref<64x1000001xf32, #tpu.memory_space<hbm>> -> memref<8x256xf32, #tpu.memory_space<hbm>>
        %dma_start3A_288 = arith.constant 0 : i32
        %dma_start3A_289 = arith.constant 0 : i32
        %dma_start3A_290 = tpu.memref_slice %arg8[%dma_start3A_280, %dma_start3A_281, %dma_start3A_288, %dma_start3A_289] : memref<2x8x8x256xf32, #tpu.memory_space<vmem>> -> memref<1x1x8x256xf32, #tpu.memory_space<vmem>>
        %dma_start3A_291 = tpu.memref_squeeze %dma_start3A_290 : memref<1x1x8x256xf32, #tpu.memory_space<vmem>> -> memref<8x256xf32, #tpu.memory_space<vmem>>
        %dma_start3A_292 = arith.constant 0 : i32
        %dma_start3A_293 = tpu.memref_slice %arg3[%dma_start3A_292, %multiple_of3A_279] : memref<64x1000001xf32, #tpu.memory_space<hbm>> -> memref<8x256xf32, #tpu.memory_space<hbm>>
        tpu.enqueue_dma source(%dma_start3A_293 : memref<8x256xf32, #tpu.memory_space<hbm>>) target(%dma_start3A_291 : memref<8x256xf32, #tpu.memory_space<vmem>>) target_semaphore(%arg12 : memref<!tpu.dma_semaphore, #tpu.memory_space<semaphore_mem>>)
        %dma_start3A_294 = arith.constant 1 : i32
        %dma_start3A_295 = arith.constant 1 : i32
        %dma_start3A_296 = arith.constant 0 : i32
        %dma_start3A_297 = arith.constant 0 : i32
        %dma_start3A_298 = tpu.memref_slice %arg8[%dma_start3A_294, %dma_start3A_295, %dma_start3A_296, %dma_start3A_297] : memref<2x8x8x256xf32, #tpu.memory_space<vmem>> -> memref<1x1x8x256xf32, #tpu.memory_space<vmem>>
        %dma_start3A_299 = tpu.memref_squeeze %dma_start3A_298 : memref<1x1x8x256xf32, #tpu.memory_space<vmem>> -> memref<8x256xf32, #tpu.memory_space<vmem>>
        %dma_start3A_300 = arith.constant 8 : i32
        %dma_start3A_301 = tpu.memref_slice %arg3[%dma_start3A_300, %multiple_of3A_279] : memref<64x1000001xf32, #tpu.memory_space<hbm>> -> memref<8x256xf32, #tpu.memory_space<hbm>>
        %dma_start3A_302 = arith.constant 0 : i32
        %dma_start3A_303 = arith.constant 0 : i32
        %dma_start3A_304 = tpu.memref_slice %arg8[%dma_start3A_294, %dma_start3A_295, %dma_start3A_302, %dma_start3A_303] : memref<2x8x8x256xf32, #tpu.memory_space<vmem>> -> memref<1x1x8x256xf32, #tpu.memory_space<vmem>>
        %dma_start3A_305 = tpu.memref_squeeze %dma_start3A_304 : memref<1x1x8x256xf32, #tpu.memory_space<vmem>> -> memref<8x256xf32, #tpu.memory_space<vmem>>
        %dma_start3A_306 = arith.constant 8 : i32
        %dma_start3A_307 = tpu.memref_slice %arg3[%dma_start3A_306, %multiple_of3A_279] : memref<64x1000001xf32, #tpu.memory_space<hbm>> -> memref<8x256xf32, #tpu.memory_space<hbm>>
        tpu.enqueue_dma source(%dma_start3A_307 : memref<8x256xf32, #tpu.memory_space<hbm>>) target(%dma_start3A_305 : memref<8x256xf32, #tpu.memory_space<vmem>>) target_semaphore(%arg12 : memref<!tpu.dma_semaphore, #tpu.memory_space<semaphore_mem>>)
        %dma_start3A_308 = arith.constant 1 : i32
        %dma_start3A_309 = arith.constant 2 : i32
        %dma_start3A_310 = arith.constant 0 : i32
        %dma_start3A_311 = arith.constant 0 : i32
        %dma_start3A_312 = tpu.memref_slice %arg8[%dma_start3A_308, %dma_start3A_309, %dma_start3A_310, %dma_start3A_311] : memref<2x8x8x256xf32, #tpu.memory_space<vmem>> -> memref<1x1x8x256xf32, #tpu.memory_space<vmem>>
        %dma_start3A_313 = tpu.memref_squeeze %dma_start3A_312 : memref<1x1x8x256xf32, #tpu.memory_space<vmem>> -> memref<8x256xf32, #tpu.memory_space<vmem>>
        %dma_start3A_314 = arith.constant 16 : i32
        %dma_start3A_315 = tpu.memref_slice %arg3[%dma_start3A_314, %multiple_of3A_279] : memref<64x1000001xf32, #tpu.memory_space<hbm>> -> memref<8x256xf32, #tpu.memory_space<hbm>>
        %dma_start3A_316 = arith.constant 0 : i32
        %dma_start3A_317 = arith.constant 0 : i32
        %dma_start3A_318 = tpu.memref_slice %arg8[%dma_start3A_308, %dma_start3A_309, %dma_start3A_316, %dma_start3A_317] : memref<2x8x8x256xf32, #tpu.memory_space<vmem>> -> memref<1x1x8x256xf32, #tpu.memory_space<vmem>>
        %dma_start3A_319 = tpu.memref_squeeze %dma_start3A_318 : memref<1x1x8x256xf32, #tpu.memory_space<vmem>> -> memref<8x256xf32, #tpu.memory_space<vmem>>
        %dma_start3A_320 = arith.constant 16 : i32
        %dma_start3A_321 = tpu.memref_slice %arg3[%dma_start3A_320, %multiple_of3A_279] : memref<64x1000001xf32, #tpu.memory_space<hbm>> -> memref<8x256xf32, #tpu.memory_space<hbm>>
        tpu.enqueue_dma source(%dma_start3A_321 : memref<8x256xf32, #tpu.memory_space<hbm>>) target(%dma_start3A_319 : memref<8x256xf32, #tpu.memory_space<vmem>>) target_semaphore(%arg12 : memref<!tpu.dma_semaphore, #tpu.memory_space<semaphore_mem>>)
        %dma_start3A_322 = arith.constant 1 : i32
        %dma_start3A_323 = arith.constant 3 : i32
        %dma_start3A_324 = arith.constant 0 : i32
        %dma_start3A_325 = arith.constant 0 : i32
        %dma_start3A_326 = tpu.memref_slice %arg8[%dma_start3A_322, %dma_start3A_323, %dma_start3A_324, %dma_start3A_325] : memref<2x8x8x256xf32, #tpu.memory_space<vmem>> -> memref<1x1x8x256xf32, #tpu.memory_space<vmem>>
        %dma_start3A_327 = tpu.memref_squeeze %dma_start3A_326 : memref<1x1x8x256xf32, #tpu.memory_space<vmem>> -> memref<8x256xf32, #tpu.memory_space<vmem>>
        %dma_start3A_328 = arith.constant 24 : i32
        %dma_start3A_329 = tpu.memref_slice %arg3[%dma_start3A_328, %multiple_of3A_279] : memref<64x1000001xf32, #tpu.memory_space<hbm>> -> memref<8x256xf32, #tpu.memory_space<hbm>>
        %dma_start3A_330 = arith.constant 0 : i32
        %dma_start3A_331 = arith.constant 0 : i32
        %dma_start3A_332 = tpu.memref_slice %arg8[%dma_start3A_322, %dma_start3A_323, %dma_start3A_330, %dma_start3A_331] : memref<2x8x8x256xf32, #tpu.memory_space<vmem>> -> memref<1x1x8x256xf32, #tpu.memory_space<vmem>>
        %dma_start3A_333 = tpu.memref_squeeze %dma_start3A_332 : memref<1x1x8x256xf32, #tpu.memory_space<vmem>> -> memref<8x256xf32, #tpu.memory_space<vmem>>
        %dma_start3A_334 = arith.constant 24 : i32
        %dma_start3A_335 = tpu.memref_slice %arg3[%dma_start3A_334, %multiple_of3A_279] : memref<64x1000001xf32, #tpu.memory_space<hbm>> -> memref<8x256xf32, #tpu.memory_space<hbm>>
        tpu.enqueue_dma source(%dma_start3A_335 : memref<8x256xf32, #tpu.memory_space<hbm>>) target(%dma_start3A_333 : memref<8x256xf32, #tpu.memory_space<vmem>>) target_semaphore(%arg12 : memref<!tpu.dma_semaphore, #tpu.memory_space<semaphore_mem>>)
        %dma_start3A_336 = arith.constant 1 : i32
        %dma_start3A_337 = arith.constant 4 : i32
        %dma_start3A_338 = arith.constant 0 : i32
        %dma_start3A_339 = arith.constant 0 : i32
        %dma_start3A_340 = tpu.memref_slice %arg8[%dma_start3A_336, %dma_start3A_337, %dma_start3A_338, %dma_start3A_339] : memref<2x8x8x256xf32, #tpu.memory_space<vmem>> -> memref<1x1x8x256xf32, #tpu.memory_space<vmem>>
        %dma_start3A_341 = tpu.memref_squeeze %dma_start3A_340 : memref<1x1x8x256xf32, #tpu.memory_space<vmem>> -> memref<8x256xf32, #tpu.memory_space<vmem>>
        %dma_start3A_342 = arith.constant 32 : i32
        %dma_start3A_343 = tpu.memref_slice %arg3[%dma_start3A_342, %multiple_of3A_279] : memref<64x1000001xf32, #tpu.memory_space<hbm>> -> memref<8x256xf32, #tpu.memory_space<hbm>>
        %dma_start3A_344 = arith.constant 0 : i32
        %dma_start3A_345 = arith.constant 0 : i32
        %dma_start3A_346 = tpu.memref_slice %arg8[%dma_start3A_336, %dma_start3A_337, %dma_start3A_344, %dma_start3A_345] : memref<2x8x8x256xf32, #tpu.memory_space<vmem>> -> memref<1x1x8x256xf32, #tpu.memory_space<vmem>>
        %dma_start3A_347 = tpu.memref_squeeze %dma_start3A_346 : memref<1x1x8x256xf32, #tpu.memory_space<vmem>> -> memref<8x256xf32, #tpu.memory_space<vmem>>
        %dma_start3A_348 = arith.constant 32 : i32
        %dma_start3A_349 = tpu.memref_slice %arg3[%dma_start3A_348, %multiple_of3A_279] : memref<64x1000001xf32, #tpu.memory_space<hbm>> -> memref<8x256xf32, #tpu.memory_space<hbm>>
        tpu.enqueue_dma source(%dma_start3A_349 : memref<8x256xf32, #tpu.memory_space<hbm>>) target(%dma_start3A_347 : memref<8x256xf32, #tpu.memory_space<vmem>>) target_semaphore(%arg12 : memref<!tpu.dma_semaphore, #tpu.memory_space<semaphore_mem>>)
        %dma_start3A_350 = arith.constant 1 : i32
        %dma_start3A_351 = arith.constant 5 : i32
        %dma_start3A_352 = arith.constant 0 : i32
        %dma_start3A_353 = arith.constant 0 : i32
        %dma_start3A_354 = tpu.memref_slice %arg8[%dma_start3A_350, %dma_start3A_351, %dma_start3A_352, %dma_start3A_353] : memref<2x8x8x256xf32, #tpu.memory_space<vmem>> -> memref<1x1x8x256xf32, #tpu.memory_space<vmem>>
        %dma_start3A_355 = tpu.memref_squeeze %dma_start3A_354 : memref<1x1x8x256xf32, #tpu.memory_space<vmem>> -> memref<8x256xf32, #tpu.memory_space<vmem>>
        %dma_start3A_356 = arith.constant 40 : i32
        %dma_start3A_357 = tpu.memref_slice %arg3[%dma_start3A_356, %multiple_of3A_279] : memref<64x1000001xf32, #tpu.memory_space<hbm>> -> memref<8x256xf32, #tpu.memory_space<hbm>>
        %dma_start3A_358 = arith.constant 0 : i32
        %dma_start3A_359 = arith.constant 0 : i32
        %dma_start3A_360 = tpu.memref_slice %arg8[%dma_start3A_350, %dma_start3A_351, %dma_start3A_358, %dma_start3A_359] : memref<2x8x8x256xf32, #tpu.memory_space<vmem>> -> memref<1x1x8x256xf32, #tpu.memory_space<vmem>>
        %dma_start3A_361 = tpu.memref_squeeze %dma_start3A_360 : memref<1x1x8x256xf32, #tpu.memory_space<vmem>> -> memref<8x256xf32, #tpu.memory_space<vmem>>
        %dma_start3A_362 = arith.constant 40 : i32
        %dma_start3A_363 = tpu.memref_slice %arg3[%dma_start3A_362, %multiple_of3A_279] : memref<64x1000001xf32, #tpu.memory_space<hbm>> -> memref<8x256xf32, #tpu.memory_space<hbm>>
        tpu.enqueue_dma source(%dma_start3A_363 : memref<8x256xf32, #tpu.memory_space<hbm>>) target(%dma_start3A_361 : memref<8x256xf32, #tpu.memory_space<vmem>>) target_semaphore(%arg12 : memref<!tpu.dma_semaphore, #tpu.memory_space<semaphore_mem>>)
        %dma_start3A_364 = arith.constant 1 : i32
        %dma_start3A_365 = arith.constant 6 : i32
        %dma_start3A_366 = arith.constant 0 : i32
        %dma_start3A_367 = arith.constant 0 : i32
        %dma_start3A_368 = tpu.memref_slice %arg8[%dma_start3A_364, %dma_start3A_365, %dma_start3A_366, %dma_start3A_367] : memref<2x8x8x256xf32, #tpu.memory_space<vmem>> -> memref<1x1x8x256xf32, #tpu.memory_space<vmem>>
        %dma_start3A_369 = tpu.memref_squeeze %dma_start3A_368 : memref<1x1x8x256xf32, #tpu.memory_space<vmem>> -> memref<8x256xf32, #tpu.memory_space<vmem>>
        %dma_start3A_370 = arith.constant 48 : i32
        %dma_start3A_371 = tpu.memref_slice %arg3[%dma_start3A_370, %multiple_of3A_279] : memref<64x1000001xf32, #tpu.memory_space<hbm>> -> memref<8x256xf32, #tpu.memory_space<hbm>>
        %dma_start3A_372 = arith.constant 0 : i32
        %dma_start3A_373 = arith.constant 0 : i32
        %dma_start3A_374 = tpu.memref_slice %arg8[%dma_start3A_364, %dma_start3A_365, %dma_start3A_372, %dma_start3A_373] : memref<2x8x8x256xf32, #tpu.memory_space<vmem>> -> memref<1x1x8x256xf32, #tpu.memory_space<vmem>>
        %dma_start3A_375 = tpu.memref_squeeze %dma_start3A_374 : memref<1x1x8x256xf32, #tpu.memory_space<vmem>> -> memref<8x256xf32, #tpu.memory_space<vmem>>
        %dma_start3A_376 = arith.constant 48 : i32
        %dma_start3A_377 = tpu.memref_slice %arg3[%dma_start3A_376, %multiple_of3A_279] : memref<64x1000001xf32, #tpu.memory_space<hbm>> -> memref<8x256xf32, #tpu.memory_space<hbm>>
        tpu.enqueue_dma source(%dma_start3A_377 : memref<8x256xf32, #tpu.memory_space<hbm>>) target(%dma_start3A_375 : memref<8x256xf32, #tpu.memory_space<vmem>>) target_semaphore(%arg12 : memref<!tpu.dma_semaphore, #tpu.memory_space<semaphore_mem>>)
        %dma_start3A_378 = arith.constant 1 : i32
        %dma_start3A_379 = arith.constant 7 : i32
        %dma_start3A_380 = arith.constant 0 : i32
        %dma_start3A_381 = arith.constant 0 : i32
        %dma_start3A_382 = tpu.memref_slice %arg8[%dma_start3A_378, %dma_start3A_379, %dma_start3A_380, %dma_start3A_381] : memref<2x8x8x256xf32, #tpu.memory_space<vmem>> -> memref<1x1x8x256xf32, #tpu.memory_space<vmem>>
        %dma_start3A_383 = tpu.memref_squeeze %dma_start3A_382 : memref<1x1x8x256xf32, #tpu.memory_space<vmem>> -> memref<8x256xf32, #tpu.memory_space<vmem>>
        %dma_start3A_384 = arith.constant 56 : i32
        %dma_start3A_385 = tpu.memref_slice %arg3[%dma_start3A_384, %multiple_of3A_279] : memref<64x1000001xf32, #tpu.memory_space<hbm>> -> memref<8x256xf32, #tpu.memory_space<hbm>>
        %dma_start3A_386 = arith.constant 0 : i32
        %dma_start3A_387 = arith.constant 0 : i32
        %dma_start3A_388 = tpu.memref_slice %arg8[%dma_start3A_378, %dma_start3A_379, %dma_start3A_386, %dma_start3A_387] : memref<2x8x8x256xf32, #tpu.memory_space<vmem>> -> memref<1x1x8x256xf32, #tpu.memory_space<vmem>>
        %dma_start3A_389 = tpu.memref_squeeze %dma_start3A_388 : memref<1x1x8x256xf32, #tpu.memory_space<vmem>> -> memref<8x256xf32, #tpu.memory_space<vmem>>
        %dma_start3A_390 = arith.constant 56 : i32
        %dma_start3A_391 = tpu.memref_slice %arg3[%dma_start3A_390, %multiple_of3A_279] : memref<64x1000001xf32, #tpu.memory_space<hbm>> -> memref<8x256xf32, #tpu.memory_space<hbm>>
        tpu.enqueue_dma source(%dma_start3A_391 : memref<8x256xf32, #tpu.memory_space<hbm>>) target(%dma_start3A_389 : memref<8x256xf32, #tpu.memory_space<vmem>>) target_semaphore(%arg12 : memref<!tpu.dma_semaphore, #tpu.memory_space<semaphore_mem>>)
      } else {
      }
      %lt3A_182 = arith.constant 122 : i32
      %lt3A_183 = arith.cmpi slt, %scan3A_159, %lt3A_182 : i32
      %jit3A_184 = arith.constant 2 : i32
      %eq3A_185 = arith.constant 0 : i32
      %eq3A_186 = arith.cmpi eq, %jit3A_184, %eq3A_185 : i32
      %jit3A_187 = arith.constant 1 : i32
      %select_n3A_188 = arith.select %eq3A_186, %jit3A_187, %jit3A_184 : i32
      %rem3A_189 = arith.remsi %scan3A_159, %select_n3A_188 : i32
      %ne3A_190 = arith.constant 0 : i32
      %ne3A_191 = arith.cmpi ne, %rem3A_189, %ne3A_190 : i32
      %lt3A_192 = arith.constant 0 : i32
      %lt3A_193 = arith.cmpi slt, %rem3A_189, %lt3A_192 : i32
      %lt3A_194 = arith.constant 0 : i32
      %lt3A_195 = arith.cmpi slt, %select_n3A_188, %lt3A_194 : i32
      %ne3A_196 = arith.xori %lt3A_193, %lt3A_195 : i1
      %and3A_197 = arith.andi %ne3A_196, %ne3A_191 : i1
      %add3A_198 = arith.addi %rem3A_189, %select_n3A_188 : i32
      %select_n3A_199 = arith.select %and3A_197, %add3A_198, %rem3A_189 : i32
      %eq3A_200 = arith.constant 1 : i32
      %eq3A_201 = arith.cmpi eq, %select_n3A_199, %eq3A_200 : i32
      %and3A_202 = arith.andi %lt3A_183, %eq3A_201 : i1
      %convert_element_type3A_203 = arith.extui %and3A_202 : i1 to i32
      %cond3A_204 = arith.constant 0 : i32
      %cond3A_205 = arith.cmpi ne, %convert_element_type3A_203, %cond3A_204 : i32
      scf.if %cond3A_205 {
        %add3A_268 = arith.constant 1 : i32
        %add3A_269 = arith.addi %scan3A_159, %add3A_268 : i32
        %mul3A_270 = arith.constant 246 : i32
        %mul3A_271 = arith.muli %add3A, %mul3A_270 : i32
        %mul3A_272 = arith.constant 2 : i32
        %mul3A_273 = arith.muli %mul3A_272, %add3A_269 : i32
        %add3A_274 = arith.addi %mul3A_271, %mul3A_273 : i32
        %min3A_275 = arith.constant 7810 : i32
        %min3A_276 = arith.minsi %add3A_274, %min3A_275 : i32
        %mul3A_277 = arith.constant 128 : i32
        %mul3A_278 = arith.muli %min3A_276, %mul3A_277 : i32
        %multiple_of3A_279 = tpu.assume_multiple %mul3A_278, 128 : i32
        %dma_start3A_280 = arith.constant 0 : i32
        %dma_start3A_281 = arith.constant 0 : i32
        %dma_start3A_282 = arith.constant 0 : i32
        %dma_start3A_283 = arith.constant 0 : i32
        %dma_start3A_284 = tpu.memref_slice %arg8[%dma_start3A_280, %dma_start3A_281, %dma_start3A_282, %dma_start3A_283] : memref<2x8x8x256xf32, #tpu.memory_space<vmem>> -> memref<1x1x8x256xf32, #tpu.memory_space<vmem>>
        %dma_start3A_285 = tpu.memref_squeeze %dma_start3A_284 : memref<1x1x8x256xf32, #tpu.memory_space<vmem>> -> memref<8x256xf32, #tpu.memory_space<vmem>>
        %dma_start3A_286 = arith.constant 0 : i32
        %dma_start3A_287 = tpu.memref_slice %arg3[%dma_start3A_286, %multiple_of3A_279] : memref<64x1000001xf32, #tpu.memory_space<hbm>> -> memref<8x256xf32, #tpu.memory_space<hbm>>
        %dma_start3A_288 = arith.constant 0 : i32
        %dma_start3A_289 = arith.constant 0 : i32
        %dma_start3A_290 = tpu.memref_slice %arg8[%dma_start3A_280, %dma_start3A_281, %dma_start3A_288, %dma_start3A_289] : memref<2x8x8x256xf32, #tpu.memory_space<vmem>> -> memref<1x1x8x256xf32, #tpu.memory_space<vmem>>
        %dma_start3A_291 = tpu.memref_squeeze %dma_start3A_290 : memref<1x1x8x256xf32, #tpu.memory_space<vmem>> -> memref<8x256xf32, #tpu.memory_space<vmem>>
        %dma_start3A_292 = arith.constant 0 : i32
        %dma_start3A_293 = tpu.memref_slice %arg3[%dma_start3A_292, %multiple_of3A_279] : memref<64x1000001xf32, #tpu.memory_space<hbm>> -> memref<8x256xf32, #tpu.memory_space<hbm>>
        tpu.enqueue_dma source(%dma_start3A_293 : memref<8x256xf32, #tpu.memory_space<hbm>>) target(%dma_start3A_291 : memref<8x256xf32, #tpu.memory_space<vmem>>) target_semaphore(%arg11 : memref<!tpu.dma_semaphore, #tpu.memory_space<semaphore_mem>>)
        %dma_start3A_294 = arith.constant 0 : i32
        %dma_start3A_295 = arith.constant 1 : i32
        %dma_start3A_296 = arith.constant 0 : i32
        %dma_start3A_297 = arith.constant 0 : i32
        %dma_start3A_298 = tpu.memref_slice %arg8[%dma_start3A_294, %dma_start3A_295, %dma_start3A_296, %dma_start3A_297] : memref<2x8x8x256xf32, #tpu.memory_space<vmem>> -> memref<1x1x8x256xf32, #tpu.memory_space<vmem>>
        %dma_start3A_299 = tpu.memref_squeeze %dma_start3A_298 : memref<1x1x8x256xf32, #tpu.memory_space<vmem>> -> memref<8x256xf32, #tpu.memory_space<vmem>>
        %dma_start3A_300 = arith.constant 8 : i32
        %dma_start3A_301 = tpu.memref_slice %arg3[%dma_start3A_300, %multiple_of3A_279] : memref<64x1000001xf32, #tpu.memory_space<hbm>> -> memref<8x256xf32, #tpu.memory_space<hbm>>
        %dma_start3A_302 = arith.constant 0 : i32
        %dma_start3A_303 = arith.constant 0 : i32
        %dma_start3A_304 = tpu.memref_slice %arg8[%dma_start3A_294, %dma_start3A_295, %dma_start3A_302, %dma_start3A_303] : memref<2x8x8x256xf32, #tpu.memory_space<vmem>> -> memref<1x1x8x256xf32, #tpu.memory_space<vmem>>
        %dma_start3A_305 = tpu.memref_squeeze %dma_start3A_304 : memref<1x1x8x256xf32, #tpu.memory_space<vmem>> -> memref<8x256xf32, #tpu.memory_space<vmem>>
        %dma_start3A_306 = arith.constant 8 : i32
        %dma_start3A_307 = tpu.memref_slice %arg3[%dma_start3A_306, %multiple_of3A_279] : memref<64x1000001xf32, #tpu.memory_space<hbm>> -> memref<8x256xf32, #tpu.memory_space<hbm>>
        tpu.enqueue_dma source(%dma_start3A_307 : memref<8x256xf32, #tpu.memory_space<hbm>>) target(%dma_start3A_305 : memref<8x256xf32, #tpu.memory_space<vmem>>) target_semaphore(%arg11 : memref<!tpu.dma_semaphore, #tpu.memory_space<semaphore_mem>>)
        %dma_start3A_308 = arith.constant 0 : i32
        %dma_start3A_309 = arith.constant 2 : i32
        %dma_start3A_310 = arith.constant 0 : i32
        %dma_start3A_311 = arith.constant 0 : i32
        %dma_start3A_312 = tpu.memref_slice %arg8[%dma_start3A_308, %dma_start3A_309, %dma_start3A_310, %dma_start3A_311] : memref<2x8x8x256xf32, #tpu.memory_space<vmem>> -> memref<1x1x8x256xf32, #tpu.memory_space<vmem>>
        %dma_start3A_313 = tpu.memref_squeeze %dma_start3A_312 : memref<1x1x8x256xf32, #tpu.memory_space<vmem>> -> memref<8x256xf32, #tpu.memory_space<vmem>>
        %dma_start3A_314 = arith.constant 16 : i32
        %dma_start3A_315 = tpu.memref_slice %arg3[%dma_start3A_314, %multiple_of3A_279] : memref<64x1000001xf32, #tpu.memory_space<hbm>> -> memref<8x256xf32, #tpu.memory_space<hbm>>
        %dma_start3A_316 = arith.constant 0 : i32
        %dma_start3A_317 = arith.constant 0 : i32
        %dma_start3A_318 = tpu.memref_slice %arg8[%dma_start3A_308, %dma_start3A_309, %dma_start3A_316, %dma_start3A_317] : memref<2x8x8x256xf32, #tpu.memory_space<vmem>> -> memref<1x1x8x256xf32, #tpu.memory_space<vmem>>
        %dma_start3A_319 = tpu.memref_squeeze %dma_start3A_318 : memref<1x1x8x256xf32, #tpu.memory_space<vmem>> -> memref<8x256xf32, #tpu.memory_space<vmem>>
        %dma_start3A_320 = arith.constant 16 : i32
        %dma_start3A_321 = tpu.memref_slice %arg3[%dma_start3A_320, %multiple_of3A_279] : memref<64x1000001xf32, #tpu.memory_space<hbm>> -> memref<8x256xf32, #tpu.memory_space<hbm>>
        tpu.enqueue_dma source(%dma_start3A_321 : memref<8x256xf32, #tpu.memory_space<hbm>>) target(%dma_start3A_319 : memref<8x256xf32, #tpu.memory_space<vmem>>) target_semaphore(%arg11 : memref<!tpu.dma_semaphore, #tpu.memory_space<semaphore_mem>>)
        %dma_start3A_322 = arith.constant 0 : i32
        %dma_start3A_323 = arith.constant 3 : i32
        %dma_start3A_324 = arith.constant 0 : i32
        %dma_start3A_325 = arith.constant 0 : i32
        %dma_start3A_326 = tpu.memref_slice %arg8[%dma_start3A_322, %dma_start3A_323, %dma_start3A_324, %dma_start3A_325] : memref<2x8x8x256xf32, #tpu.memory_space<vmem>> -> memref<1x1x8x256xf32, #tpu.memory_space<vmem>>
        %dma_start3A_327 = tpu.memref_squeeze %dma_start3A_326 : memref<1x1x8x256xf32, #tpu.memory_space<vmem>> -> memref<8x256xf32, #tpu.memory_space<vmem>>
        %dma_start3A_328 = arith.constant 24 : i32
        %dma_start3A_329 = tpu.memref_slice %arg3[%dma_start3A_328, %multiple_of3A_279] : memref<64x1000001xf32, #tpu.memory_space<hbm>> -> memref<8x256xf32, #tpu.memory_space<hbm>>
        %dma_start3A_330 = arith.constant 0 : i32
        %dma_start3A_331 = arith.constant 0 : i32
        %dma_start3A_332 = tpu.memref_slice %arg8[%dma_start3A_322, %dma_start3A_323, %dma_start3A_330, %dma_start3A_331] : memref<2x8x8x256xf32, #tpu.memory_space<vmem>> -> memref<1x1x8x256xf32, #tpu.memory_space<vmem>>
        %dma_start3A_333 = tpu.memref_squeeze %dma_start3A_332 : memref<1x1x8x256xf32, #tpu.memory_space<vmem>> -> memref<8x256xf32, #tpu.memory_space<vmem>>
        %dma_start3A_334 = arith.constant 24 : i32
        %dma_start3A_335 = tpu.memref_slice %arg3[%dma_start3A_334, %multiple_of3A_279] : memref<64x1000001xf32, #tpu.memory_space<hbm>> -> memref<8x256xf32, #tpu.memory_space<hbm>>
        tpu.enqueue_dma source(%dma_start3A_335 : memref<8x256xf32, #tpu.memory_space<hbm>>) target(%dma_start3A_333 : memref<8x256xf32, #tpu.memory_space<vmem>>) target_semaphore(%arg11 : memref<!tpu.dma_semaphore, #tpu.memory_space<semaphore_mem>>)
        %dma_start3A_336 = arith.constant 0 : i32
        %dma_start3A_337 = arith.constant 4 : i32
        %dma_start3A_338 = arith.constant 0 : i32
        %dma_start3A_339 = arith.constant 0 : i32
        %dma_start3A_340 = tpu.memref_slice %arg8[%dma_start3A_336, %dma_start3A_337, %dma_start3A_338, %dma_start3A_339] : memref<2x8x8x256xf32, #tpu.memory_space<vmem>> -> memref<1x1x8x256xf32, #tpu.memory_space<vmem>>
        %dma_start3A_341 = tpu.memref_squeeze %dma_start3A_340 : memref<1x1x8x256xf32, #tpu.memory_space<vmem>> -> memref<8x256xf32, #tpu.memory_space<vmem>>
        %dma_start3A_342 = arith.constant 32 : i32
        %dma_start3A_343 = tpu.memref_slice %arg3[%dma_start3A_342, %multiple_of3A_279] : memref<64x1000001xf32, #tpu.memory_space<hbm>> -> memref<8x256xf32, #tpu.memory_space<hbm>>
        %dma_start3A_344 = arith.constant 0 : i32
        %dma_start3A_345 = arith.constant 0 : i32
        %dma_start3A_346 = tpu.memref_slice %arg8[%dma_start3A_336, %dma_start3A_337, %dma_start3A_344, %dma_start3A_345] : memref<2x8x8x256xf32, #tpu.memory_space<vmem>> -> memref<1x1x8x256xf32, #tpu.memory_space<vmem>>
        %dma_start3A_347 = tpu.memref_squeeze %dma_start3A_346 : memref<1x1x8x256xf32, #tpu.memory_space<vmem>> -> memref<8x256xf32, #tpu.memory_space<vmem>>
        %dma_start3A_348 = arith.constant 32 : i32
        %dma_start3A_349 = tpu.memref_slice %arg3[%dma_start3A_348, %multiple_of3A_279] : memref<64x1000001xf32, #tpu.memory_space<hbm>> -> memref<8x256xf32, #tpu.memory_space<hbm>>
        tpu.enqueue_dma source(%dma_start3A_349 : memref<8x256xf32, #tpu.memory_space<hbm>>) target(%dma_start3A_347 : memref<8x256xf32, #tpu.memory_space<vmem>>) target_semaphore(%arg11 : memref<!tpu.dma_semaphore, #tpu.memory_space<semaphore_mem>>)
        %dma_start3A_350 = arith.constant 0 : i32
        %dma_start3A_351 = arith.constant 5 : i32
        %dma_start3A_352 = arith.constant 0 : i32
        %dma_start3A_353 = arith.constant 0 : i32
        %dma_start3A_354 = tpu.memref_slice %arg8[%dma_start3A_350, %dma_start3A_351, %dma_start3A_352, %dma_start3A_353] : memref<2x8x8x256xf32, #tpu.memory_space<vmem>> -> memref<1x1x8x256xf32, #tpu.memory_space<vmem>>
        %dma_start3A_355 = tpu.memref_squeeze %dma_start3A_354 : memref<1x1x8x256xf32, #tpu.memory_space<vmem>> -> memref<8x256xf32, #tpu.memory_space<vmem>>
        %dma_start3A_356 = arith.constant 40 : i32
        %dma_start3A_357 = tpu.memref_slice %arg3[%dma_start3A_356, %multiple_of3A_279] : memref<64x1000001xf32, #tpu.memory_space<hbm>> -> memref<8x256xf32, #tpu.memory_space<hbm>>
        %dma_start3A_358 = arith.constant 0 : i32
        %dma_start3A_359 = arith.constant 0 : i32
        %dma_start3A_360 = tpu.memref_slice %arg8[%dma_start3A_350, %dma_start3A_351, %dma_start3A_358, %dma_start3A_359] : memref<2x8x8x256xf32, #tpu.memory_space<vmem>> -> memref<1x1x8x256xf32, #tpu.memory_space<vmem>>
        %dma_start3A_361 = tpu.memref_squeeze %dma_start3A_360 : memref<1x1x8x256xf32, #tpu.memory_space<vmem>> -> memref<8x256xf32, #tpu.memory_space<vmem>>
        %dma_start3A_362 = arith.constant 40 : i32
        %dma_start3A_363 = tpu.memref_slice %arg3[%dma_start3A_362, %multiple_of3A_279] : memref<64x1000001xf32, #tpu.memory_space<hbm>> -> memref<8x256xf32, #tpu.memory_space<hbm>>
        tpu.enqueue_dma source(%dma_start3A_363 : memref<8x256xf32, #tpu.memory_space<hbm>>) target(%dma_start3A_361 : memref<8x256xf32, #tpu.memory_space<vmem>>) target_semaphore(%arg11 : memref<!tpu.dma_semaphore, #tpu.memory_space<semaphore_mem>>)
        %dma_start3A_364 = arith.constant 0 : i32
        %dma_start3A_365 = arith.constant 6 : i32
        %dma_start3A_366 = arith.constant 0 : i32
        %dma_start3A_367 = arith.constant 0 : i32
        %dma_start3A_368 = tpu.memref_slice %arg8[%dma_start3A_364, %dma_start3A_365, %dma_start3A_366, %dma_start3A_367] : memref<2x8x8x256xf32, #tpu.memory_space<vmem>> -> memref<1x1x8x256xf32, #tpu.memory_space<vmem>>
        %dma_start3A_369 = tpu.memref_squeeze %dma_start3A_368 : memref<1x1x8x256xf32, #tpu.memory_space<vmem>> -> memref<8x256xf32, #tpu.memory_space<vmem>>
        %dma_start3A_370 = arith.constant 48 : i32
        %dma_start3A_371 = tpu.memref_slice %arg3[%dma_start3A_370, %multiple_of3A_279] : memref<64x1000001xf32, #tpu.memory_space<hbm>> -> memref<8x256xf32, #tpu.memory_space<hbm>>
        %dma_start3A_372 = arith.constant 0 : i32
        %dma_start3A_373 = arith.constant 0 : i32
        %dma_start3A_374 = tpu.memref_slice %arg8[%dma_start3A_364, %dma_start3A_365, %dma_start3A_372, %dma_start3A_373] : memref<2x8x8x256xf32, #tpu.memory_space<vmem>> -> memref<1x1x8x256xf32, #tpu.memory_space<vmem>>
        %dma_start3A_375 = tpu.memref_squeeze %dma_start3A_374 : memref<1x1x8x256xf32, #tpu.memory_space<vmem>> -> memref<8x256xf32, #tpu.memory_space<vmem>>
        %dma_start3A_376 = arith.constant 48 : i32
        %dma_start3A_377 = tpu.memref_slice %arg3[%dma_start3A_376, %multiple_of3A_279] : memref<64x1000001xf32, #tpu.memory_space<hbm>> -> memref<8x256xf32, #tpu.memory_space<hbm>>
        tpu.enqueue_dma source(%dma_start3A_377 : memref<8x256xf32, #tpu.memory_space<hbm>>) target(%dma_start3A_375 : memref<8x256xf32, #tpu.memory_space<vmem>>) target_semaphore(%arg11 : memref<!tpu.dma_semaphore, #tpu.memory_space<semaphore_mem>>)
        %dma_start3A_378 = arith.constant 0 : i32
        %dma_start3A_379 = arith.constant 7 : i32
        %dma_start3A_380 = arith.constant 0 : i32
        %dma_start3A_381 = arith.constant 0 : i32
        %dma_start3A_382 = tpu.memref_slice %arg8[%dma_start3A_378, %dma_start3A_379, %dma_start3A_380, %dma_start3A_381] : memref<2x8x8x256xf32, #tpu.memory_space<vmem>> -> memref<1x1x8x256xf32, #tpu.memory_space<vmem>>
        %dma_start3A_383 = tpu.memref_squeeze %dma_start3A_382 : memref<1x1x8x256xf32, #tpu.memory_space<vmem>> -> memref<8x256xf32, #tpu.memory_space<vmem>>
        %dma_start3A_384 = arith.constant 56 : i32
        %dma_start3A_385 = tpu.memref_slice %arg3[%dma_start3A_384, %multiple_of3A_279] : memref<64x1000001xf32, #tpu.memory_space<hbm>> -> memref<8x256xf32, #tpu.memory_space<hbm>>
        %dma_start3A_386 = arith.constant 0 : i32
        %dma_start3A_387 = arith.constant 0 : i32
        %dma_start3A_388 = tpu.memref_slice %arg8[%dma_start3A_378, %dma_start3A_379, %dma_start3A_386, %dma_start3A_387] : memref<2x8x8x256xf32, #tpu.memory_space<vmem>> -> memref<1x1x8x256xf32, #tpu.memory_space<vmem>>
        %dma_start3A_389 = tpu.memref_squeeze %dma_start3A_388 : memref<1x1x8x256xf32, #tpu.memory_space<vmem>> -> memref<8x256xf32, #tpu.memory_space<vmem>>
        %dma_start3A_390 = arith.constant 56 : i32
        %dma_start3A_391 = tpu.memref_slice %arg3[%dma_start3A_390, %multiple_of3A_279] : memref<64x1000001xf32, #tpu.memory_space<hbm>> -> memref<8x256xf32, #tpu.memory_space<hbm>>
        tpu.enqueue_dma source(%dma_start3A_391 : memref<8x256xf32, #tpu.memory_space<hbm>>) target(%dma_start3A_389 : memref<8x256xf32, #tpu.memory_space<vmem>>) target_semaphore(%arg11 : memref<!tpu.dma_semaphore, #tpu.memory_space<semaphore_mem>>)
      } else {
      }
      %jit3A_206 = arith.constant 2 : i32
      %eq3A_207 = arith.constant 0 : i32
      %eq3A_208 = arith.cmpi eq, %jit3A_206, %eq3A_207 : i32
      %jit3A_209 = arith.constant 1 : i32
      %select_n3A_210 = arith.select %eq3A_208, %jit3A_209, %jit3A_206 : i32
      %rem3A_211 = arith.remsi %scan3A_159, %select_n3A_210 : i32
      %ne3A_212 = arith.constant 0 : i32
      %ne3A_213 = arith.cmpi ne, %rem3A_211, %ne3A_212 : i32
      %lt3A_214 = arith.constant 0 : i32
      %lt3A_215 = arith.cmpi slt, %rem3A_211, %lt3A_214 : i32
      %lt3A_216 = arith.constant 0 : i32
      %lt3A_217 = arith.cmpi slt, %select_n3A_210, %lt3A_216 : i32
      %ne3A_218 = arith.xori %lt3A_215, %lt3A_217 : i1
      %and3A_219 = arith.andi %ne3A_218, %ne3A_213 : i1
      %add3A_220 = arith.addi %rem3A_211, %select_n3A_210 : i32
      %select_n3A_221 = arith.select %and3A_219, %add3A_220, %rem3A_211 : i32
      %eq3A_222 = arith.constant 0 : i32
      %eq3A_223 = arith.cmpi eq, %select_n3A_221, %eq3A_222 : i32
      %convert_element_type3A_224 = arith.extui %eq3A_223 : i1 to i32
      %cond3A_225 = arith.constant 0 : i32
      %cond3A_226 = arith.cmpi ne, %convert_element_type3A_224, %cond3A_225 : i32
      scf.if %cond3A_226 {
        %dma_wait3A = arith.constant 0 : i32
        %dma_wait3A_268 = arith.constant 0 : i32
        %dma_wait3A_269 = arith.constant 0 : i32
        %dma_wait3A_270 = arith.constant 0 : i32
        %dma_wait3A_271 = tpu.memref_slice %arg8[%dma_wait3A, %dma_wait3A_268, %dma_wait3A_269, %dma_wait3A_270] : memref<2x8x8x256xf32, #tpu.memory_space<vmem>> -> memref<1x1x8x256xf32, #tpu.memory_space<vmem>>
        %dma_wait3A_272 = tpu.memref_squeeze %dma_wait3A_271 : memref<1x1x8x256xf32, #tpu.memory_space<vmem>> -> memref<8x256xf32, #tpu.memory_space<vmem>>
        %dma_wait3A_273 = arith.constant 0 : i32
        %dma_wait3A_274 = arith.constant 0 : i32
        %dma_wait3A_275 = tpu.memref_slice %arg3[%dma_wait3A_273, %dma_wait3A_274] : memref<64x1000001xf32, #tpu.memory_space<hbm>> -> memref<8x256xf32, #tpu.memory_space<hbm>>
        %dma_wait3A_276 = arith.constant 0 : i32
        %dma_wait3A_277 = arith.constant 0 : i32
        %dma_wait3A_278 = tpu.memref_slice %arg8[%dma_wait3A, %dma_wait3A_268, %dma_wait3A_276, %dma_wait3A_277] : memref<2x8x8x256xf32, #tpu.memory_space<vmem>> -> memref<1x1x8x256xf32, #tpu.memory_space<vmem>>
        %dma_wait3A_279 = tpu.memref_squeeze %dma_wait3A_278 : memref<1x1x8x256xf32, #tpu.memory_space<vmem>> -> memref<8x256xf32, #tpu.memory_space<vmem>>
        %dma_wait3A_280 = arith.constant 0 : i32
        %dma_wait3A_281 = arith.constant 0 : i32
        %dma_wait3A_282 = tpu.memref_slice %arg3[%dma_wait3A_280, %dma_wait3A_281] : memref<64x1000001xf32, #tpu.memory_space<hbm>> -> memref<8x256xf32, #tpu.memory_space<hbm>>
        tpu.wait_dma2 semaphore(%arg11 : memref<!tpu.dma_semaphore, #tpu.memory_space<semaphore_mem>>) src(%dma_wait3A_282 : memref<8x256xf32, #tpu.memory_space<hbm>>) dst(%dma_wait3A_279 : memref<8x256xf32, #tpu.memory_space<vmem>>)
        %dma_wait3A_283 = arith.constant 0 : i32
        %dma_wait3A_284 = arith.constant 1 : i32
        %dma_wait3A_285 = arith.constant 0 : i32
        %dma_wait3A_286 = arith.constant 0 : i32
        %dma_wait3A_287 = tpu.memref_slice %arg8[%dma_wait3A_283, %dma_wait3A_284, %dma_wait3A_285, %dma_wait3A_286] : memref<2x8x8x256xf32, #tpu.memory_space<vmem>> -> memref<1x1x8x256xf32, #tpu.memory_space<vmem>>
        %dma_wait3A_288 = tpu.memref_squeeze %dma_wait3A_287 : memref<1x1x8x256xf32, #tpu.memory_space<vmem>> -> memref<8x256xf32, #tpu.memory_space<vmem>>
        %dma_wait3A_289 = arith.constant 0 : i32
        %dma_wait3A_290 = arith.constant 0 : i32
        %dma_wait3A_291 = tpu.memref_slice %arg3[%dma_wait3A_289, %dma_wait3A_290] : memref<64x1000001xf32, #tpu.memory_space<hbm>> -> memref<8x256xf32, #tpu.memory_space<hbm>>
        %dma_wait3A_292 = arith.constant 0 : i32
        %dma_wait3A_293 = arith.constant 0 : i32
        %dma_wait3A_294 = tpu.memref_slice %arg8[%dma_wait3A_283, %dma_wait3A_284, %dma_wait3A_292, %dma_wait3A_293] : memref<2x8x8x256xf32, #tpu.memory_space<vmem>> -> memref<1x1x8x256xf32, #tpu.memory_space<vmem>>
        %dma_wait3A_295 = tpu.memref_squeeze %dma_wait3A_294 : memref<1x1x8x256xf32, #tpu.memory_space<vmem>> -> memref<8x256xf32, #tpu.memory_space<vmem>>
        %dma_wait3A_296 = arith.constant 0 : i32
        %dma_wait3A_297 = arith.constant 0 : i32
        %dma_wait3A_298 = tpu.memref_slice %arg3[%dma_wait3A_296, %dma_wait3A_297] : memref<64x1000001xf32, #tpu.memory_space<hbm>> -> memref<8x256xf32, #tpu.memory_space<hbm>>
        tpu.wait_dma2 semaphore(%arg11 : memref<!tpu.dma_semaphore, #tpu.memory_space<semaphore_mem>>) src(%dma_wait3A_298 : memref<8x256xf32, #tpu.memory_space<hbm>>) dst(%dma_wait3A_295 : memref<8x256xf32, #tpu.memory_space<vmem>>)
        %dma_wait3A_299 = arith.constant 0 : i32
        %dma_wait3A_300 = arith.constant 2 : i32
        %dma_wait3A_301 = arith.constant 0 : i32
        %dma_wait3A_302 = arith.constant 0 : i32
        %dma_wait3A_303 = tpu.memref_slice %arg8[%dma_wait3A_299, %dma_wait3A_300, %dma_wait3A_301, %dma_wait3A_302] : memref<2x8x8x256xf32, #tpu.memory_space<vmem>> -> memref<1x1x8x256xf32, #tpu.memory_space<vmem>>
        %dma_wait3A_304 = tpu.memref_squeeze %dma_wait3A_303 : memref<1x1x8x256xf32, #tpu.memory_space<vmem>> -> memref<8x256xf32, #tpu.memory_space<vmem>>
        %dma_wait3A_305 = arith.constant 0 : i32
        %dma_wait3A_306 = arith.constant 0 : i32
        %dma_wait3A_307 = tpu.memref_slice %arg3[%dma_wait3A_305, %dma_wait3A_306] : memref<64x1000001xf32, #tpu.memory_space<hbm>> -> memref<8x256xf32, #tpu.memory_space<hbm>>
        %dma_wait3A_308 = arith.constant 0 : i32
        %dma_wait3A_309 = arith.constant 0 : i32
        %dma_wait3A_310 = tpu.memref_slice %arg8[%dma_wait3A_299, %dma_wait3A_300, %dma_wait3A_308, %dma_wait3A_309] : memref<2x8x8x256xf32, #tpu.memory_space<vmem>> -> memref<1x1x8x256xf32, #tpu.memory_space<vmem>>
        %dma_wait3A_311 = tpu.memref_squeeze %dma_wait3A_310 : memref<1x1x8x256xf32, #tpu.memory_space<vmem>> -> memref<8x256xf32, #tpu.memory_space<vmem>>
        %dma_wait3A_312 = arith.constant 0 : i32
        %dma_wait3A_313 = arith.constant 0 : i32
        %dma_wait3A_314 = tpu.memref_slice %arg3[%dma_wait3A_312, %dma_wait3A_313] : memref<64x1000001xf32, #tpu.memory_space<hbm>> -> memref<8x256xf32, #tpu.memory_space<hbm>>
        tpu.wait_dma2 semaphore(%arg11 : memref<!tpu.dma_semaphore, #tpu.memory_space<semaphore_mem>>) src(%dma_wait3A_314 : memref<8x256xf32, #tpu.memory_space<hbm>>) dst(%dma_wait3A_311 : memref<8x256xf32, #tpu.memory_space<vmem>>)
        %dma_wait3A_315 = arith.constant 0 : i32
        %dma_wait3A_316 = arith.constant 3 : i32
        %dma_wait3A_317 = arith.constant 0 : i32
        %dma_wait3A_318 = arith.constant 0 : i32
        %dma_wait3A_319 = tpu.memref_slice %arg8[%dma_wait3A_315, %dma_wait3A_316, %dma_wait3A_317, %dma_wait3A_318] : memref<2x8x8x256xf32, #tpu.memory_space<vmem>> -> memref<1x1x8x256xf32, #tpu.memory_space<vmem>>
        %dma_wait3A_320 = tpu.memref_squeeze %dma_wait3A_319 : memref<1x1x8x256xf32, #tpu.memory_space<vmem>> -> memref<8x256xf32, #tpu.memory_space<vmem>>
        %dma_wait3A_321 = arith.constant 0 : i32
        %dma_wait3A_322 = arith.constant 0 : i32
        %dma_wait3A_323 = tpu.memref_slice %arg3[%dma_wait3A_321, %dma_wait3A_322] : memref<64x1000001xf32, #tpu.memory_space<hbm>> -> memref<8x256xf32, #tpu.memory_space<hbm>>
        %dma_wait3A_324 = arith.constant 0 : i32
        %dma_wait3A_325 = arith.constant 0 : i32
        %dma_wait3A_326 = tpu.memref_slice %arg8[%dma_wait3A_315, %dma_wait3A_316, %dma_wait3A_324, %dma_wait3A_325] : memref<2x8x8x256xf32, #tpu.memory_space<vmem>> -> memref<1x1x8x256xf32, #tpu.memory_space<vmem>>
        %dma_wait3A_327 = tpu.memref_squeeze %dma_wait3A_326 : memref<1x1x8x256xf32, #tpu.memory_space<vmem>> -> memref<8x256xf32, #tpu.memory_space<vmem>>
        %dma_wait3A_328 = arith.constant 0 : i32
        %dma_wait3A_329 = arith.constant 0 : i32
        %dma_wait3A_330 = tpu.memref_slice %arg3[%dma_wait3A_328, %dma_wait3A_329] : memref<64x1000001xf32, #tpu.memory_space<hbm>> -> memref<8x256xf32, #tpu.memory_space<hbm>>
        tpu.wait_dma2 semaphore(%arg11 : memref<!tpu.dma_semaphore, #tpu.memory_space<semaphore_mem>>) src(%dma_wait3A_330 : memref<8x256xf32, #tpu.memory_space<hbm>>) dst(%dma_wait3A_327 : memref<8x256xf32, #tpu.memory_space<vmem>>)
        %dma_wait3A_331 = arith.constant 0 : i32
        %dma_wait3A_332 = arith.constant 4 : i32
        %dma_wait3A_333 = arith.constant 0 : i32
        %dma_wait3A_334 = arith.constant 0 : i32
        %dma_wait3A_335 = tpu.memref_slice %arg8[%dma_wait3A_331, %dma_wait3A_332, %dma_wait3A_333, %dma_wait3A_334] : memref<2x8x8x256xf32, #tpu.memory_space<vmem>> -> memref<1x1x8x256xf32, #tpu.memory_space<vmem>>
        %dma_wait3A_336 = tpu.memref_squeeze %dma_wait3A_335 : memref<1x1x8x256xf32, #tpu.memory_space<vmem>> -> memref<8x256xf32, #tpu.memory_space<vmem>>
        %dma_wait3A_337 = arith.constant 0 : i32
        %dma_wait3A_338 = arith.constant 0 : i32
        %dma_wait3A_339 = tpu.memref_slice %arg3[%dma_wait3A_337, %dma_wait3A_338] : memref<64x1000001xf32, #tpu.memory_space<hbm>> -> memref<8x256xf32, #tpu.memory_space<hbm>>
        %dma_wait3A_340 = arith.constant 0 : i32
        %dma_wait3A_341 = arith.constant 0 : i32
        %dma_wait3A_342 = tpu.memref_slice %arg8[%dma_wait3A_331, %dma_wait3A_332, %dma_wait3A_340, %dma_wait3A_341] : memref<2x8x8x256xf32, #tpu.memory_space<vmem>> -> memref<1x1x8x256xf32, #tpu.memory_space<vmem>>
        %dma_wait3A_343 = tpu.memref_squeeze %dma_wait3A_342 : memref<1x1x8x256xf32, #tpu.memory_space<vmem>> -> memref<8x256xf32, #tpu.memory_space<vmem>>
        %dma_wait3A_344 = arith.constant 0 : i32
        %dma_wait3A_345 = arith.constant 0 : i32
        %dma_wait3A_346 = tpu.memref_slice %arg3[%dma_wait3A_344, %dma_wait3A_345] : memref<64x1000001xf32, #tpu.memory_space<hbm>> -> memref<8x256xf32, #tpu.memory_space<hbm>>
        tpu.wait_dma2 semaphore(%arg11 : memref<!tpu.dma_semaphore, #tpu.memory_space<semaphore_mem>>) src(%dma_wait3A_346 : memref<8x256xf32, #tpu.memory_space<hbm>>) dst(%dma_wait3A_343 : memref<8x256xf32, #tpu.memory_space<vmem>>)
        %dma_wait3A_347 = arith.constant 0 : i32
        %dma_wait3A_348 = arith.constant 5 : i32
        %dma_wait3A_349 = arith.constant 0 : i32
        %dma_wait3A_350 = arith.constant 0 : i32
        %dma_wait3A_351 = tpu.memref_slice %arg8[%dma_wait3A_347, %dma_wait3A_348, %dma_wait3A_349, %dma_wait3A_350] : memref<2x8x8x256xf32, #tpu.memory_space<vmem>> -> memref<1x1x8x256xf32, #tpu.memory_space<vmem>>
        %dma_wait3A_352 = tpu.memref_squeeze %dma_wait3A_351 : memref<1x1x8x256xf32, #tpu.memory_space<vmem>> -> memref<8x256xf32, #tpu.memory_space<vmem>>
        %dma_wait3A_353 = arith.constant 0 : i32
        %dma_wait3A_354 = arith.constant 0 : i32
        %dma_wait3A_355 = tpu.memref_slice %arg3[%dma_wait3A_353, %dma_wait3A_354] : memref<64x1000001xf32, #tpu.memory_space<hbm>> -> memref<8x256xf32, #tpu.memory_space<hbm>>
        %dma_wait3A_356 = arith.constant 0 : i32
        %dma_wait3A_357 = arith.constant 0 : i32
        %dma_wait3A_358 = tpu.memref_slice %arg8[%dma_wait3A_347, %dma_wait3A_348, %dma_wait3A_356, %dma_wait3A_357] : memref<2x8x8x256xf32, #tpu.memory_space<vmem>> -> memref<1x1x8x256xf32, #tpu.memory_space<vmem>>
        %dma_wait3A_359 = tpu.memref_squeeze %dma_wait3A_358 : memref<1x1x8x256xf32, #tpu.memory_space<vmem>> -> memref<8x256xf32, #tpu.memory_space<vmem>>
        %dma_wait3A_360 = arith.constant 0 : i32
        %dma_wait3A_361 = arith.constant 0 : i32
        %dma_wait3A_362 = tpu.memref_slice %arg3[%dma_wait3A_360, %dma_wait3A_361] : memref<64x1000001xf32, #tpu.memory_space<hbm>> -> memref<8x256xf32, #tpu.memory_space<hbm>>
        tpu.wait_dma2 semaphore(%arg11 : memref<!tpu.dma_semaphore, #tpu.memory_space<semaphore_mem>>) src(%dma_wait3A_362 : memref<8x256xf32, #tpu.memory_space<hbm>>) dst(%dma_wait3A_359 : memref<8x256xf32, #tpu.memory_space<vmem>>)
        %dma_wait3A_363 = arith.constant 0 : i32
        %dma_wait3A_364 = arith.constant 6 : i32
        %dma_wait3A_365 = arith.constant 0 : i32
        %dma_wait3A_366 = arith.constant 0 : i32
        %dma_wait3A_367 = tpu.memref_slice %arg8[%dma_wait3A_363, %dma_wait3A_364, %dma_wait3A_365, %dma_wait3A_366] : memref<2x8x8x256xf32, #tpu.memory_space<vmem>> -> memref<1x1x8x256xf32, #tpu.memory_space<vmem>>
        %dma_wait3A_368 = tpu.memref_squeeze %dma_wait3A_367 : memref<1x1x8x256xf32, #tpu.memory_space<vmem>> -> memref<8x256xf32, #tpu.memory_space<vmem>>
        %dma_wait3A_369 = arith.constant 0 : i32
        %dma_wait3A_370 = arith.constant 0 : i32
        %dma_wait3A_371 = tpu.memref_slice %arg3[%dma_wait3A_369, %dma_wait3A_370] : memref<64x1000001xf32, #tpu.memory_space<hbm>> -> memref<8x256xf32, #tpu.memory_space<hbm>>
        %dma_wait3A_372 = arith.constant 0 : i32
        %dma_wait3A_373 = arith.constant 0 : i32
        %dma_wait3A_374 = tpu.memref_slice %arg8[%dma_wait3A_363, %dma_wait3A_364, %dma_wait3A_372, %dma_wait3A_373] : memref<2x8x8x256xf32, #tpu.memory_space<vmem>> -> memref<1x1x8x256xf32, #tpu.memory_space<vmem>>
        %dma_wait3A_375 = tpu.memref_squeeze %dma_wait3A_374 : memref<1x1x8x256xf32, #tpu.memory_space<vmem>> -> memref<8x256xf32, #tpu.memory_space<vmem>>
        %dma_wait3A_376 = arith.constant 0 : i32
        %dma_wait3A_377 = arith.constant 0 : i32
        %dma_wait3A_378 = tpu.memref_slice %arg3[%dma_wait3A_376, %dma_wait3A_377] : memref<64x1000001xf32, #tpu.memory_space<hbm>> -> memref<8x256xf32, #tpu.memory_space<hbm>>
        tpu.wait_dma2 semaphore(%arg11 : memref<!tpu.dma_semaphore, #tpu.memory_space<semaphore_mem>>) src(%dma_wait3A_378 : memref<8x256xf32, #tpu.memory_space<hbm>>) dst(%dma_wait3A_375 : memref<8x256xf32, #tpu.memory_space<vmem>>)
        %dma_wait3A_379 = arith.constant 0 : i32
        %dma_wait3A_380 = arith.constant 7 : i32
        %dma_wait3A_381 = arith.constant 0 : i32
        %dma_wait3A_382 = arith.constant 0 : i32
        %dma_wait3A_383 = tpu.memref_slice %arg8[%dma_wait3A_379, %dma_wait3A_380, %dma_wait3A_381, %dma_wait3A_382] : memref<2x8x8x256xf32, #tpu.memory_space<vmem>> -> memref<1x1x8x256xf32, #tpu.memory_space<vmem>>
        %dma_wait3A_384 = tpu.memref_squeeze %dma_wait3A_383 : memref<1x1x8x256xf32, #tpu.memory_space<vmem>> -> memref<8x256xf32, #tpu.memory_space<vmem>>
        %dma_wait3A_385 = arith.constant 0 : i32
        %dma_wait3A_386 = arith.constant 0 : i32
        %dma_wait3A_387 = tpu.memref_slice %arg3[%dma_wait3A_385, %dma_wait3A_386] : memref<64x1000001xf32, #tpu.memory_space<hbm>> -> memref<8x256xf32, #tpu.memory_space<hbm>>
        %dma_wait3A_388 = arith.constant 0 : i32
        %dma_wait3A_389 = arith.constant 0 : i32
        %dma_wait3A_390 = tpu.memref_slice %arg8[%dma_wait3A_379, %dma_wait3A_380, %dma_wait3A_388, %dma_wait3A_389] : memref<2x8x8x256xf32, #tpu.memory_space<vmem>> -> memref<1x1x8x256xf32, #tpu.memory_space<vmem>>
        %dma_wait3A_391 = tpu.memref_squeeze %dma_wait3A_390 : memref<1x1x8x256xf32, #tpu.memory_space<vmem>> -> memref<8x256xf32, #tpu.memory_space<vmem>>
        %dma_wait3A_392 = arith.constant 0 : i32
        %dma_wait3A_393 = arith.constant 0 : i32
        %dma_wait3A_394 = tpu.memref_slice %arg3[%dma_wait3A_392, %dma_wait3A_393] : memref<64x1000001xf32, #tpu.memory_space<hbm>> -> memref<8x256xf32, #tpu.memory_space<hbm>>
        tpu.wait_dma2 semaphore(%arg11 : memref<!tpu.dma_semaphore, #tpu.memory_space<semaphore_mem>>) src(%dma_wait3A_394 : memref<8x256xf32, #tpu.memory_space<hbm>>) dst(%dma_wait3A_391 : memref<8x256xf32, #tpu.memory_space<vmem>>)
      } else {
      }
      %jit3A_227 = arith.constant 2 : i32
      %eq3A_228 = arith.constant 0 : i32
      %eq3A_229 = arith.cmpi eq, %jit3A_227, %eq3A_228 : i32
      %jit3A_230 = arith.constant 1 : i32
      %select_n3A_231 = arith.select %eq3A_229, %jit3A_230, %jit3A_227 : i32
      %rem3A_232 = arith.remsi %scan3A_159, %select_n3A_231 : i32
      %ne3A_233 = arith.constant 0 : i32
      %ne3A_234 = arith.cmpi ne, %rem3A_232, %ne3A_233 : i32
      %lt3A_235 = arith.constant 0 : i32
      %lt3A_236 = arith.cmpi slt, %rem3A_232, %lt3A_235 : i32
      %lt3A_237 = arith.constant 0 : i32
      %lt3A_238 = arith.cmpi slt, %select_n3A_231, %lt3A_237 : i32
      %ne3A_239 = arith.xori %lt3A_236, %lt3A_238 : i1
      %and3A_240 = arith.andi %ne3A_239, %ne3A_234 : i1
      %add3A_241 = arith.addi %rem3A_232, %select_n3A_231 : i32
      %select_n3A_242 = arith.select %and3A_240, %add3A_241, %rem3A_232 : i32
      %eq3A_243 = arith.constant 1 : i32
      %eq3A_244 = arith.cmpi eq, %select_n3A_242, %eq3A_243 : i32
      %convert_element_type3A_245 = arith.extui %eq3A_244 : i1 to i32
      %cond3A_246 = arith.constant 0 : i32
      %cond3A_247 = arith.cmpi ne, %convert_element_type3A_245, %cond3A_246 : i32
      scf.if %cond3A_247 {
        %dma_wait3A = arith.constant 1 : i32
        %dma_wait3A_268 = arith.constant 0 : i32
        %dma_wait3A_269 = arith.constant 0 : i32
        %dma_wait3A_270 = arith.constant 0 : i32
        %dma_wait3A_271 = tpu.memref_slice %arg8[%dma_wait3A, %dma_wait3A_268, %dma_wait3A_269, %dma_wait3A_270] : memref<2x8x8x256xf32, #tpu.memory_space<vmem>> -> memref<1x1x8x256xf32, #tpu.memory_space<vmem>>
        %dma_wait3A_272 = tpu.memref_squeeze %dma_wait3A_271 : memref<1x1x8x256xf32, #tpu.memory_space<vmem>> -> memref<8x256xf32, #tpu.memory_space<vmem>>
        %dma_wait3A_273 = arith.constant 0 : i32
        %dma_wait3A_274 = arith.constant 0 : i32
        %dma_wait3A_275 = tpu.memref_slice %arg3[%dma_wait3A_273, %dma_wait3A_274] : memref<64x1000001xf32, #tpu.memory_space<hbm>> -> memref<8x256xf32, #tpu.memory_space<hbm>>
        %dma_wait3A_276 = arith.constant 0 : i32
        %dma_wait3A_277 = arith.constant 0 : i32
        %dma_wait3A_278 = tpu.memref_slice %arg8[%dma_wait3A, %dma_wait3A_268, %dma_wait3A_276, %dma_wait3A_277] : memref<2x8x8x256xf32, #tpu.memory_space<vmem>> -> memref<1x1x8x256xf32, #tpu.memory_space<vmem>>
        %dma_wait3A_279 = tpu.memref_squeeze %dma_wait3A_278 : memref<1x1x8x256xf32, #tpu.memory_space<vmem>> -> memref<8x256xf32, #tpu.memory_space<vmem>>
        %dma_wait3A_280 = arith.constant 0 : i32
        %dma_wait3A_281 = arith.constant 0 : i32
        %dma_wait3A_282 = tpu.memref_slice %arg3[%dma_wait3A_280, %dma_wait3A_281] : memref<64x1000001xf32, #tpu.memory_space<hbm>> -> memref<8x256xf32, #tpu.memory_space<hbm>>
        tpu.wait_dma2 semaphore(%arg12 : memref<!tpu.dma_semaphore, #tpu.memory_space<semaphore_mem>>) src(%dma_wait3A_282 : memref<8x256xf32, #tpu.memory_space<hbm>>) dst(%dma_wait3A_279 : memref<8x256xf32, #tpu.memory_space<vmem>>)
        %dma_wait3A_283 = arith.constant 1 : i32
        %dma_wait3A_284 = arith.constant 1 : i32
        %dma_wait3A_285 = arith.constant 0 : i32
        %dma_wait3A_286 = arith.constant 0 : i32
        %dma_wait3A_287 = tpu.memref_slice %arg8[%dma_wait3A_283, %dma_wait3A_284, %dma_wait3A_285, %dma_wait3A_286] : memref<2x8x8x256xf32, #tpu.memory_space<vmem>> -> memref<1x1x8x256xf32, #tpu.memory_space<vmem>>
        %dma_wait3A_288 = tpu.memref_squeeze %dma_wait3A_287 : memref<1x1x8x256xf32, #tpu.memory_space<vmem>> -> memref<8x256xf32, #tpu.memory_space<vmem>>
        %dma_wait3A_289 = arith.constant 0 : i32
        %dma_wait3A_290 = arith.constant 0 : i32
        %dma_wait3A_291 = tpu.memref_slice %arg3[%dma_wait3A_289, %dma_wait3A_290] : memref<64x1000001xf32, #tpu.memory_space<hbm>> -> memref<8x256xf32, #tpu.memory_space<hbm>>
        %dma_wait3A_292 = arith.constant 0 : i32
        %dma_wait3A_293 = arith.constant 0 : i32
        %dma_wait3A_294 = tpu.memref_slice %arg8[%dma_wait3A_283, %dma_wait3A_284, %dma_wait3A_292, %dma_wait3A_293] : memref<2x8x8x256xf32, #tpu.memory_space<vmem>> -> memref<1x1x8x256xf32, #tpu.memory_space<vmem>>
        %dma_wait3A_295 = tpu.memref_squeeze %dma_wait3A_294 : memref<1x1x8x256xf32, #tpu.memory_space<vmem>> -> memref<8x256xf32, #tpu.memory_space<vmem>>
        %dma_wait3A_296 = arith.constant 0 : i32
        %dma_wait3A_297 = arith.constant 0 : i32
        %dma_wait3A_298 = tpu.memref_slice %arg3[%dma_wait3A_296, %dma_wait3A_297] : memref<64x1000001xf32, #tpu.memory_space<hbm>> -> memref<8x256xf32, #tpu.memory_space<hbm>>
        tpu.wait_dma2 semaphore(%arg12 : memref<!tpu.dma_semaphore, #tpu.memory_space<semaphore_mem>>) src(%dma_wait3A_298 : memref<8x256xf32, #tpu.memory_space<hbm>>) dst(%dma_wait3A_295 : memref<8x256xf32, #tpu.memory_space<vmem>>)
        %dma_wait3A_299 = arith.constant 1 : i32
        %dma_wait3A_300 = arith.constant 2 : i32
        %dma_wait3A_301 = arith.constant 0 : i32
        %dma_wait3A_302 = arith.constant 0 : i32
        %dma_wait3A_303 = tpu.memref_slice %arg8[%dma_wait3A_299, %dma_wait3A_300, %dma_wait3A_301, %dma_wait3A_302] : memref<2x8x8x256xf32, #tpu.memory_space<vmem>> -> memref<1x1x8x256xf32, #tpu.memory_space<vmem>>
        %dma_wait3A_304 = tpu.memref_squeeze %dma_wait3A_303 : memref<1x1x8x256xf32, #tpu.memory_space<vmem>> -> memref<8x256xf32, #tpu.memory_space<vmem>>
        %dma_wait3A_305 = arith.constant 0 : i32
        %dma_wait3A_306 = arith.constant 0 : i32
        %dma_wait3A_307 = tpu.memref_slice %arg3[%dma_wait3A_305, %dma_wait3A_306] : memref<64x1000001xf32, #tpu.memory_space<hbm>> -> memref<8x256xf32, #tpu.memory_space<hbm>>
        %dma_wait3A_308 = arith.constant 0 : i32
        %dma_wait3A_309 = arith.constant 0 : i32
        %dma_wait3A_310 = tpu.memref_slice %arg8[%dma_wait3A_299, %dma_wait3A_300, %dma_wait3A_308, %dma_wait3A_309] : memref<2x8x8x256xf32, #tpu.memory_space<vmem>> -> memref<1x1x8x256xf32, #tpu.memory_space<vmem>>
        %dma_wait3A_311 = tpu.memref_squeeze %dma_wait3A_310 : memref<1x1x8x256xf32, #tpu.memory_space<vmem>> -> memref<8x256xf32, #tpu.memory_space<vmem>>
        %dma_wait3A_312 = arith.constant 0 : i32
        %dma_wait3A_313 = arith.constant 0 : i32
        %dma_wait3A_314 = tpu.memref_slice %arg3[%dma_wait3A_312, %dma_wait3A_313] : memref<64x1000001xf32, #tpu.memory_space<hbm>> -> memref<8x256xf32, #tpu.memory_space<hbm>>
        tpu.wait_dma2 semaphore(%arg12 : memref<!tpu.dma_semaphore, #tpu.memory_space<semaphore_mem>>) src(%dma_wait3A_314 : memref<8x256xf32, #tpu.memory_space<hbm>>) dst(%dma_wait3A_311 : memref<8x256xf32, #tpu.memory_space<vmem>>)
        %dma_wait3A_315 = arith.constant 1 : i32
        %dma_wait3A_316 = arith.constant 3 : i32
        %dma_wait3A_317 = arith.constant 0 : i32
        %dma_wait3A_318 = arith.constant 0 : i32
        %dma_wait3A_319 = tpu.memref_slice %arg8[%dma_wait3A_315, %dma_wait3A_316, %dma_wait3A_317, %dma_wait3A_318] : memref<2x8x8x256xf32, #tpu.memory_space<vmem>> -> memref<1x1x8x256xf32, #tpu.memory_space<vmem>>
        %dma_wait3A_320 = tpu.memref_squeeze %dma_wait3A_319 : memref<1x1x8x256xf32, #tpu.memory_space<vmem>> -> memref<8x256xf32, #tpu.memory_space<vmem>>
        %dma_wait3A_321 = arith.constant 0 : i32
        %dma_wait3A_322 = arith.constant 0 : i32
        %dma_wait3A_323 = tpu.memref_slice %arg3[%dma_wait3A_321, %dma_wait3A_322] : memref<64x1000001xf32, #tpu.memory_space<hbm>> -> memref<8x256xf32, #tpu.memory_space<hbm>>
        %dma_wait3A_324 = arith.constant 0 : i32
        %dma_wait3A_325 = arith.constant 0 : i32
        %dma_wait3A_326 = tpu.memref_slice %arg8[%dma_wait3A_315, %dma_wait3A_316, %dma_wait3A_324, %dma_wait3A_325] : memref<2x8x8x256xf32, #tpu.memory_space<vmem>> -> memref<1x1x8x256xf32, #tpu.memory_space<vmem>>
        %dma_wait3A_327 = tpu.memref_squeeze %dma_wait3A_326 : memref<1x1x8x256xf32, #tpu.memory_space<vmem>> -> memref<8x256xf32, #tpu.memory_space<vmem>>
        %dma_wait3A_328 = arith.constant 0 : i32
        %dma_wait3A_329 = arith.constant 0 : i32
        %dma_wait3A_330 = tpu.memref_slice %arg3[%dma_wait3A_328, %dma_wait3A_329] : memref<64x1000001xf32, #tpu.memory_space<hbm>> -> memref<8x256xf32, #tpu.memory_space<hbm>>
        tpu.wait_dma2 semaphore(%arg12 : memref<!tpu.dma_semaphore, #tpu.memory_space<semaphore_mem>>) src(%dma_wait3A_330 : memref<8x256xf32, #tpu.memory_space<hbm>>) dst(%dma_wait3A_327 : memref<8x256xf32, #tpu.memory_space<vmem>>)
        %dma_wait3A_331 = arith.constant 1 : i32
        %dma_wait3A_332 = arith.constant 4 : i32
        %dma_wait3A_333 = arith.constant 0 : i32
        %dma_wait3A_334 = arith.constant 0 : i32
        %dma_wait3A_335 = tpu.memref_slice %arg8[%dma_wait3A_331, %dma_wait3A_332, %dma_wait3A_333, %dma_wait3A_334] : memref<2x8x8x256xf32, #tpu.memory_space<vmem>> -> memref<1x1x8x256xf32, #tpu.memory_space<vmem>>
        %dma_wait3A_336 = tpu.memref_squeeze %dma_wait3A_335 : memref<1x1x8x256xf32, #tpu.memory_space<vmem>> -> memref<8x256xf32, #tpu.memory_space<vmem>>
        %dma_wait3A_337 = arith.constant 0 : i32
        %dma_wait3A_338 = arith.constant 0 : i32
        %dma_wait3A_339 = tpu.memref_slice %arg3[%dma_wait3A_337, %dma_wait3A_338] : memref<64x1000001xf32, #tpu.memory_space<hbm>> -> memref<8x256xf32, #tpu.memory_space<hbm>>
        %dma_wait3A_340 = arith.constant 0 : i32
        %dma_wait3A_341 = arith.constant 0 : i32
        %dma_wait3A_342 = tpu.memref_slice %arg8[%dma_wait3A_331, %dma_wait3A_332, %dma_wait3A_340, %dma_wait3A_341] : memref<2x8x8x256xf32, #tpu.memory_space<vmem>> -> memref<1x1x8x256xf32, #tpu.memory_space<vmem>>
        %dma_wait3A_343 = tpu.memref_squeeze %dma_wait3A_342 : memref<1x1x8x256xf32, #tpu.memory_space<vmem>> -> memref<8x256xf32, #tpu.memory_space<vmem>>
        %dma_wait3A_344 = arith.constant 0 : i32
        %dma_wait3A_345 = arith.constant 0 : i32
        %dma_wait3A_346 = tpu.memref_slice %arg3[%dma_wait3A_344, %dma_wait3A_345] : memref<64x1000001xf32, #tpu.memory_space<hbm>> -> memref<8x256xf32, #tpu.memory_space<hbm>>
        tpu.wait_dma2 semaphore(%arg12 : memref<!tpu.dma_semaphore, #tpu.memory_space<semaphore_mem>>) src(%dma_wait3A_346 : memref<8x256xf32, #tpu.memory_space<hbm>>) dst(%dma_wait3A_343 : memref<8x256xf32, #tpu.memory_space<vmem>>)
        %dma_wait3A_347 = arith.constant 1 : i32
        %dma_wait3A_348 = arith.constant 5 : i32
        %dma_wait3A_349 = arith.constant 0 : i32
        %dma_wait3A_350 = arith.constant 0 : i32
        %dma_wait3A_351 = tpu.memref_slice %arg8[%dma_wait3A_347, %dma_wait3A_348, %dma_wait3A_349, %dma_wait3A_350] : memref<2x8x8x256xf32, #tpu.memory_space<vmem>> -> memref<1x1x8x256xf32, #tpu.memory_space<vmem>>
        %dma_wait3A_352 = tpu.memref_squeeze %dma_wait3A_351 : memref<1x1x8x256xf32, #tpu.memory_space<vmem>> -> memref<8x256xf32, #tpu.memory_space<vmem>>
        %dma_wait3A_353 = arith.constant 0 : i32
        %dma_wait3A_354 = arith.constant 0 : i32
        %dma_wait3A_355 = tpu.memref_slice %arg3[%dma_wait3A_353, %dma_wait3A_354] : memref<64x1000001xf32, #tpu.memory_space<hbm>> -> memref<8x256xf32, #tpu.memory_space<hbm>>
        %dma_wait3A_356 = arith.constant 0 : i32
        %dma_wait3A_357 = arith.constant 0 : i32
        %dma_wait3A_358 = tpu.memref_slice %arg8[%dma_wait3A_347, %dma_wait3A_348, %dma_wait3A_356, %dma_wait3A_357] : memref<2x8x8x256xf32, #tpu.memory_space<vmem>> -> memref<1x1x8x256xf32, #tpu.memory_space<vmem>>
        %dma_wait3A_359 = tpu.memref_squeeze %dma_wait3A_358 : memref<1x1x8x256xf32, #tpu.memory_space<vmem>> -> memref<8x256xf32, #tpu.memory_space<vmem>>
        %dma_wait3A_360 = arith.constant 0 : i32
        %dma_wait3A_361 = arith.constant 0 : i32
        %dma_wait3A_362 = tpu.memref_slice %arg3[%dma_wait3A_360, %dma_wait3A_361] : memref<64x1000001xf32, #tpu.memory_space<hbm>> -> memref<8x256xf32, #tpu.memory_space<hbm>>
        tpu.wait_dma2 semaphore(%arg12 : memref<!tpu.dma_semaphore, #tpu.memory_space<semaphore_mem>>) src(%dma_wait3A_362 : memref<8x256xf32, #tpu.memory_space<hbm>>) dst(%dma_wait3A_359 : memref<8x256xf32, #tpu.memory_space<vmem>>)
        %dma_wait3A_363 = arith.constant 1 : i32
        %dma_wait3A_364 = arith.constant 6 : i32
        %dma_wait3A_365 = arith.constant 0 : i32
        %dma_wait3A_366 = arith.constant 0 : i32
        %dma_wait3A_367 = tpu.memref_slice %arg8[%dma_wait3A_363, %dma_wait3A_364, %dma_wait3A_365, %dma_wait3A_366] : memref<2x8x8x256xf32, #tpu.memory_space<vmem>> -> memref<1x1x8x256xf32, #tpu.memory_space<vmem>>
        %dma_wait3A_368 = tpu.memref_squeeze %dma_wait3A_367 : memref<1x1x8x256xf32, #tpu.memory_space<vmem>> -> memref<8x256xf32, #tpu.memory_space<vmem>>
        %dma_wait3A_369 = arith.constant 0 : i32
        %dma_wait3A_370 = arith.constant 0 : i32
        %dma_wait3A_371 = tpu.memref_slice %arg3[%dma_wait3A_369, %dma_wait3A_370] : memref<64x1000001xf32, #tpu.memory_space<hbm>> -> memref<8x256xf32, #tpu.memory_space<hbm>>
        %dma_wait3A_372 = arith.constant 0 : i32
        %dma_wait3A_373 = arith.constant 0 : i32
        %dma_wait3A_374 = tpu.memref_slice %arg8[%dma_wait3A_363, %dma_wait3A_364, %dma_wait3A_372, %dma_wait3A_373] : memref<2x8x8x256xf32, #tpu.memory_space<vmem>> -> memref<1x1x8x256xf32, #tpu.memory_space<vmem>>
        %dma_wait3A_375 = tpu.memref_squeeze %dma_wait3A_374 : memref<1x1x8x256xf32, #tpu.memory_space<vmem>> -> memref<8x256xf32, #tpu.memory_space<vmem>>
        %dma_wait3A_376 = arith.constant 0 : i32
        %dma_wait3A_377 = arith.constant 0 : i32
        %dma_wait3A_378 = tpu.memref_slice %arg3[%dma_wait3A_376, %dma_wait3A_377] : memref<64x1000001xf32, #tpu.memory_space<hbm>> -> memref<8x256xf32, #tpu.memory_space<hbm>>
        tpu.wait_dma2 semaphore(%arg12 : memref<!tpu.dma_semaphore, #tpu.memory_space<semaphore_mem>>) src(%dma_wait3A_378 : memref<8x256xf32, #tpu.memory_space<hbm>>) dst(%dma_wait3A_375 : memref<8x256xf32, #tpu.memory_space<vmem>>)
        %dma_wait3A_379 = arith.constant 1 : i32
        %dma_wait3A_380 = arith.constant 7 : i32
        %dma_wait3A_381 = arith.constant 0 : i32
        %dma_wait3A_382 = arith.constant 0 : i32
        %dma_wait3A_383 = tpu.memref_slice %arg8[%dma_wait3A_379, %dma_wait3A_380, %dma_wait3A_381, %dma_wait3A_382] : memref<2x8x8x256xf32, #tpu.memory_space<vmem>> -> memref<1x1x8x256xf32, #tpu.memory_space<vmem>>
        %dma_wait3A_384 = tpu.memref_squeeze %dma_wait3A_383 : memref<1x1x8x256xf32, #tpu.memory_space<vmem>> -> memref<8x256xf32, #tpu.memory_space<vmem>>
        %dma_wait3A_385 = arith.constant 0 : i32
        %dma_wait3A_386 = arith.constant 0 : i32
        %dma_wait3A_387 = tpu.memref_slice %arg3[%dma_wait3A_385, %dma_wait3A_386] : memref<64x1000001xf32, #tpu.memory_space<hbm>> -> memref<8x256xf32, #tpu.memory_space<hbm>>
        %dma_wait3A_388 = arith.constant 0 : i32
        %dma_wait3A_389 = arith.constant 0 : i32
        %dma_wait3A_390 = tpu.memref_slice %arg8[%dma_wait3A_379, %dma_wait3A_380, %dma_wait3A_388, %dma_wait3A_389] : memref<2x8x8x256xf32, #tpu.memory_space<vmem>> -> memref<1x1x8x256xf32, #tpu.memory_space<vmem>>
        %dma_wait3A_391 = tpu.memref_squeeze %dma_wait3A_390 : memref<1x1x8x256xf32, #tpu.memory_space<vmem>> -> memref<8x256xf32, #tpu.memory_space<vmem>>
        %dma_wait3A_392 = arith.constant 0 : i32
        %dma_wait3A_393 = arith.constant 0 : i32
        %dma_wait3A_394 = tpu.memref_slice %arg3[%dma_wait3A_392, %dma_wait3A_393] : memref<64x1000001xf32, #tpu.memory_space<hbm>> -> memref<8x256xf32, #tpu.memory_space<hbm>>
        tpu.wait_dma2 semaphore(%arg12 : memref<!tpu.dma_semaphore, #tpu.memory_space<semaphore_mem>>) src(%dma_wait3A_394 : memref<8x256xf32, #tpu.memory_space<hbm>>) dst(%dma_wait3A_391 : memref<8x256xf32, #tpu.memory_space<vmem>>)
      } else {
      }
      %mul3A_248 = arith.constant 246 : i32
      %mul3A_249 = arith.muli %add3A, %mul3A_248 : i32
      %mul3A_250 = arith.constant 2 : i32
      %mul3A_251 = arith.muli %mul3A_250, %scan3A_159 : i32
      %add3A_252 = arith.addi %mul3A_249, %mul3A_251 : i32
      %min3A_253 = arith.constant 7810 : i32
      %min3A_254 = arith.minsi %add3A_252, %min3A_253 : i32
      %mul3A_255 = arith.constant 128 : i32
      %mul3A_256 = arith.muli %min3A_254, %mul3A_255 : i32
      %while3A_257 = arith.constant 0 : i32
      %while3A_258 = arith.subi %shift_right_arithmetic3A_20, %while3A_257 : i32
      %while3A_259 = arith.addi %while3A_257, %while3A_258 : i32
      %while3A_260 = arith.constant 1 : i32
      %while3A_261 = arith.divsi %while3A_258, %while3A_260 : i32
      %while3A_262 = arith.muli %while3A_261, %while3A_260 : i32
      %while3A_263 = arith.addi %while3A_257, %while3A_262 : i32
      %while3A_264 = arith.constant 1 : i32
      %while3A_265 = scf.for %while3A_268 = %while3A_257 to %while3A_263 step %while3A_264 iter_args(%while3A_269 = %scan3A_160) -> (i32)  : i32 {
        %and3A_270 = arith.constant 1 : i32
        %and3A_271 = arith.andi %scan3A_159, %and3A_270 : i32
        %mul3A_272 = arith.constant 16 : i32
        %mul3A_273 = arith.muli %while3A_268, %mul3A_272 : i32
        %add3A_274 = vector.broadcast %mul3A_273 : i32 to vector<16xi32>
        %add3A_275 = arith.addi %add3A_274, %iota3A : vector<16xi32>
        %gather3A = tpu.vector_load_idx %arg6[%add3A_275] : memref<16384xi32, #tpu.memory_space<vmem>>[vector<16xi32>], vector<16xi32>,
        %mul3A_276 = arith.constant 16 : i32
        %mul3A_277 = arith.muli %while3A_268, %mul3A_276 : i32
        %add3A_278 = vector.broadcast %mul3A_277 : i32 to vector<16xi32>
        %add3A_279 = arith.addi %add3A_278, %iota3A : vector<16xi32>
        %gather3A_280 = tpu.vector_load_idx %arg7[%add3A_279] : memref<16384xi32, #tpu.memory_space<vmem>>[vector<16xi32>], vector<16xi32>,
        %ge3A = vector.broadcast %mul3A_256 : i32 to vector<16xi32>
        %ge3A_281 = arith.cmpi sge, %gather3A_280, %ge3A : vector<16xi32>
        %add3A_282 = arith.constant 256 : i32
        %add3A_283 = arith.addi %mul3A_256, %add3A_282 : i32
        %lt3A_284 = vector.broadcast %add3A_283 : i32 to vector<16xi32>
        %lt3A_285 = arith.cmpi slt, %gather3A_280, %lt3A_284 : vector<16xi32>
        %and3A_286 = arith.andi %ge3A_281, %lt3A_285 : vector<16xi1>
        %all_reduce_population_count3A = tpu.all_reduce %and3A_286 {dim = 0 : i64, kind = #tpu.reduction_kind<sum>} : vector<16xi1> -> vector<16xi32>
        %slice3A = vector.extract_strided_slice %all_reduce_population_count3A {offsets = [0], sizes = [1], strides = [1]} : vector<16xi32> to vector<1xi32>
        %squeeze3A = vector.extract %slice3A[0] : i32 from vector<1xi32>
        %gt3A = arith.constant 0 : i32
        %gt3A_287 = arith.cmpi sgt, %squeeze3A, %gt3A : i32
        %convert_element_type3A_288 = arith.extui %gt3A_287 : i1 to i32
        %cond3A_289 = arith.constant 0 : i32
        %cond3A_290 = arith.cmpi ne, %convert_element_type3A_288, %cond3A_289 : i32
        scf.if %cond3A_290 {
          %ge3A_298 = arith.constant 8 : i32
          %ge3A_299 = arith.cmpi sge, %while3A_269, %ge3A_298 : i32
          %convert_element_type3A_300 = arith.extui %ge3A_299 : i1 to i32
          %cond3A_301 = arith.constant 0 : i32
          %cond3A_302 = arith.cmpi ne, %convert_element_type3A_300, %cond3A_301 : i32
          scf.if %cond3A_302 {
            %dma_wait3A = arith.constant 0 : i32
            %dma_wait3A_320 = arith.constant 0 : i32
            %dma_wait3A_321 = arith.constant 0 : i32
            %dma_wait3A_322 = tpu.memref_slice %arg10[%dma_wait3A, %dma_wait3A_320, %dma_wait3A_321] : memref<8x16x128xf32, #tpu.memory_space<vmem>> -> memref<1x16x128xf32, #tpu.memory_space<vmem>>
            %dma_wait3A_323 = tpu.memref_squeeze %dma_wait3A_322 : memref<1x16x128xf32, #tpu.memory_space<vmem>> -> memref<16x128xf32, #tpu.memory_space<vmem>>
            %dma_wait3A_324 = arith.constant 0 : i32
            %dma_wait3A_325 = arith.constant 0 : i32
            %dma_wait3A_326 = tpu.memref_slice %arg4[%dma_wait3A_324, %dma_wait3A_325] : memref<16385x128xf32, #tpu.memory_space<hbm>> -> memref<16x128xf32, #tpu.memory_space<hbm>>
            %dma_wait3A_327 = arith.constant 0 : i32
            %dma_wait3A_328 = arith.constant 0 : i32
            %dma_wait3A_329 = tpu.memref_slice %arg4[%dma_wait3A_327, %dma_wait3A_328] : memref<16385x128xf32, #tpu.memory_space<hbm>> -> memref<16x128xf32, #tpu.memory_space<hbm>>
            %dma_wait3A_330 = arith.constant 0 : i32
            %dma_wait3A_331 = arith.constant 0 : i32
            %dma_wait3A_332 = tpu.memref_slice %arg10[%dma_wait3A, %dma_wait3A_330, %dma_wait3A_331] : memref<8x16x128xf32, #tpu.memory_space<vmem>> -> memref<1x16x128xf32, #tpu.memory_space<vmem>>
            %dma_wait3A_333 = tpu.memref_squeeze %dma_wait3A_332 : memref<1x16x128xf32, #tpu.memory_space<vmem>> -> memref<16x128xf32, #tpu.memory_space<vmem>>
            tpu.wait_dma2 semaphore(%arg13 : memref<!tpu.dma_semaphore, #tpu.memory_space<semaphore_mem>>) src(%dma_wait3A_333 : memref<16x128xf32, #tpu.memory_space<vmem>>) dst(%dma_wait3A_329 : memref<16x128xf32, #tpu.memory_space<hbm>>)
          } else {
          }
          %and3A_303 = arith.constant 7 : i32
          %and3A_304 = arith.andi %while3A_269, %and3A_303 : i32
          %scan3A_305 = arith.constant 0 : i32
          %scan3A_306 = arith.constant 16 : i32
          %scan3A_307 = arith.addi %scan3A_305, %scan3A_306 : i32
          %scan3A_308 = arith.constant 1 : i32
          scf.for %scan3A_320 = %scan3A_305 to %scan3A_307 step %scan3A_308  : i32 {
            %mul3A_321 = arith.constant 16 : i32
            %mul3A_322 = arith.muli %while3A_268, %mul3A_321 : i32
            %add3A_323 = arith.addi %mul3A_322, %scan3A_320 : i32
            %mul3A_324 = arith.constant 0 : i32
            %mul3A_325 = vector.broadcast %mul3A_324 : i32 to vector<16xi32>
            %mul3A_326 = arith.muli %mul3A_325, %iota3A : vector<16xi32>
            %add3A_327 = vector.broadcast %add3A_323 : i32 to vector<16xi32>
            %add3A_328 = arith.addi %add3A_327, %mul3A_326 : vector<16xi32>
            %gather3A_329 = tpu.vector_load_idx %arg7[%add3A_328] : memref<16384xi32, #tpu.memory_space<vmem>>[vector<16xi32>], vector<16xi32>,
            %sub3A_330 = vector.broadcast %mul3A_256 : i32 to vector<16xi32>
            %sub3A_331 = arith.subi %gather3A_329, %sub3A_330 : vector<16xi32>
            %jit3A_332 = arith.constant 0 : i32
            %jit3A_333 = arith.constant 255 : i32
            %max3A = vector.broadcast %jit3A_332 : i32 to vector<16xi32>
            %max3A_334 = arith.maxsi %max3A, %sub3A_331 : vector<16xi32>
            %min3A_335 = vector.broadcast %jit3A_333 : i32 to vector<16xi32>
            %min3A_336 = arith.minsi %min3A_335, %max3A_334 : vector<16xi32>
            %add3A_337 = arith.constant 0 : i32
            %add3A_338 = vector.broadcast %add3A_337 : i32 to vector<16xi32>
            %add3A_339 = arith.addi %iota3A, %add3A_338 : vector<16xi32>
            %shift_right_arithmetic3A_340 = arith.constant 3 : i32
            %shift_right_arithmetic3A_341 = vector.broadcast %shift_right_arithmetic3A_340 : i32 to vector<16xi32>
            %shift_right_arithmetic3A_342 = arith.shrsi %add3A_339, %shift_right_arithmetic3A_341 : vector<16xi32>
            %and3A_343 = arith.constant 7 : i32
            %and3A_344 = vector.broadcast %and3A_343 : i32 to vector<16xi32>
            %and3A_345 = arith.andi %add3A_339, %and3A_344 : vector<16xi32>
            %gather3A_346 = arith.constant 0 : i32
            %gather3A_347 = arith.constant 0 : i32
            %gather3A_348 = arith.constant 0 : i32
            %gather3A_349 = tpu.memref_slice %arg8[%and3A_271, %gather3A_346, %gather3A_347, %gather3A_348] : memref<2x8x8x256xf32, #tpu.memory_space<vmem>> -> memref<1x8x8x256xf32, #tpu.memory_space<vmem>>
            %gather3A_350 = tpu.memref_squeeze %gather3A_349 : memref<1x8x8x256xf32, #tpu.memory_space<vmem>> -> memref<8x8x256xf32, #tpu.memory_space<vmem>>
            %gather3A_351 = tpu.vector_load_idx %gather3A_350[%shift_right_arithmetic3A_342, %and3A_345, %min3A_336] : memref<8x8x256xf32, #tpu.memory_space<vmem>>[vector<16xi32>, vector<16xi32>, vector<16xi32>], vector<16xf32>,
            %swap3A = arith.index_cast %and3A_304 : i32 to index
            %swap3A_352 = arith.index_cast %scan3A_320 : i32 to index
            %swap3A_353 = arith.constant 0 : index
            %swap3A_354 = tpu.vector_load %arg10[%swap3A, %swap3A_352, %swap3A_353] {strides = array<i32>} : memref<8x16x128xf32, #tpu.memory_space<vmem>>, vector<16xf32>,
            tpu.vector_store %arg10[%swap3A, %swap3A_352, %swap3A_353], %gather3A_351 {strides = array<i32>} : memref<8x16x128xf32, #tpu.memory_space<vmem>>, vector<16xf32>,
            %add3A_355 = arith.constant 16 : i32
            %add3A_356 = vector.broadcast %add3A_355 : i32 to vector<16xi32>
            %add3A_357 = arith.addi %iota3A, %add3A_356 : vector<16xi32>
            %shift_right_arithmetic3A_358 = arith.constant 3 : i32
            %shift_right_arithmetic3A_359 = vector.broadcast %shift_right_arithmetic3A_358 : i32 to vector<16xi32>
            %shift_right_arithmetic3A_360 = arith.shrsi %add3A_357, %shift_right_arithmetic3A_359 : vector<16xi32>
            %and3A_361 = arith.constant 7 : i32
            %and3A_362 = vector.broadcast %and3A_361 : i32 to vector<16xi32>
            %and3A_363 = arith.andi %add3A_357, %and3A_362 : vector<16xi32>
            %gather3A_364 = arith.constant 0 : i32
            %gather3A_365 = arith.constant 0 : i32
            %gather3A_366 = arith.constant 0 : i32
            %gather3A_367 = tpu.memref_slice %arg8[%and3A_271, %gather3A_364, %gather3A_365, %gather3A_366] : memref<2x8x8x256xf32, #tpu.memory_space<vmem>> -> memref<1x8x8x256xf32, #tpu.memory_space<vmem>>
            %gather3A_368 = tpu.memref_squeeze %gather3A_367 : memref<1x8x8x256xf32, #tpu.memory_space<vmem>> -> memref<8x8x256xf32, #tpu.memory_space<vmem>>
            %gather3A_369 = tpu.vector_load_idx %gather3A_368[%shift_right_arithmetic3A_360, %and3A_363, %min3A_336] : memref<8x8x256xf32, #tpu.memory_space<vmem>>[vector<16xi32>, vector<16xi32>, vector<16xi32>], vector<16xf32>,
            %swap3A_370 = arith.index_cast %and3A_304 : i32 to index
            %swap3A_371 = arith.index_cast %scan3A_320 : i32 to index
            %swap3A_372 = arith.constant 16 : index
            %swap3A_373 = tpu.vector_load %arg10[%swap3A_370, %swap3A_371, %swap3A_372] {strides = array<i32>} : memref<8x16x128xf32, #tpu.memory_space<vmem>>, vector<16xf32>,
            tpu.vector_store %arg10[%swap3A_370, %swap3A_371, %swap3A_372], %gather3A_369 {strides = array<i32>} : memref<8x16x128xf32, #tpu.memory_space<vmem>>, vector<16xf32>,
            %add3A_374 = arith.constant 32 : i32
            %add3A_375 = vector.broadcast %add3A_374 : i32 to vector<16xi32>
            %add3A_376 = arith.addi %iota3A, %add3A_375 : vector<16xi32>
            %shift_right_arithmetic3A_377 = arith.constant 3 : i32
            %shift_right_arithmetic3A_378 = vector.broadcast %shift_right_arithmetic3A_377 : i32 to vector<16xi32>
            %shift_right_arithmetic3A_379 = arith.shrsi %add3A_376, %shift_right_arithmetic3A_378 : vector<16xi32>
            %and3A_380 = arith.constant 7 : i32
            %and3A_381 = vector.broadcast %and3A_380 : i32 to vector<16xi32>
            %and3A_382 = arith.andi %add3A_376, %and3A_381 : vector<16xi32>
            %gather3A_383 = arith.constant 0 : i32
            %gather3A_384 = arith.constant 0 : i32
            %gather3A_385 = arith.constant 0 : i32
            %gather3A_386 = tpu.memref_slice %arg8[%and3A_271, %gather3A_383, %gather3A_384, %gather3A_385] : memref<2x8x8x256xf32, #tpu.memory_space<vmem>> -> memref<1x8x8x256xf32, #tpu.memory_space<vmem>>
            %gather3A_387 = tpu.memref_squeeze %gather3A_386 : memref<1x8x8x256xf32, #tpu.memory_space<vmem>> -> memref<8x8x256xf32, #tpu.memory_space<vmem>>
            %gather3A_388 = tpu.vector_load_idx %gather3A_387[%shift_right_arithmetic3A_379, %and3A_382, %min3A_336] : memref<8x8x256xf32, #tpu.memory_space<vmem>>[vector<16xi32>, vector<16xi32>, vector<16xi32>], vector<16xf32>,
            %swap3A_389 = arith.index_cast %and3A_304 : i32 to index
            %swap3A_390 = arith.index_cast %scan3A_320 : i32 to index
            %swap3A_391 = arith.constant 32 : index
            %swap3A_392 = tpu.vector_load %arg10[%swap3A_389, %swap3A_390, %swap3A_391] {strides = array<i32>} : memref<8x16x128xf32, #tpu.memory_space<vmem>>, vector<16xf32>,
            tpu.vector_store %arg10[%swap3A_389, %swap3A_390, %swap3A_391], %gather3A_388 {strides = array<i32>} : memref<8x16x128xf32, #tpu.memory_space<vmem>>, vector<16xf32>,
            %add3A_393 = arith.constant 48 : i32
            %add3A_394 = vector.broadcast %add3A_393 : i32 to vector<16xi32>
            %add3A_395 = arith.addi %iota3A, %add3A_394 : vector<16xi32>
            %shift_right_arithmetic3A_396 = arith.constant 3 : i32
            %shift_right_arithmetic3A_397 = vector.broadcast %shift_right_arithmetic3A_396 : i32 to vector<16xi32>
            %shift_right_arithmetic3A_398 = arith.shrsi %add3A_395, %shift_right_arithmetic3A_397 : vector<16xi32>
            %and3A_399 = arith.constant 7 : i32
            %and3A_400 = vector.broadcast %and3A_399 : i32 to vector<16xi32>
            %and3A_401 = arith.andi %add3A_395, %and3A_400 : vector<16xi32>
            %gather3A_402 = arith.constant 0 : i32
            %gather3A_403 = arith.constant 0 : i32
            %gather3A_404 = arith.constant 0 : i32
            %gather3A_405 = tpu.memref_slice %arg8[%and3A_271, %gather3A_402, %gather3A_403, %gather3A_404] : memref<2x8x8x256xf32, #tpu.memory_space<vmem>> -> memref<1x8x8x256xf32, #tpu.memory_space<vmem>>
            %gather3A_406 = tpu.memref_squeeze %gather3A_405 : memref<1x8x8x256xf32, #tpu.memory_space<vmem>> -> memref<8x8x256xf32, #tpu.memory_space<vmem>>
            %gather3A_407 = tpu.vector_load_idx %gather3A_406[%shift_right_arithmetic3A_398, %and3A_401, %min3A_336] : memref<8x8x256xf32, #tpu.memory_space<vmem>>[vector<16xi32>, vector<16xi32>, vector<16xi32>], vector<16xf32>,
            %swap3A_408 = arith.index_cast %and3A_304 : i32 to index
            %swap3A_409 = arith.index_cast %scan3A_320 : i32 to index
            %swap3A_410 = arith.constant 48 : index
            %swap3A_411 = tpu.vector_load %arg10[%swap3A_408, %swap3A_409, %swap3A_410] {strides = array<i32>} : memref<8x16x128xf32, #tpu.memory_space<vmem>>, vector<16xf32>,
            tpu.vector_store %arg10[%swap3A_408, %swap3A_409, %swap3A_410], %gather3A_407 {strides = array<i32>} : memref<8x16x128xf32, #tpu.memory_space<vmem>>, vector<16xf32>,
          }
          %scan3A_309 = arith.constant 16 : i32
          %jit3A_310 = arith.constant 16384 : i32
          %broadcast_in_dim3A_311 = vector.broadcast %jit3A_310 : i32 to vector<16xi32>
          %select_n3A_312 = arith.select %and3A_286, %gather3A, %broadcast_in_dim3A_311 : vector<16xi1>, vector<16xi32>
          %dma_start3A_313 = arith.constant 0 : i32
          %dma_start3A_314 = arith.constant 0 : i32
          %dma_start3A_315 = tpu.memref_slice %arg10[%and3A_304, %dma_start3A_313, %dma_start3A_314] : memref<8x16x128xf32, #tpu.memory_space<vmem>> -> memref<1x16x128xf32, #tpu.memory_space<vmem>>
          %dma_start3A_316 = tpu.memref_squeeze %dma_start3A_315 : memref<1x16x128xf32, #tpu.memory_space<vmem>> -> memref<16x128xf32, #tpu.memory_space<vmem>>
          %dma_start3A_317 = arith.constant 0 : i32
          %dma_start3A_318 = arith.constant 0 : i32
          %dma_start3A_319 = tpu.memref_slice %arg4[%dma_start3A_317, %dma_start3A_318] : memref<16385x128xf32, #tpu.memory_space<hbm>> -> memref<16385x128xf32, #tpu.memory_space<hbm>>
          tpu.enqueue_indirect_dma source(%dma_start3A_316 : memref<16x128xf32, #tpu.memory_space<vmem>>) target(%dma_start3A_319 : memref<16385x128xf32, #tpu.memory_space<hbm>>) offsets(%select_n3A_312 : vector<16xi32>) semaphore(%arg13 : memref<!tpu.dma_semaphore, #tpu.memory_space<semaphore_mem>>)
        } else {
        }
        %slice3A_291 = vector.extract_strided_slice %all_reduce_population_count3A {offsets = [0], sizes = [1], strides = [1]} : vector<16xi32> to vector<1xi32>
        %squeeze3A_292 = vector.extract %slice3A_291[0] : i32 from vector<1xi32>
        %gt3A_293 = arith.constant 0 : i32
        %gt3A_294 = arith.cmpi sgt, %squeeze3A_292, %gt3A_293 : i32
        %add3A_295 = arith.constant 1 : i32
        %add3A_296 = arith.addi %while3A_269, %add3A_295 : i32
        %select_n3A_297 = arith.select %gt3A_294, %add3A_296, %while3A_269 : i32
        scf.yield %select_n3A_297 : i32
      }
      %while3A_266 = arith.constant 1 : i32
      %while3A_267 = scf.for %while3A_268 = %while3A_263 to %while3A_259 step %while3A_266 iter_args(%while3A_269 = %while3A_265) -> (i32)  : i32 {
        %and3A_270 = arith.constant 1 : i32
        %and3A_271 = arith.andi %scan3A_159, %and3A_270 : i32
        %mul3A_272 = arith.constant 16 : i32
        %mul3A_273 = arith.muli %while3A_268, %mul3A_272 : i32
        %add3A_274 = vector.broadcast %mul3A_273 : i32 to vector<16xi32>
        %add3A_275 = arith.addi %add3A_274, %iota3A : vector<16xi32>
        %gather3A = tpu.vector_load_idx %arg6[%add3A_275] : memref<16384xi32, #tpu.memory_space<vmem>>[vector<16xi32>], vector<16xi32>,
        %mul3A_276 = arith.constant 16 : i32
        %mul3A_277 = arith.muli %while3A_268, %mul3A_276 : i32
        %add3A_278 = vector.broadcast %mul3A_277 : i32 to vector<16xi32>
        %add3A_279 = arith.addi %add3A_278, %iota3A : vector<16xi32>
        %gather3A_280 = tpu.vector_load_idx %arg7[%add3A_279] : memref<16384xi32, #tpu.memory_space<vmem>>[vector<16xi32>], vector<16xi32>,
        %ge3A = vector.broadcast %mul3A_256 : i32 to vector<16xi32>
        %ge3A_281 = arith.cmpi sge, %gather3A_280, %ge3A : vector<16xi32>
        %add3A_282 = arith.constant 256 : i32
        %add3A_283 = arith.addi %mul3A_256, %add3A_282 : i32
        %lt3A_284 = vector.broadcast %add3A_283 : i32 to vector<16xi32>
        %lt3A_285 = arith.cmpi slt, %gather3A_280, %lt3A_284 : vector<16xi32>
        %and3A_286 = arith.andi %ge3A_281, %lt3A_285 : vector<16xi1>
        %all_reduce_population_count3A = tpu.all_reduce %and3A_286 {dim = 0 : i64, kind = #tpu.reduction_kind<sum>} : vector<16xi1> -> vector<16xi32>
        %slice3A = vector.extract_strided_slice %all_reduce_population_count3A {offsets = [0], sizes = [1], strides = [1]} : vector<16xi32> to vector<1xi32>
        %squeeze3A = vector.extract %slice3A[0] : i32 from vector<1xi32>
        %gt3A = arith.constant 0 : i32
        %gt3A_287 = arith.cmpi sgt, %squeeze3A, %gt3A : i32
        %convert_element_type3A_288 = arith.extui %gt3A_287 : i1 to i32
        %cond3A_289 = arith.constant 0 : i32
        %cond3A_290 = arith.cmpi ne, %convert_element_type3A_288, %cond3A_289 : i32
        scf.if %cond3A_290 {
          %ge3A_298 = arith.constant 8 : i32
          %ge3A_299 = arith.cmpi sge, %while3A_269, %ge3A_298 : i32
          %convert_element_type3A_300 = arith.extui %ge3A_299 : i1 to i32
          %cond3A_301 = arith.constant 0 : i32
          %cond3A_302 = arith.cmpi ne, %convert_element_type3A_300, %cond3A_301 : i32
          scf.if %cond3A_302 {
            %dma_wait3A = arith.constant 0 : i32
            %dma_wait3A_320 = arith.constant 0 : i32
            %dma_wait3A_321 = arith.constant 0 : i32
            %dma_wait3A_322 = tpu.memref_slice %arg10[%dma_wait3A, %dma_wait3A_320, %dma_wait3A_321] : memref<8x16x128xf32, #tpu.memory_space<vmem>> -> memref<1x16x128xf32, #tpu.memory_space<vmem>>
            %dma_wait3A_323 = tpu.memref_squeeze %dma_wait3A_322 : memref<1x16x128xf32, #tpu.memory_space<vmem>> -> memref<16x128xf32, #tpu.memory_space<vmem>>
            %dma_wait3A_324 = arith.constant 0 : i32
            %dma_wait3A_325 = arith.constant 0 : i32
            %dma_wait3A_326 = tpu.memref_slice %arg4[%dma_wait3A_324, %dma_wait3A_325] : memref<16385x128xf32, #tpu.memory_space<hbm>> -> memref<16x128xf32, #tpu.memory_space<hbm>>
            %dma_wait3A_327 = arith.constant 0 : i32
            %dma_wait3A_328 = arith.constant 0 : i32
            %dma_wait3A_329 = tpu.memref_slice %arg4[%dma_wait3A_327, %dma_wait3A_328] : memref<16385x128xf32, #tpu.memory_space<hbm>> -> memref<16x128xf32, #tpu.memory_space<hbm>>
            %dma_wait3A_330 = arith.constant 0 : i32
            %dma_wait3A_331 = arith.constant 0 : i32
            %dma_wait3A_332 = tpu.memref_slice %arg10[%dma_wait3A, %dma_wait3A_330, %dma_wait3A_331] : memref<8x16x128xf32, #tpu.memory_space<vmem>> -> memref<1x16x128xf32, #tpu.memory_space<vmem>>
            %dma_wait3A_333 = tpu.memref_squeeze %dma_wait3A_332 : memref<1x16x128xf32, #tpu.memory_space<vmem>> -> memref<16x128xf32, #tpu.memory_space<vmem>>
            tpu.wait_dma2 semaphore(%arg13 : memref<!tpu.dma_semaphore, #tpu.memory_space<semaphore_mem>>) src(%dma_wait3A_333 : memref<16x128xf32, #tpu.memory_space<vmem>>) dst(%dma_wait3A_329 : memref<16x128xf32, #tpu.memory_space<hbm>>)
          } else {
          }
          %and3A_303 = arith.constant 7 : i32
          %and3A_304 = arith.andi %while3A_269, %and3A_303 : i32
          %scan3A_305 = arith.constant 0 : i32
          %scan3A_306 = arith.constant 16 : i32
          %scan3A_307 = arith.addi %scan3A_305, %scan3A_306 : i32
          %scan3A_308 = arith.constant 1 : i32
          scf.for %scan3A_320 = %scan3A_305 to %scan3A_307 step %scan3A_308  : i32 {
            %mul3A_321 = arith.constant 16 : i32
            %mul3A_322 = arith.muli %while3A_268, %mul3A_321 : i32
            %add3A_323 = arith.addi %mul3A_322, %scan3A_320 : i32
            %mul3A_324 = arith.constant 0 : i32
            %mul3A_325 = vector.broadcast %mul3A_324 : i32 to vector<16xi32>
            %mul3A_326 = arith.muli %mul3A_325, %iota3A : vector<16xi32>
            %add3A_327 = vector.broadcast %add3A_323 : i32 to vector<16xi32>
            %add3A_328 = arith.addi %add3A_327, %mul3A_326 : vector<16xi32>
            %gather3A_329 = tpu.vector_load_idx %arg7[%add3A_328] : memref<16384xi32, #tpu.memory_space<vmem>>[vector<16xi32>], vector<16xi32>,
            %sub3A_330 = vector.broadcast %mul3A_256 : i32 to vector<16xi32>
            %sub3A_331 = arith.subi %gather3A_329, %sub3A_330 : vector<16xi32>
            %jit3A_332 = arith.constant 0 : i32
            %jit3A_333 = arith.constant 255 : i32
            %max3A = vector.broadcast %jit3A_332 : i32 to vector<16xi32>
            %max3A_334 = arith.maxsi %max3A, %sub3A_331 : vector<16xi32>
            %min3A_335 = vector.broadcast %jit3A_333 : i32 to vector<16xi32>
            %min3A_336 = arith.minsi %min3A_335, %max3A_334 : vector<16xi32>
            %add3A_337 = arith.constant 0 : i32
            %add3A_338 = vector.broadcast %add3A_337 : i32 to vector<16xi32>
            %add3A_339 = arith.addi %iota3A, %add3A_338 : vector<16xi32>
            %shift_right_arithmetic3A_340 = arith.constant 3 : i32
            %shift_right_arithmetic3A_341 = vector.broadcast %shift_right_arithmetic3A_340 : i32 to vector<16xi32>
            %shift_right_arithmetic3A_342 = arith.shrsi %add3A_339, %shift_right_arithmetic3A_341 : vector<16xi32>
            %and3A_343 = arith.constant 7 : i32
            %and3A_344 = vector.broadcast %and3A_343 : i32 to vector<16xi32>
            %and3A_345 = arith.andi %add3A_339, %and3A_344 : vector<16xi32>
            %gather3A_346 = arith.constant 0 : i32
            %gather3A_347 = arith.constant 0 : i32
            %gather3A_348 = arith.constant 0 : i32
            %gather3A_349 = tpu.memref_slice %arg8[%and3A_271, %gather3A_346, %gather3A_347, %gather3A_348] : memref<2x8x8x256xf32, #tpu.memory_space<vmem>> -> memref<1x8x8x256xf32, #tpu.memory_space<vmem>>
            %gather3A_350 = tpu.memref_squeeze %gather3A_349 : memref<1x8x8x256xf32, #tpu.memory_space<vmem>> -> memref<8x8x256xf32, #tpu.memory_space<vmem>>
            %gather3A_351 = tpu.vector_load_idx %gather3A_350[%shift_right_arithmetic3A_342, %and3A_345, %min3A_336] : memref<8x8x256xf32, #tpu.memory_space<vmem>>[vector<16xi32>, vector<16xi32>, vector<16xi32>], vector<16xf32>,
            %swap3A = arith.index_cast %and3A_304 : i32 to index
            %swap3A_352 = arith.index_cast %scan3A_320 : i32 to index
            %swap3A_353 = arith.constant 0 : index
            %swap3A_354 = tpu.vector_load %arg10[%swap3A, %swap3A_352, %swap3A_353] {strides = array<i32>} : memref<8x16x128xf32, #tpu.memory_space<vmem>>, vector<16xf32>,
            tpu.vector_store %arg10[%swap3A, %swap3A_352, %swap3A_353], %gather3A_351 {strides = array<i32>} : memref<8x16x128xf32, #tpu.memory_space<vmem>>, vector<16xf32>,
            %add3A_355 = arith.constant 16 : i32
            %add3A_356 = vector.broadcast %add3A_355 : i32 to vector<16xi32>
            %add3A_357 = arith.addi %iota3A, %add3A_356 : vector<16xi32>
            %shift_right_arithmetic3A_358 = arith.constant 3 : i32
            %shift_right_arithmetic3A_359 = vector.broadcast %shift_right_arithmetic3A_358 : i32 to vector<16xi32>
            %shift_right_arithmetic3A_360 = arith.shrsi %add3A_357, %shift_right_arithmetic3A_359 : vector<16xi32>
            %and3A_361 = arith.constant 7 : i32
            %and3A_362 = vector.broadcast %and3A_361 : i32 to vector<16xi32>
            %and3A_363 = arith.andi %add3A_357, %and3A_362 : vector<16xi32>
            %gather3A_364 = arith.constant 0 : i32
            %gather3A_365 = arith.constant 0 : i32
            %gather3A_366 = arith.constant 0 : i32
            %gather3A_367 = tpu.memref_slice %arg8[%and3A_271, %gather3A_364, %gather3A_365, %gather3A_366] : memref<2x8x8x256xf32, #tpu.memory_space<vmem>> -> memref<1x8x8x256xf32, #tpu.memory_space<vmem>>
            %gather3A_368 = tpu.memref_squeeze %gather3A_367 : memref<1x8x8x256xf32, #tpu.memory_space<vmem>> -> memref<8x8x256xf32, #tpu.memory_space<vmem>>
            %gather3A_369 = tpu.vector_load_idx %gather3A_368[%shift_right_arithmetic3A_360, %and3A_363, %min3A_336] : memref<8x8x256xf32, #tpu.memory_space<vmem>>[vector<16xi32>, vector<16xi32>, vector<16xi32>], vector<16xf32>,
            %swap3A_370 = arith.index_cast %and3A_304 : i32 to index
            %swap3A_371 = arith.index_cast %scan3A_320 : i32 to index
            %swap3A_372 = arith.constant 16 : index
            %swap3A_373 = tpu.vector_load %arg10[%swap3A_370, %swap3A_371, %swap3A_372] {strides = array<i32>} : memref<8x16x128xf32, #tpu.memory_space<vmem>>, vector<16xf32>,
            tpu.vector_store %arg10[%swap3A_370, %swap3A_371, %swap3A_372], %gather3A_369 {strides = array<i32>} : memref<8x16x128xf32, #tpu.memory_space<vmem>>, vector<16xf32>,
            %add3A_374 = arith.constant 32 : i32
            %add3A_375 = vector.broadcast %add3A_374 : i32 to vector<16xi32>
            %add3A_376 = arith.addi %iota3A, %add3A_375 : vector<16xi32>
            %shift_right_arithmetic3A_377 = arith.constant 3 : i32
            %shift_right_arithmetic3A_378 = vector.broadcast %shift_right_arithmetic3A_377 : i32 to vector<16xi32>
            %shift_right_arithmetic3A_379 = arith.shrsi %add3A_376, %shift_right_arithmetic3A_378 : vector<16xi32>
            %and3A_380 = arith.constant 7 : i32
            %and3A_381 = vector.broadcast %and3A_380 : i32 to vector<16xi32>
            %and3A_382 = arith.andi %add3A_376, %and3A_381 : vector<16xi32>
            %gather3A_383 = arith.constant 0 : i32
            %gather3A_384 = arith.constant 0 : i32
            %gather3A_385 = arith.constant 0 : i32
            %gather3A_386 = tpu.memref_slice %arg8[%and3A_271, %gather3A_383, %gather3A_384, %gather3A_385] : memref<2x8x8x256xf32, #tpu.memory_space<vmem>> -> memref<1x8x8x256xf32, #tpu.memory_space<vmem>>
            %gather3A_387 = tpu.memref_squeeze %gather3A_386 : memref<1x8x8x256xf32, #tpu.memory_space<vmem>> -> memref<8x8x256xf32, #tpu.memory_space<vmem>>
            %gather3A_388 = tpu.vector_load_idx %gather3A_387[%shift_right_arithmetic3A_379, %and3A_382, %min3A_336] : memref<8x8x256xf32, #tpu.memory_space<vmem>>[vector<16xi32>, vector<16xi32>, vector<16xi32>], vector<16xf32>,
            %swap3A_389 = arith.index_cast %and3A_304 : i32 to index
            %swap3A_390 = arith.index_cast %scan3A_320 : i32 to index
            %swap3A_391 = arith.constant 32 : index
            %swap3A_392 = tpu.vector_load %arg10[%swap3A_389, %swap3A_390, %swap3A_391] {strides = array<i32>} : memref<8x16x128xf32, #tpu.memory_space<vmem>>, vector<16xf32>,
            tpu.vector_store %arg10[%swap3A_389, %swap3A_390, %swap3A_391], %gather3A_388 {strides = array<i32>} : memref<8x16x128xf32, #tpu.memory_space<vmem>>, vector<16xf32>,
            %add3A_393 = arith.constant 48 : i32
            %add3A_394 = vector.broadcast %add3A_393 : i32 to vector<16xi32>
            %add3A_395 = arith.addi %iota3A, %add3A_394 : vector<16xi32>
            %shift_right_arithmetic3A_396 = arith.constant 3 : i32
            %shift_right_arithmetic3A_397 = vector.broadcast %shift_right_arithmetic3A_396 : i32 to vector<16xi32>
            %shift_right_arithmetic3A_398 = arith.shrsi %add3A_395, %shift_right_arithmetic3A_397 : vector<16xi32>
            %and3A_399 = arith.constant 7 : i32
            %and3A_400 = vector.broadcast %and3A_399 : i32 to vector<16xi32>
            %and3A_401 = arith.andi %add3A_395, %and3A_400 : vector<16xi32>
            %gather3A_402 = arith.constant 0 : i32
            %gather3A_403 = arith.constant 0 : i32
            %gather3A_404 = arith.constant 0 : i32
            %gather3A_405 = tpu.memref_slice %arg8[%and3A_271, %gather3A_402, %gather3A_403, %gather3A_404] : memref<2x8x8x256xf32, #tpu.memory_space<vmem>> -> memref<1x8x8x256xf32, #tpu.memory_space<vmem>>
            %gather3A_406 = tpu.memref_squeeze %gather3A_405 : memref<1x8x8x256xf32, #tpu.memory_space<vmem>> -> memref<8x8x256xf32, #tpu.memory_space<vmem>>
            %gather3A_407 = tpu.vector_load_idx %gather3A_406[%shift_right_arithmetic3A_398, %and3A_401, %min3A_336] : memref<8x8x256xf32, #tpu.memory_space<vmem>>[vector<16xi32>, vector<16xi32>, vector<16xi32>], vector<16xf32>,
            %swap3A_408 = arith.index_cast %and3A_304 : i32 to index
            %swap3A_409 = arith.index_cast %scan3A_320 : i32 to index
            %swap3A_410 = arith.constant 48 : index
            %swap3A_411 = tpu.vector_load %arg10[%swap3A_408, %swap3A_409, %swap3A_410] {strides = array<i32>} : memref<8x16x128xf32, #tpu.memory_space<vmem>>, vector<16xf32>,
            tpu.vector_store %arg10[%swap3A_408, %swap3A_409, %swap3A_410], %gather3A_407 {strides = array<i32>} : memref<8x16x128xf32, #tpu.memory_space<vmem>>, vector<16xf32>,
          }
          %scan3A_309 = arith.constant 16 : i32
          %jit3A_310 = arith.constant 16384 : i32
          %broadcast_in_dim3A_311 = vector.broadcast %jit3A_310 : i32 to vector<16xi32>
          %select_n3A_312 = arith.select %and3A_286, %gather3A, %broadcast_in_dim3A_311 : vector<16xi1>, vector<16xi32>
          %dma_start3A_313 = arith.constant 0 : i32
          %dma_start3A_314 = arith.constant 0 : i32
          %dma_start3A_315 = tpu.memref_slice %arg10[%and3A_304, %dma_start3A_313, %dma_start3A_314] : memref<8x16x128xf32, #tpu.memory_space<vmem>> -> memref<1x16x128xf32, #tpu.memory_space<vmem>>
          %dma_start3A_316 = tpu.memref_squeeze %dma_start3A_315 : memref<1x16x128xf32, #tpu.memory_space<vmem>> -> memref<16x128xf32, #tpu.memory_space<vmem>>
          %dma_start3A_317 = arith.constant 0 : i32
          %dma_start3A_318 = arith.constant 0 : i32
          %dma_start3A_319 = tpu.memref_slice %arg4[%dma_start3A_317, %dma_start3A_318] : memref<16385x128xf32, #tpu.memory_space<hbm>> -> memref<16385x128xf32, #tpu.memory_space<hbm>>
          tpu.enqueue_indirect_dma source(%dma_start3A_316 : memref<16x128xf32, #tpu.memory_space<vmem>>) target(%dma_start3A_319 : memref<16385x128xf32, #tpu.memory_space<hbm>>) offsets(%select_n3A_312 : vector<16xi32>) semaphore(%arg13 : memref<!tpu.dma_semaphore, #tpu.memory_space<semaphore_mem>>)
        } else {
        }
        %slice3A_291 = vector.extract_strided_slice %all_reduce_population_count3A {offsets = [0], sizes = [1], strides = [1]} : vector<16xi32> to vector<1xi32>
        %squeeze3A_292 = vector.extract %slice3A_291[0] : i32 from vector<1xi32>
        %gt3A_293 = arith.constant 0 : i32
        %gt3A_294 = arith.cmpi sgt, %squeeze3A_292, %gt3A_293 : i32
        %add3A_295 = arith.constant 1 : i32
        %add3A_296 = arith.addi %while3A_269, %add3A_295 : i32
        %select_n3A_297 = arith.select %gt3A_294, %add3A_296, %while3A_269 : i32
        scf.yield %select_n3A_297 : i32
      }
      scf.yield %while3A_267 : i32
    }
    %scan3A_145 = arith.constant 123 : i32
    %min3A_146 = arith.constant 8 : i32
    %min3A_147 = arith.minsi %scan3A_144, %min3A_146 : i32
    %while3A = arith.constant 0 : i32
    %while3A_148 = arith.subi %min3A_147, %while3A : i32
    %while3A_149 = arith.addi %while3A, %while3A_148 : i32
    %while3A_150 = arith.constant 1 : i32
    %while3A_151 = arith.divsi %while3A_148, %while3A_150 : i32
    %while3A_152 = arith.muli %while3A_151, %while3A_150 : i32
    %while3A_153 = arith.addi %while3A, %while3A_152 : i32
    %while3A_154 = arith.constant 1 : i32
    scf.for %while3A_159 = %while3A to %while3A_153 step %while3A_154  : i32 {
      %dma_wait3A = arith.constant 0 : i32
      %dma_wait3A_160 = arith.constant 0 : i32
      %dma_wait3A_161 = arith.constant 0 : i32
      %dma_wait3A_162 = tpu.memref_slice %arg10[%dma_wait3A, %dma_wait3A_160, %dma_wait3A_161] : memref<8x16x128xf32, #tpu.memory_space<vmem>> -> memref<1x16x128xf32, #tpu.memory_space<vmem>>
      %dma_wait3A_163 = tpu.memref_squeeze %dma_wait3A_162 : memref<1x16x128xf32, #tpu.memory_space<vmem>> -> memref<16x128xf32, #tpu.memory_space<vmem>>
      %dma_wait3A_164 = arith.constant 0 : i32
      %dma_wait3A_165 = arith.constant 0 : i32
      %dma_wait3A_166 = tpu.memref_slice %arg4[%dma_wait3A_164, %dma_wait3A_165] : memref<16385x128xf32, #tpu.memory_space<hbm>> -> memref<16x128xf32, #tpu.memory_space<hbm>>
      %dma_wait3A_167 = arith.constant 0 : i32
      %dma_wait3A_168 = arith.constant 0 : i32
      %dma_wait3A_169 = tpu.memref_slice %arg4[%dma_wait3A_167, %dma_wait3A_168] : memref<16385x128xf32, #tpu.memory_space<hbm>> -> memref<16x128xf32, #tpu.memory_space<hbm>>
      %dma_wait3A_170 = arith.constant 0 : i32
      %dma_wait3A_171 = arith.constant 0 : i32
      %dma_wait3A_172 = tpu.memref_slice %arg10[%dma_wait3A, %dma_wait3A_170, %dma_wait3A_171] : memref<8x16x128xf32, #tpu.memory_space<vmem>> -> memref<1x16x128xf32, #tpu.memory_space<vmem>>
      %dma_wait3A_173 = tpu.memref_squeeze %dma_wait3A_172 : memref<1x16x128xf32, #tpu.memory_space<vmem>> -> memref<16x128xf32, #tpu.memory_space<vmem>>
      tpu.wait_dma2 semaphore(%arg13 : memref<!tpu.dma_semaphore, #tpu.memory_space<semaphore_mem>>) src(%dma_wait3A_173 : memref<16x128xf32, #tpu.memory_space<vmem>>) dst(%dma_wait3A_169 : memref<16x128xf32, #tpu.memory_space<hbm>>)
    }
    %while3A_155 = arith.constant 1 : i32
    scf.for %while3A_159 = %while3A_153 to %while3A_149 step %while3A_155  : i32 {
      %dma_wait3A = arith.constant 0 : i32
      %dma_wait3A_160 = arith.constant 0 : i32
      %dma_wait3A_161 = arith.constant 0 : i32
      %dma_wait3A_162 = tpu.memref_slice %arg10[%dma_wait3A, %dma_wait3A_160, %dma_wait3A_161] : memref<8x16x128xf32, #tpu.memory_space<vmem>> -> memref<1x16x128xf32, #tpu.memory_space<vmem>>
      %dma_wait3A_163 = tpu.memref_squeeze %dma_wait3A_162 : memref<1x16x128xf32, #tpu.memory_space<vmem>> -> memref<16x128xf32, #tpu.memory_space<vmem>>
      %dma_wait3A_164 = arith.constant 0 : i32
      %dma_wait3A_165 = arith.constant 0 : i32
      %dma_wait3A_166 = tpu.memref_slice %arg4[%dma_wait3A_164, %dma_wait3A_165] : memref<16385x128xf32, #tpu.memory_space<hbm>> -> memref<16x128xf32, #tpu.memory_space<hbm>>
      %dma_wait3A_167 = arith.constant 0 : i32
      %dma_wait3A_168 = arith.constant 0 : i32
      %dma_wait3A_169 = tpu.memref_slice %arg4[%dma_wait3A_167, %dma_wait3A_168] : memref<16385x128xf32, #tpu.memory_space<hbm>> -> memref<16x128xf32, #tpu.memory_space<hbm>>
      %dma_wait3A_170 = arith.constant 0 : i32
      %dma_wait3A_171 = arith.constant 0 : i32
      %dma_wait3A_172 = tpu.memref_slice %arg10[%dma_wait3A, %dma_wait3A_170, %dma_wait3A_171] : memref<8x16x128xf32, #tpu.memory_space<vmem>> -> memref<1x16x128xf32, #tpu.memory_space<vmem>>
      %dma_wait3A_173 = tpu.memref_squeeze %dma_wait3A_172 : memref<1x16x128xf32, #tpu.memory_space<vmem>> -> memref<16x128xf32, #tpu.memory_space<vmem>>
      tpu.wait_dma2 semaphore(%arg13 : memref<!tpu.dma_semaphore, #tpu.memory_space<semaphore_mem>>) src(%dma_wait3A_173 : memref<16x128xf32, #tpu.memory_space<vmem>>) dst(%dma_wait3A_169 : memref<16x128xf32, #tpu.memory_space<hbm>>)
    }
    %eq3A_156 = arith.constant 31 : i32
    %eq3A_157 = arith.cmpi eq, %add3A, %eq3A_156 : i32
    %convert_element_type3A = arith.extui %eq3A_157 : i1 to i32
    %cond3A = arith.constant 0 : i32
    %cond3A_158 = arith.cmpi ne, %convert_element_type3A, %cond3A : i32
    scf.if %cond3A_158 {
      %dma_start3A_159 = arith.constant 0 : i32
      %dma_start3A_160 = arith.constant 0 : i32
      %dma_start3A_161 = arith.constant 0 : i32
      %dma_start3A_162 = tpu.memref_slice %arg9[%dma_start3A_159, %dma_start3A_160, %dma_start3A_161] : memref<8x8x65xf32, #tpu.memory_space<vmem>> -> memref<1x8x65xf32, #tpu.memory_space<vmem>>
      %dma_start3A_163 = tpu.memref_squeeze %dma_start3A_162 : memref<1x8x65xf32, #tpu.memory_space<vmem>> -> memref<8x65xf32, #tpu.memory_space<vmem>>
      %dma_start3A_164 = arith.constant 0 : i32
      %dma_start3A_165 = arith.constant 999936 : i32
      %dma_start3A_166 = tpu.memref_slice %arg3[%dma_start3A_164, %dma_start3A_165] : memref<64x1000001xf32, #tpu.memory_space<hbm>> -> memref<8x65xf32, #tpu.memory_space<hbm>>
      %dma_start3A_167 = arith.constant 0 : i32
      %dma_start3A_168 = arith.constant 0 : i32
      %dma_start3A_169 = tpu.memref_slice %arg9[%dma_start3A_159, %dma_start3A_167, %dma_start3A_168] : memref<8x8x65xf32, #tpu.memory_space<vmem>> -> memref<1x8x65xf32, #tpu.memory_space<vmem>>
      %dma_start3A_170 = tpu.memref_squeeze %dma_start3A_169 : memref<1x8x65xf32, #tpu.memory_space<vmem>> -> memref<8x65xf32, #tpu.memory_space<vmem>>
      %dma_start3A_171 = arith.constant 0 : i32
      %dma_start3A_172 = arith.constant 999936 : i32
      %dma_start3A_173 = tpu.memref_slice %arg3[%dma_start3A_171, %dma_start3A_172] : memref<64x1000001xf32, #tpu.memory_space<hbm>> -> memref<8x65xf32, #tpu.memory_space<hbm>>
      tpu.enqueue_dma source(%dma_start3A_173 : memref<8x65xf32, #tpu.memory_space<hbm>>) target(%dma_start3A_170 : memref<8x65xf32, #tpu.memory_space<vmem>>) target_semaphore(%arg11 : memref<!tpu.dma_semaphore, #tpu.memory_space<semaphore_mem>>)
      %dma_start3A_174 = arith.constant 1 : i32
      %dma_start3A_175 = arith.constant 0 : i32
      %dma_start3A_176 = arith.constant 0 : i32
      %dma_start3A_177 = tpu.memref_slice %arg9[%dma_start3A_174, %dma_start3A_175, %dma_start3A_176] : memref<8x8x65xf32, #tpu.memory_space<vmem>> -> memref<1x8x65xf32, #tpu.memory_space<vmem>>
      %dma_start3A_178 = tpu.memref_squeeze %dma_start3A_177 : memref<1x8x65xf32, #tpu.memory_space<vmem>> -> memref<8x65xf32, #tpu.memory_space<vmem>>
      %dma_start3A_179 = arith.constant 8 : i32
      %dma_start3A_180 = arith.constant 999936 : i32
      %dma_start3A_181 = tpu.memref_slice %arg3[%dma_start3A_179, %dma_start3A_180] : memref<64x1000001xf32, #tpu.memory_space<hbm>> -> memref<8x65xf32, #tpu.memory_space<hbm>>
      %dma_start3A_182 = arith.constant 0 : i32
      %dma_start3A_183 = arith.constant 0 : i32
      %dma_start3A_184 = tpu.memref_slice %arg9[%dma_start3A_174, %dma_start3A_182, %dma_start3A_183] : memref<8x8x65xf32, #tpu.memory_space<vmem>> -> memref<1x8x65xf32, #tpu.memory_space<vmem>>
      %dma_start3A_185 = tpu.memref_squeeze %dma_start3A_184 : memref<1x8x65xf32, #tpu.memory_space<vmem>> -> memref<8x65xf32, #tpu.memory_space<vmem>>
      %dma_start3A_186 = arith.constant 8 : i32
      %dma_start3A_187 = arith.constant 999936 : i32
      %dma_start3A_188 = tpu.memref_slice %arg3[%dma_start3A_186, %dma_start3A_187] : memref<64x1000001xf32, #tpu.memory_space<hbm>> -> memref<8x65xf32, #tpu.memory_space<hbm>>
      tpu.enqueue_dma source(%dma_start3A_188 : memref<8x65xf32, #tpu.memory_space<hbm>>) target(%dma_start3A_185 : memref<8x65xf32, #tpu.memory_space<vmem>>) target_semaphore(%arg11 : memref<!tpu.dma_semaphore, #tpu.memory_space<semaphore_mem>>)
      %dma_start3A_189 = arith.constant 2 : i32
      %dma_start3A_190 = arith.constant 0 : i32
      %dma_start3A_191 = arith.constant 0 : i32
      %dma_start3A_192 = tpu.memref_slice %arg9[%dma_start3A_189, %dma_start3A_190, %dma_start3A_191] : memref<8x8x65xf32, #tpu.memory_space<vmem>> -> memref<1x8x65xf32, #tpu.memory_space<vmem>>
      %dma_start3A_193 = tpu.memref_squeeze %dma_start3A_192 : memref<1x8x65xf32, #tpu.memory_space<vmem>> -> memref<8x65xf32, #tpu.memory_space<vmem>>
      %dma_start3A_194 = arith.constant 16 : i32
      %dma_start3A_195 = arith.constant 999936 : i32
      %dma_start3A_196 = tpu.memref_slice %arg3[%dma_start3A_194, %dma_start3A_195] : memref<64x1000001xf32, #tpu.memory_space<hbm>> -> memref<8x65xf32, #tpu.memory_space<hbm>>
      %dma_start3A_197 = arith.constant 0 : i32
      %dma_start3A_198 = arith.constant 0 : i32
      %dma_start3A_199 = tpu.memref_slice %arg9[%dma_start3A_189, %dma_start3A_197, %dma_start3A_198] : memref<8x8x65xf32, #tpu.memory_space<vmem>> -> memref<1x8x65xf32, #tpu.memory_space<vmem>>
      %dma_start3A_200 = tpu.memref_squeeze %dma_start3A_199 : memref<1x8x65xf32, #tpu.memory_space<vmem>> -> memref<8x65xf32, #tpu.memory_space<vmem>>
      %dma_start3A_201 = arith.constant 16 : i32
      %dma_start3A_202 = arith.constant 999936 : i32
      %dma_start3A_203 = tpu.memref_slice %arg3[%dma_start3A_201, %dma_start3A_202] : memref<64x1000001xf32, #tpu.memory_space<hbm>> -> memref<8x65xf32, #tpu.memory_space<hbm>>
      tpu.enqueue_dma source(%dma_start3A_203 : memref<8x65xf32, #tpu.memory_space<hbm>>) target(%dma_start3A_200 : memref<8x65xf32, #tpu.memory_space<vmem>>) target_semaphore(%arg11 : memref<!tpu.dma_semaphore, #tpu.memory_space<semaphore_mem>>)
      %dma_start3A_204 = arith.constant 3 : i32
      %dma_start3A_205 = arith.constant 0 : i32
      %dma_start3A_206 = arith.constant 0 : i32
      %dma_start3A_207 = tpu.memref_slice %arg9[%dma_start3A_204, %dma_start3A_205, %dma_start3A_206] : memref<8x8x65xf32, #tpu.memory_space<vmem>> -> memref<1x8x65xf32, #tpu.memory_space<vmem>>
      %dma_start3A_208 = tpu.memref_squeeze %dma_start3A_207 : memref<1x8x65xf32, #tpu.memory_space<vmem>> -> memref<8x65xf32, #tpu.memory_space<vmem>>
      %dma_start3A_209 = arith.constant 24 : i32
      %dma_start3A_210 = arith.constant 999936 : i32
      %dma_start3A_211 = tpu.memref_slice %arg3[%dma_start3A_209, %dma_start3A_210] : memref<64x1000001xf32, #tpu.memory_space<hbm>> -> memref<8x65xf32, #tpu.memory_space<hbm>>
      %dma_start3A_212 = arith.constant 0 : i32
      %dma_start3A_213 = arith.constant 0 : i32
      %dma_start3A_214 = tpu.memref_slice %arg9[%dma_start3A_204, %dma_start3A_212, %dma_start3A_213] : memref<8x8x65xf32, #tpu.memory_space<vmem>> -> memref<1x8x65xf32, #tpu.memory_space<vmem>>
      %dma_start3A_215 = tpu.memref_squeeze %dma_start3A_214 : memref<1x8x65xf32, #tpu.memory_space<vmem>> -> memref<8x65xf32, #tpu.memory_space<vmem>>
      %dma_start3A_216 = arith.constant 24 : i32
      %dma_start3A_217 = arith.constant 999936 : i32
      %dma_start3A_218 = tpu.memref_slice %arg3[%dma_start3A_216, %dma_start3A_217] : memref<64x1000001xf32, #tpu.memory_space<hbm>> -> memref<8x65xf32, #tpu.memory_space<hbm>>
      tpu.enqueue_dma source(%dma_start3A_218 : memref<8x65xf32, #tpu.memory_space<hbm>>) target(%dma_start3A_215 : memref<8x65xf32, #tpu.memory_space<vmem>>) target_semaphore(%arg11 : memref<!tpu.dma_semaphore, #tpu.memory_space<semaphore_mem>>)
      %dma_start3A_219 = arith.constant 4 : i32
      %dma_start3A_220 = arith.constant 0 : i32
      %dma_start3A_221 = arith.constant 0 : i32
      %dma_start3A_222 = tpu.memref_slice %arg9[%dma_start3A_219, %dma_start3A_220, %dma_start3A_221] : memref<8x8x65xf32, #tpu.memory_space<vmem>> -> memref<1x8x65xf32, #tpu.memory_space<vmem>>
      %dma_start3A_223 = tpu.memref_squeeze %dma_start3A_222 : memref<1x8x65xf32, #tpu.memory_space<vmem>> -> memref<8x65xf32, #tpu.memory_space<vmem>>
      %dma_start3A_224 = arith.constant 32 : i32
      %dma_start3A_225 = arith.constant 999936 : i32
      %dma_start3A_226 = tpu.memref_slice %arg3[%dma_start3A_224, %dma_start3A_225] : memref<64x1000001xf32, #tpu.memory_space<hbm>> -> memref<8x65xf32, #tpu.memory_space<hbm>>
      %dma_start3A_227 = arith.constant 0 : i32
      %dma_start3A_228 = arith.constant 0 : i32
      %dma_start3A_229 = tpu.memref_slice %arg9[%dma_start3A_219, %dma_start3A_227, %dma_start3A_228] : memref<8x8x65xf32, #tpu.memory_space<vmem>> -> memref<1x8x65xf32, #tpu.memory_space<vmem>>
      %dma_start3A_230 = tpu.memref_squeeze %dma_start3A_229 : memref<1x8x65xf32, #tpu.memory_space<vmem>> -> memref<8x65xf32, #tpu.memory_space<vmem>>
      %dma_start3A_231 = arith.constant 32 : i32
      %dma_start3A_232 = arith.constant 999936 : i32
      %dma_start3A_233 = tpu.memref_slice %arg3[%dma_start3A_231, %dma_start3A_232] : memref<64x1000001xf32, #tpu.memory_space<hbm>> -> memref<8x65xf32, #tpu.memory_space<hbm>>
      tpu.enqueue_dma source(%dma_start3A_233 : memref<8x65xf32, #tpu.memory_space<hbm>>) target(%dma_start3A_230 : memref<8x65xf32, #tpu.memory_space<vmem>>) target_semaphore(%arg11 : memref<!tpu.dma_semaphore, #tpu.memory_space<semaphore_mem>>)
      %dma_start3A_234 = arith.constant 5 : i32
      %dma_start3A_235 = arith.constant 0 : i32
      %dma_start3A_236 = arith.constant 0 : i32
      %dma_start3A_237 = tpu.memref_slice %arg9[%dma_start3A_234, %dma_start3A_235, %dma_start3A_236] : memref<8x8x65xf32, #tpu.memory_space<vmem>> -> memref<1x8x65xf32, #tpu.memory_space<vmem>>
      %dma_start3A_238 = tpu.memref_squeeze %dma_start3A_237 : memref<1x8x65xf32, #tpu.memory_space<vmem>> -> memref<8x65xf32, #tpu.memory_space<vmem>>
      %dma_start3A_239 = arith.constant 40 : i32
      %dma_start3A_240 = arith.constant 999936 : i32
      %dma_start3A_241 = tpu.memref_slice %arg3[%dma_start3A_239, %dma_start3A_240] : memref<64x1000001xf32, #tpu.memory_space<hbm>> -> memref<8x65xf32, #tpu.memory_space<hbm>>
      %dma_start3A_242 = arith.constant 0 : i32
      %dma_start3A_243 = arith.constant 0 : i32
      %dma_start3A_244 = tpu.memref_slice %arg9[%dma_start3A_234, %dma_start3A_242, %dma_start3A_243] : memref<8x8x65xf32, #tpu.memory_space<vmem>> -> memref<1x8x65xf32, #tpu.memory_space<vmem>>
      %dma_start3A_245 = tpu.memref_squeeze %dma_start3A_244 : memref<1x8x65xf32, #tpu.memory_space<vmem>> -> memref<8x65xf32, #tpu.memory_space<vmem>>
      %dma_start3A_246 = arith.constant 40 : i32
      %dma_start3A_247 = arith.constant 999936 : i32
      %dma_start3A_248 = tpu.memref_slice %arg3[%dma_start3A_246, %dma_start3A_247] : memref<64x1000001xf32, #tpu.memory_space<hbm>> -> memref<8x65xf32, #tpu.memory_space<hbm>>
      tpu.enqueue_dma source(%dma_start3A_248 : memref<8x65xf32, #tpu.memory_space<hbm>>) target(%dma_start3A_245 : memref<8x65xf32, #tpu.memory_space<vmem>>) target_semaphore(%arg11 : memref<!tpu.dma_semaphore, #tpu.memory_space<semaphore_mem>>)
      %dma_start3A_249 = arith.constant 6 : i32
      %dma_start3A_250 = arith.constant 0 : i32
      %dma_start3A_251 = arith.constant 0 : i32
      %dma_start3A_252 = tpu.memref_slice %arg9[%dma_start3A_249, %dma_start3A_250, %dma_start3A_251] : memref<8x8x65xf32, #tpu.memory_space<vmem>> -> memref<1x8x65xf32, #tpu.memory_space<vmem>>
      %dma_start3A_253 = tpu.memref_squeeze %dma_start3A_252 : memref<1x8x65xf32, #tpu.memory_space<vmem>> -> memref<8x65xf32, #tpu.memory_space<vmem>>
      %dma_start3A_254 = arith.constant 48 : i32
      %dma_start3A_255 = arith.constant 999936 : i32
      %dma_start3A_256 = tpu.memref_slice %arg3[%dma_start3A_254, %dma_start3A_255] : memref<64x1000001xf32, #tpu.memory_space<hbm>> -> memref<8x65xf32, #tpu.memory_space<hbm>>
      %dma_start3A_257 = arith.constant 0 : i32
      %dma_start3A_258 = arith.constant 0 : i32
      %dma_start3A_259 = tpu.memref_slice %arg9[%dma_start3A_249, %dma_start3A_257, %dma_start3A_258] : memref<8x8x65xf32, #tpu.memory_space<vmem>> -> memref<1x8x65xf32, #tpu.memory_space<vmem>>
      %dma_start3A_260 = tpu.memref_squeeze %dma_start3A_259 : memref<1x8x65xf32, #tpu.memory_space<vmem>> -> memref<8x65xf32, #tpu.memory_space<vmem>>
      %dma_start3A_261 = arith.constant 48 : i32
      %dma_start3A_262 = arith.constant 999936 : i32
      %dma_start3A_263 = tpu.memref_slice %arg3[%dma_start3A_261, %dma_start3A_262] : memref<64x1000001xf32, #tpu.memory_space<hbm>> -> memref<8x65xf32, #tpu.memory_space<hbm>>
      tpu.enqueue_dma source(%dma_start3A_263 : memref<8x65xf32, #tpu.memory_space<hbm>>) target(%dma_start3A_260 : memref<8x65xf32, #tpu.memory_space<vmem>>) target_semaphore(%arg11 : memref<!tpu.dma_semaphore, #tpu.memory_space<semaphore_mem>>)
      %dma_start3A_264 = arith.constant 7 : i32
      %dma_start3A_265 = arith.constant 0 : i32
      %dma_start3A_266 = arith.constant 0 : i32
      %dma_start3A_267 = tpu.memref_slice %arg9[%dma_start3A_264, %dma_start3A_265, %dma_start3A_266] : memref<8x8x65xf32, #tpu.memory_space<vmem>> -> memref<1x8x65xf32, #tpu.memory_space<vmem>>
      %dma_start3A_268 = tpu.memref_squeeze %dma_start3A_267 : memref<1x8x65xf32, #tpu.memory_space<vmem>> -> memref<8x65xf32, #tpu.memory_space<vmem>>
      %dma_start3A_269 = arith.constant 56 : i32
      %dma_start3A_270 = arith.constant 999936 : i32
      %dma_start3A_271 = tpu.memref_slice %arg3[%dma_start3A_269, %dma_start3A_270] : memref<64x1000001xf32, #tpu.memory_space<hbm>> -> memref<8x65xf32, #tpu.memory_space<hbm>>
      %dma_start3A_272 = arith.constant 0 : i32
      %dma_start3A_273 = arith.constant 0 : i32
      %dma_start3A_274 = tpu.memref_slice %arg9[%dma_start3A_264, %dma_start3A_272, %dma_start3A_273] : memref<8x8x65xf32, #tpu.memory_space<vmem>> -> memref<1x8x65xf32, #tpu.memory_space<vmem>>
      %dma_start3A_275 = tpu.memref_squeeze %dma_start3A_274 : memref<1x8x65xf32, #tpu.memory_space<vmem>> -> memref<8x65xf32, #tpu.memory_space<vmem>>
      %dma_start3A_276 = arith.constant 56 : i32
      %dma_start3A_277 = arith.constant 999936 : i32
      %dma_start3A_278 = tpu.memref_slice %arg3[%dma_start3A_276, %dma_start3A_277] : memref<64x1000001xf32, #tpu.memory_space<hbm>> -> memref<8x65xf32, #tpu.memory_space<hbm>>
      tpu.enqueue_dma source(%dma_start3A_278 : memref<8x65xf32, #tpu.memory_space<hbm>>) target(%dma_start3A_275 : memref<8x65xf32, #tpu.memory_space<vmem>>) target_semaphore(%arg11 : memref<!tpu.dma_semaphore, #tpu.memory_space<semaphore_mem>>)
      %dma_wait3A = arith.constant 0 : i32
      %dma_wait3A_279 = arith.constant 0 : i32
      %dma_wait3A_280 = arith.constant 0 : i32
      %dma_wait3A_281 = tpu.memref_slice %arg9[%dma_wait3A, %dma_wait3A_279, %dma_wait3A_280] : memref<8x8x65xf32, #tpu.memory_space<vmem>> -> memref<1x8x65xf32, #tpu.memory_space<vmem>>
      %dma_wait3A_282 = tpu.memref_squeeze %dma_wait3A_281 : memref<1x8x65xf32, #tpu.memory_space<vmem>> -> memref<8x65xf32, #tpu.memory_space<vmem>>
      %dma_wait3A_283 = arith.constant 0 : i32
      %dma_wait3A_284 = arith.constant 999936 : i32
      %dma_wait3A_285 = tpu.memref_slice %arg3[%dma_wait3A_283, %dma_wait3A_284] : memref<64x1000001xf32, #tpu.memory_space<hbm>> -> memref<8x65xf32, #tpu.memory_space<hbm>>
      %dma_wait3A_286 = arith.constant 0 : i32
      %dma_wait3A_287 = arith.constant 0 : i32
      %dma_wait3A_288 = tpu.memref_slice %arg9[%dma_wait3A, %dma_wait3A_286, %dma_wait3A_287] : memref<8x8x65xf32, #tpu.memory_space<vmem>> -> memref<1x8x65xf32, #tpu.memory_space<vmem>>
      %dma_wait3A_289 = tpu.memref_squeeze %dma_wait3A_288 : memref<1x8x65xf32, #tpu.memory_space<vmem>> -> memref<8x65xf32, #tpu.memory_space<vmem>>
      %dma_wait3A_290 = arith.constant 0 : i32
      %dma_wait3A_291 = arith.constant 999936 : i32
      %dma_wait3A_292 = tpu.memref_slice %arg3[%dma_wait3A_290, %dma_wait3A_291] : memref<64x1000001xf32, #tpu.memory_space<hbm>> -> memref<8x65xf32, #tpu.memory_space<hbm>>
      tpu.wait_dma2 semaphore(%arg11 : memref<!tpu.dma_semaphore, #tpu.memory_space<semaphore_mem>>) src(%dma_wait3A_292 : memref<8x65xf32, #tpu.memory_space<hbm>>) dst(%dma_wait3A_289 : memref<8x65xf32, #tpu.memory_space<vmem>>)
      %dma_wait3A_293 = arith.constant 1 : i32
      %dma_wait3A_294 = arith.constant 0 : i32
      %dma_wait3A_295 = arith.constant 0 : i32
      %dma_wait3A_296 = tpu.memref_slice %arg9[%dma_wait3A_293, %dma_wait3A_294, %dma_wait3A_295] : memref<8x8x65xf32, #tpu.memory_space<vmem>> -> memref<1x8x65xf32, #tpu.memory_space<vmem>>
      %dma_wait3A_297 = tpu.memref_squeeze %dma_wait3A_296 : memref<1x8x65xf32, #tpu.memory_space<vmem>> -> memref<8x65xf32, #tpu.memory_space<vmem>>
      %dma_wait3A_298 = arith.constant 0 : i32
      %dma_wait3A_299 = arith.constant 999936 : i32
      %dma_wait3A_300 = tpu.memref_slice %arg3[%dma_wait3A_298, %dma_wait3A_299] : memref<64x1000001xf32, #tpu.memory_space<hbm>> -> memref<8x65xf32, #tpu.memory_space<hbm>>
      %dma_wait3A_301 = arith.constant 0 : i32
      %dma_wait3A_302 = arith.constant 0 : i32
      %dma_wait3A_303 = tpu.memref_slice %arg9[%dma_wait3A_293, %dma_wait3A_301, %dma_wait3A_302] : memref<8x8x65xf32, #tpu.memory_space<vmem>> -> memref<1x8x65xf32, #tpu.memory_space<vmem>>
      %dma_wait3A_304 = tpu.memref_squeeze %dma_wait3A_303 : memref<1x8x65xf32, #tpu.memory_space<vmem>> -> memref<8x65xf32, #tpu.memory_space<vmem>>
      %dma_wait3A_305 = arith.constant 0 : i32
      %dma_wait3A_306 = arith.constant 999936 : i32
      %dma_wait3A_307 = tpu.memref_slice %arg3[%dma_wait3A_305, %dma_wait3A_306] : memref<64x1000001xf32, #tpu.memory_space<hbm>> -> memref<8x65xf32, #tpu.memory_space<hbm>>
      tpu.wait_dma2 semaphore(%arg11 : memref<!tpu.dma_semaphore, #tpu.memory_space<semaphore_mem>>) src(%dma_wait3A_307 : memref<8x65xf32, #tpu.memory_space<hbm>>) dst(%dma_wait3A_304 : memref<8x65xf32, #tpu.memory_space<vmem>>)
      %dma_wait3A_308 = arith.constant 2 : i32
      %dma_wait3A_309 = arith.constant 0 : i32
      %dma_wait3A_310 = arith.constant 0 : i32
      %dma_wait3A_311 = tpu.memref_slice %arg9[%dma_wait3A_308, %dma_wait3A_309, %dma_wait3A_310] : memref<8x8x65xf32, #tpu.memory_space<vmem>> -> memref<1x8x65xf32, #tpu.memory_space<vmem>>
      %dma_wait3A_312 = tpu.memref_squeeze %dma_wait3A_311 : memref<1x8x65xf32, #tpu.memory_space<vmem>> -> memref<8x65xf32, #tpu.memory_space<vmem>>
      %dma_wait3A_313 = arith.constant 0 : i32
      %dma_wait3A_314 = arith.constant 999936 : i32
      %dma_wait3A_315 = tpu.memref_slice %arg3[%dma_wait3A_313, %dma_wait3A_314] : memref<64x1000001xf32, #tpu.memory_space<hbm>> -> memref<8x65xf32, #tpu.memory_space<hbm>>
      %dma_wait3A_316 = arith.constant 0 : i32
      %dma_wait3A_317 = arith.constant 0 : i32
      %dma_wait3A_318 = tpu.memref_slice %arg9[%dma_wait3A_308, %dma_wait3A_316, %dma_wait3A_317] : memref<8x8x65xf32, #tpu.memory_space<vmem>> -> memref<1x8x65xf32, #tpu.memory_space<vmem>>
      %dma_wait3A_319 = tpu.memref_squeeze %dma_wait3A_318 : memref<1x8x65xf32, #tpu.memory_space<vmem>> -> memref<8x65xf32, #tpu.memory_space<vmem>>
      %dma_wait3A_320 = arith.constant 0 : i32
      %dma_wait3A_321 = arith.constant 999936 : i32
      %dma_wait3A_322 = tpu.memref_slice %arg3[%dma_wait3A_320, %dma_wait3A_321] : memref<64x1000001xf32, #tpu.memory_space<hbm>> -> memref<8x65xf32, #tpu.memory_space<hbm>>
      tpu.wait_dma2 semaphore(%arg11 : memref<!tpu.dma_semaphore, #tpu.memory_space<semaphore_mem>>) src(%dma_wait3A_322 : memref<8x65xf32, #tpu.memory_space<hbm>>) dst(%dma_wait3A_319 : memref<8x65xf32, #tpu.memory_space<vmem>>)
      %dma_wait3A_323 = arith.constant 3 : i32
      %dma_wait3A_324 = arith.constant 0 : i32
      %dma_wait3A_325 = arith.constant 0 : i32
      %dma_wait3A_326 = tpu.memref_slice %arg9[%dma_wait3A_323, %dma_wait3A_324, %dma_wait3A_325] : memref<8x8x65xf32, #tpu.memory_space<vmem>> -> memref<1x8x65xf32, #tpu.memory_space<vmem>>
      %dma_wait3A_327 = tpu.memref_squeeze %dma_wait3A_326 : memref<1x8x65xf32, #tpu.memory_space<vmem>> -> memref<8x65xf32, #tpu.memory_space<vmem>>
      %dma_wait3A_328 = arith.constant 0 : i32
      %dma_wait3A_329 = arith.constant 999936 : i32
      %dma_wait3A_330 = tpu.memref_slice %arg3[%dma_wait3A_328, %dma_wait3A_329] : memref<64x1000001xf32, #tpu.memory_space<hbm>> -> memref<8x65xf32, #tpu.memory_space<hbm>>
      %dma_wait3A_331 = arith.constant 0 : i32
      %dma_wait3A_332 = arith.constant 0 : i32
      %dma_wait3A_333 = tpu.memref_slice %arg9[%dma_wait3A_323, %dma_wait3A_331, %dma_wait3A_332] : memref<8x8x65xf32, #tpu.memory_space<vmem>> -> memref<1x8x65xf32, #tpu.memory_space<vmem>>
      %dma_wait3A_334 = tpu.memref_squeeze %dma_wait3A_333 : memref<1x8x65xf32, #tpu.memory_space<vmem>> -> memref<8x65xf32, #tpu.memory_space<vmem>>
      %dma_wait3A_335 = arith.constant 0 : i32
      %dma_wait3A_336 = arith.constant 999936 : i32
      %dma_wait3A_337 = tpu.memref_slice %arg3[%dma_wait3A_335, %dma_wait3A_336] : memref<64x1000001xf32, #tpu.memory_space<hbm>> -> memref<8x65xf32, #tpu.memory_space<hbm>>
      tpu.wait_dma2 semaphore(%arg11 : memref<!tpu.dma_semaphore, #tpu.memory_space<semaphore_mem>>) src(%dma_wait3A_337 : memref<8x65xf32, #tpu.memory_space<hbm>>) dst(%dma_wait3A_334 : memref<8x65xf32, #tpu.memory_space<vmem>>)
      %dma_wait3A_338 = arith.constant 4 : i32
      %dma_wait3A_339 = arith.constant 0 : i32
      %dma_wait3A_340 = arith.constant 0 : i32
      %dma_wait3A_341 = tpu.memref_slice %arg9[%dma_wait3A_338, %dma_wait3A_339, %dma_wait3A_340] : memref<8x8x65xf32, #tpu.memory_space<vmem>> -> memref<1x8x65xf32, #tpu.memory_space<vmem>>
      %dma_wait3A_342 = tpu.memref_squeeze %dma_wait3A_341 : memref<1x8x65xf32, #tpu.memory_space<vmem>> -> memref<8x65xf32, #tpu.memory_space<vmem>>
      %dma_wait3A_343 = arith.constant 0 : i32
      %dma_wait3A_344 = arith.constant 999936 : i32
      %dma_wait3A_345 = tpu.memref_slice %arg3[%dma_wait3A_343, %dma_wait3A_344] : memref<64x1000001xf32, #tpu.memory_space<hbm>> -> memref<8x65xf32, #tpu.memory_space<hbm>>
      %dma_wait3A_346 = arith.constant 0 : i32
      %dma_wait3A_347 = arith.constant 0 : i32
      %dma_wait3A_348 = tpu.memref_slice %arg9[%dma_wait3A_338, %dma_wait3A_346, %dma_wait3A_347] : memref<8x8x65xf32, #tpu.memory_space<vmem>> -> memref<1x8x65xf32, #tpu.memory_space<vmem>>
      %dma_wait3A_349 = tpu.memref_squeeze %dma_wait3A_348 : memref<1x8x65xf32, #tpu.memory_space<vmem>> -> memref<8x65xf32, #tpu.memory_space<vmem>>
      %dma_wait3A_350 = arith.constant 0 : i32
      %dma_wait3A_351 = arith.constant 999936 : i32
      %dma_wait3A_352 = tpu.memref_slice %arg3[%dma_wait3A_350, %dma_wait3A_351] : memref<64x1000001xf32, #tpu.memory_space<hbm>> -> memref<8x65xf32, #tpu.memory_space<hbm>>
      tpu.wait_dma2 semaphore(%arg11 : memref<!tpu.dma_semaphore, #tpu.memory_space<semaphore_mem>>) src(%dma_wait3A_352 : memref<8x65xf32, #tpu.memory_space<hbm>>) dst(%dma_wait3A_349 : memref<8x65xf32, #tpu.memory_space<vmem>>)
      %dma_wait3A_353 = arith.constant 5 : i32
      %dma_wait3A_354 = arith.constant 0 : i32
      %dma_wait3A_355 = arith.constant 0 : i32
      %dma_wait3A_356 = tpu.memref_slice %arg9[%dma_wait3A_353, %dma_wait3A_354, %dma_wait3A_355] : memref<8x8x65xf32, #tpu.memory_space<vmem>> -> memref<1x8x65xf32, #tpu.memory_space<vmem>>
      %dma_wait3A_357 = tpu.memref_squeeze %dma_wait3A_356 : memref<1x8x65xf32, #tpu.memory_space<vmem>> -> memref<8x65xf32, #tpu.memory_space<vmem>>
      %dma_wait3A_358 = arith.constant 0 : i32
      %dma_wait3A_359 = arith.constant 999936 : i32
      %dma_wait3A_360 = tpu.memref_slice %arg3[%dma_wait3A_358, %dma_wait3A_359] : memref<64x1000001xf32, #tpu.memory_space<hbm>> -> memref<8x65xf32, #tpu.memory_space<hbm>>
      %dma_wait3A_361 = arith.constant 0 : i32
      %dma_wait3A_362 = arith.constant 0 : i32
      %dma_wait3A_363 = tpu.memref_slice %arg9[%dma_wait3A_353, %dma_wait3A_361, %dma_wait3A_362] : memref<8x8x65xf32, #tpu.memory_space<vmem>> -> memref<1x8x65xf32, #tpu.memory_space<vmem>>
      %dma_wait3A_364 = tpu.memref_squeeze %dma_wait3A_363 : memref<1x8x65xf32, #tpu.memory_space<vmem>> -> memref<8x65xf32, #tpu.memory_space<vmem>>
      %dma_wait3A_365 = arith.constant 0 : i32
      %dma_wait3A_366 = arith.constant 999936 : i32
      %dma_wait3A_367 = tpu.memref_slice %arg3[%dma_wait3A_365, %dma_wait3A_366] : memref<64x1000001xf32, #tpu.memory_space<hbm>> -> memref<8x65xf32, #tpu.memory_space<hbm>>
      tpu.wait_dma2 semaphore(%arg11 : memref<!tpu.dma_semaphore, #tpu.memory_space<semaphore_mem>>) src(%dma_wait3A_367 : memref<8x65xf32, #tpu.memory_space<hbm>>) dst(%dma_wait3A_364 : memref<8x65xf32, #tpu.memory_space<vmem>>)
      %dma_wait3A_368 = arith.constant 6 : i32
      %dma_wait3A_369 = arith.constant 0 : i32
      %dma_wait3A_370 = arith.constant 0 : i32
      %dma_wait3A_371 = tpu.memref_slice %arg9[%dma_wait3A_368, %dma_wait3A_369, %dma_wait3A_370] : memref<8x8x65xf32, #tpu.memory_space<vmem>> -> memref<1x8x65xf32, #tpu.memory_space<vmem>>
      %dma_wait3A_372 = tpu.memref_squeeze %dma_wait3A_371 : memref<1x8x65xf32, #tpu.memory_space<vmem>> -> memref<8x65xf32, #tpu.memory_space<vmem>>
      %dma_wait3A_373 = arith.constant 0 : i32
      %dma_wait3A_374 = arith.constant 999936 : i32
      %dma_wait3A_375 = tpu.memref_slice %arg3[%dma_wait3A_373, %dma_wait3A_374] : memref<64x1000001xf32, #tpu.memory_space<hbm>> -> memref<8x65xf32, #tpu.memory_space<hbm>>
      %dma_wait3A_376 = arith.constant 0 : i32
      %dma_wait3A_377 = arith.constant 0 : i32
      %dma_wait3A_378 = tpu.memref_slice %arg9[%dma_wait3A_368, %dma_wait3A_376, %dma_wait3A_377] : memref<8x8x65xf32, #tpu.memory_space<vmem>> -> memref<1x8x65xf32, #tpu.memory_space<vmem>>
      %dma_wait3A_379 = tpu.memref_squeeze %dma_wait3A_378 : memref<1x8x65xf32, #tpu.memory_space<vmem>> -> memref<8x65xf32, #tpu.memory_space<vmem>>
      %dma_wait3A_380 = arith.constant 0 : i32
      %dma_wait3A_381 = arith.constant 999936 : i32
      %dma_wait3A_382 = tpu.memref_slice %arg3[%dma_wait3A_380, %dma_wait3A_381] : memref<64x1000001xf32, #tpu.memory_space<hbm>> -> memref<8x65xf32, #tpu.memory_space<hbm>>
      tpu.wait_dma2 semaphore(%arg11 : memref<!tpu.dma_semaphore, #tpu.memory_space<semaphore_mem>>) src(%dma_wait3A_382 : memref<8x65xf32, #tpu.memory_space<hbm>>) dst(%dma_wait3A_379 : memref<8x65xf32, #tpu.memory_space<vmem>>)
      %dma_wait3A_383 = arith.constant 7 : i32
      %dma_wait3A_384 = arith.constant 0 : i32
      %dma_wait3A_385 = arith.constant 0 : i32
      %dma_wait3A_386 = tpu.memref_slice %arg9[%dma_wait3A_383, %dma_wait3A_384, %dma_wait3A_385] : memref<8x8x65xf32, #tpu.memory_space<vmem>> -> memref<1x8x65xf32, #tpu.memory_space<vmem>>
      %dma_wait3A_387 = tpu.memref_squeeze %dma_wait3A_386 : memref<1x8x65xf32, #tpu.memory_space<vmem>> -> memref<8x65xf32, #tpu.memory_space<vmem>>
      %dma_wait3A_388 = arith.constant 0 : i32
      %dma_wait3A_389 = arith.constant 999936 : i32
      %dma_wait3A_390 = tpu.memref_slice %arg3[%dma_wait3A_388, %dma_wait3A_389] : memref<64x1000001xf32, #tpu.memory_space<hbm>> -> memref<8x65xf32, #tpu.memory_space<hbm>>
      %dma_wait3A_391 = arith.constant 0 : i32
      %dma_wait3A_392 = arith.constant 0 : i32
      %dma_wait3A_393 = tpu.memref_slice %arg9[%dma_wait3A_383, %dma_wait3A_391, %dma_wait3A_392] : memref<8x8x65xf32, #tpu.memory_space<vmem>> -> memref<1x8x65xf32, #tpu.memory_space<vmem>>
      %dma_wait3A_394 = tpu.memref_squeeze %dma_wait3A_393 : memref<1x8x65xf32, #tpu.memory_space<vmem>> -> memref<8x65xf32, #tpu.memory_space<vmem>>
      %dma_wait3A_395 = arith.constant 0 : i32
      %dma_wait3A_396 = arith.constant 999936 : i32
      %dma_wait3A_397 = tpu.memref_slice %arg3[%dma_wait3A_395, %dma_wait3A_396] : memref<64x1000001xf32, #tpu.memory_space<hbm>> -> memref<8x65xf32, #tpu.memory_space<hbm>>
      tpu.wait_dma2 semaphore(%arg11 : memref<!tpu.dma_semaphore, #tpu.memory_space<semaphore_mem>>) src(%dma_wait3A_397 : memref<8x65xf32, #tpu.memory_space<hbm>>) dst(%dma_wait3A_394 : memref<8x65xf32, #tpu.memory_space<vmem>>)
      %while3A_398 = arith.constant 0 : i32
      %while3A_399 = arith.constant 0 : i32
      %while3A_400 = arith.subi %shift_right_arithmetic3A_20, %while3A_398 : i32
      %while3A_401 = arith.addi %while3A_398, %while3A_400 : i32
      %while3A_402 = arith.constant 1 : i32
      %while3A_403 = arith.divsi %while3A_400, %while3A_402 : i32
      %while3A_404 = arith.muli %while3A_403, %while3A_402 : i32
      %while3A_405 = arith.addi %while3A_398, %while3A_404 : i32
      %while3A_406 = arith.constant 1 : i32
      %while3A_407 = scf.for %while3A_421 = %while3A_398 to %while3A_405 step %while3A_406 iter_args(%while3A_422 = %while3A_399) -> (i32)  : i32 {
        %mul3A_423 = arith.constant 16 : i32
        %mul3A_424 = arith.muli %while3A_421, %mul3A_423 : i32
        %add3A_425 = vector.broadcast %mul3A_424 : i32 to vector<16xi32>
        %add3A_426 = arith.addi %add3A_425, %iota3A : vector<16xi32>
        %gather3A = tpu.vector_load_idx %arg6[%add3A_426] : memref<16384xi32, #tpu.memory_space<vmem>>[vector<16xi32>], vector<16xi32>,
        %mul3A_427 = arith.constant 16 : i32
        %mul3A_428 = arith.muli %while3A_421, %mul3A_427 : i32
        %add3A_429 = vector.broadcast %mul3A_428 : i32 to vector<16xi32>
        %add3A_430 = arith.addi %add3A_429, %iota3A : vector<16xi32>
        %gather3A_431 = tpu.vector_load_idx %arg7[%add3A_430] : memref<16384xi32, #tpu.memory_space<vmem>>[vector<16xi32>], vector<16xi32>,
        %ge3A = arith.constant 999936 : i32
        %ge3A_432 = vector.broadcast %ge3A : i32 to vector<16xi32>
        %ge3A_433 = arith.cmpi sge, %gather3A_431, %ge3A_432 : vector<16xi32>
        %add3A_434 = arith.constant 999936 : i32
        %add3A_435 = arith.constant 65 : i32
        %add3A_436 = arith.addi %add3A_434, %add3A_435 : i32
        %lt3A_437 = vector.broadcast %add3A_436 : i32 to vector<16xi32>
        %lt3A_438 = arith.cmpi slt, %gather3A_431, %lt3A_437 : vector<16xi32>
        %and3A = arith.andi %ge3A_433, %lt3A_438 : vector<16xi1>
        %all_reduce_population_count3A = tpu.all_reduce %and3A {dim = 0 : i64, kind = #tpu.reduction_kind<sum>} : vector<16xi1> -> vector<16xi32>
        %slice3A = vector.extract_strided_slice %all_reduce_population_count3A {offsets = [0], sizes = [1], strides = [1]} : vector<16xi32> to vector<1xi32>
        %squeeze3A = vector.extract %slice3A[0] : i32 from vector<1xi32>
        %gt3A = arith.constant 0 : i32
        %gt3A_439 = arith.cmpi sgt, %squeeze3A, %gt3A : i32
        %convert_element_type3A_440 = arith.extui %gt3A_439 : i1 to i32
        %cond3A_441 = arith.constant 999936 : i32
        %cond3A_442 = arith.constant 0 : i32
        %cond3A_443 = arith.cmpi ne, %convert_element_type3A_440, %cond3A_442 : i32
        scf.if %cond3A_443 {
          %ge3A_451 = arith.constant 8 : i32
          %ge3A_452 = arith.cmpi sge, %while3A_422, %ge3A_451 : i32
          %convert_element_type3A_453 = arith.extui %ge3A_452 : i1 to i32
          %cond3A_454 = arith.constant 0 : i32
          %cond3A_455 = arith.cmpi ne, %convert_element_type3A_453, %cond3A_454 : i32
          scf.if %cond3A_455 {
            %dma_wait3A_473 = arith.constant 0 : i32
            %dma_wait3A_474 = arith.constant 0 : i32
            %dma_wait3A_475 = arith.constant 0 : i32
            %dma_wait3A_476 = tpu.memref_slice %arg10[%dma_wait3A_473, %dma_wait3A_474, %dma_wait3A_475] : memref<8x16x128xf32, #tpu.memory_space<vmem>> -> memref<1x16x128xf32, #tpu.memory_space<vmem>>
            %dma_wait3A_477 = tpu.memref_squeeze %dma_wait3A_476 : memref<1x16x128xf32, #tpu.memory_space<vmem>> -> memref<16x128xf32, #tpu.memory_space<vmem>>
            %dma_wait3A_478 = arith.constant 0 : i32
            %dma_wait3A_479 = arith.constant 0 : i32
            %dma_wait3A_480 = tpu.memref_slice %arg4[%dma_wait3A_478, %dma_wait3A_479] : memref<16385x128xf32, #tpu.memory_space<hbm>> -> memref<16x128xf32, #tpu.memory_space<hbm>>
            %dma_wait3A_481 = arith.constant 0 : i32
            %dma_wait3A_482 = arith.constant 0 : i32
            %dma_wait3A_483 = tpu.memref_slice %arg4[%dma_wait3A_481, %dma_wait3A_482] : memref<16385x128xf32, #tpu.memory_space<hbm>> -> memref<16x128xf32, #tpu.memory_space<hbm>>
            %dma_wait3A_484 = arith.constant 0 : i32
            %dma_wait3A_485 = arith.constant 0 : i32
            %dma_wait3A_486 = tpu.memref_slice %arg10[%dma_wait3A_473, %dma_wait3A_484, %dma_wait3A_485] : memref<8x16x128xf32, #tpu.memory_space<vmem>> -> memref<1x16x128xf32, #tpu.memory_space<vmem>>
            %dma_wait3A_487 = tpu.memref_squeeze %dma_wait3A_486 : memref<1x16x128xf32, #tpu.memory_space<vmem>> -> memref<16x128xf32, #tpu.memory_space<vmem>>
            tpu.wait_dma2 semaphore(%arg13 : memref<!tpu.dma_semaphore, #tpu.memory_space<semaphore_mem>>) src(%dma_wait3A_487 : memref<16x128xf32, #tpu.memory_space<vmem>>) dst(%dma_wait3A_483 : memref<16x128xf32, #tpu.memory_space<hbm>>)
          } else {
          }
          %and3A_456 = arith.constant 7 : i32
          %and3A_457 = arith.andi %while3A_422, %and3A_456 : i32
          %scan3A_458 = arith.constant 0 : i32
          %scan3A_459 = arith.constant 16 : i32
          %scan3A_460 = arith.addi %scan3A_458, %scan3A_459 : i32
          %scan3A_461 = arith.constant 1 : i32
          scf.for %scan3A_473 = %scan3A_458 to %scan3A_460 step %scan3A_461  : i32 {
            %mul3A_474 = arith.constant 16 : i32
            %mul3A_475 = arith.muli %while3A_421, %mul3A_474 : i32
            %add3A_476 = arith.addi %mul3A_475, %scan3A_473 : i32
            %mul3A_477 = arith.constant 0 : i32
            %mul3A_478 = vector.broadcast %mul3A_477 : i32 to vector<16xi32>
            %mul3A_479 = arith.muli %mul3A_478, %iota3A : vector<16xi32>
            %add3A_480 = vector.broadcast %add3A_476 : i32 to vector<16xi32>
            %add3A_481 = arith.addi %add3A_480, %mul3A_479 : vector<16xi32>
            %gather3A_482 = tpu.vector_load_idx %arg7[%add3A_481] : memref<16384xi32, #tpu.memory_space<vmem>>[vector<16xi32>], vector<16xi32>,
            %sub3A_483 = vector.broadcast %cond3A_441 : i32 to vector<16xi32>
            %sub3A_484 = arith.subi %gather3A_482, %sub3A_483 : vector<16xi32>
            %jit3A_485 = arith.constant 0 : i32
            %jit3A_486 = arith.constant 64 : i32
            %max3A = vector.broadcast %jit3A_485 : i32 to vector<16xi32>
            %max3A_487 = arith.maxsi %max3A, %sub3A_484 : vector<16xi32>
            %min3A_488 = vector.broadcast %jit3A_486 : i32 to vector<16xi32>
            %min3A_489 = arith.minsi %min3A_488, %max3A_487 : vector<16xi32>
            %add3A_490 = arith.constant 0 : i32
            %add3A_491 = vector.broadcast %add3A_490 : i32 to vector<16xi32>
            %add3A_492 = arith.addi %iota3A, %add3A_491 : vector<16xi32>
            %shift_right_arithmetic3A_493 = arith.constant 3 : i32
            %shift_right_arithmetic3A_494 = vector.broadcast %shift_right_arithmetic3A_493 : i32 to vector<16xi32>
            %shift_right_arithmetic3A_495 = arith.shrsi %add3A_492, %shift_right_arithmetic3A_494 : vector<16xi32>
            %and3A_496 = arith.constant 7 : i32
            %and3A_497 = vector.broadcast %and3A_496 : i32 to vector<16xi32>
            %and3A_498 = arith.andi %add3A_492, %and3A_497 : vector<16xi32>
            %gather3A_499 = tpu.vector_load_idx %arg9[%shift_right_arithmetic3A_495, %and3A_498, %min3A_489] : memref<8x8x65xf32, #tpu.memory_space<vmem>>[vector<16xi32>, vector<16xi32>, vector<16xi32>], vector<16xf32>,
            %swap3A = arith.index_cast %and3A_457 : i32 to index
            %swap3A_500 = arith.index_cast %scan3A_473 : i32 to index
            %swap3A_501 = arith.constant 0 : index
            %swap3A_502 = tpu.vector_load %arg10[%swap3A, %swap3A_500, %swap3A_501] {strides = array<i32>} : memref<8x16x128xf32, #tpu.memory_space<vmem>>, vector<16xf32>,
            tpu.vector_store %arg10[%swap3A, %swap3A_500, %swap3A_501], %gather3A_499 {strides = array<i32>} : memref<8x16x128xf32, #tpu.memory_space<vmem>>, vector<16xf32>,
            %add3A_503 = arith.constant 16 : i32
            %add3A_504 = vector.broadcast %add3A_503 : i32 to vector<16xi32>
            %add3A_505 = arith.addi %iota3A, %add3A_504 : vector<16xi32>
            %shift_right_arithmetic3A_506 = arith.constant 3 : i32
            %shift_right_arithmetic3A_507 = vector.broadcast %shift_right_arithmetic3A_506 : i32 to vector<16xi32>
            %shift_right_arithmetic3A_508 = arith.shrsi %add3A_505, %shift_right_arithmetic3A_507 : vector<16xi32>
            %and3A_509 = arith.constant 7 : i32
            %and3A_510 = vector.broadcast %and3A_509 : i32 to vector<16xi32>
            %and3A_511 = arith.andi %add3A_505, %and3A_510 : vector<16xi32>
            %gather3A_512 = tpu.vector_load_idx %arg9[%shift_right_arithmetic3A_508, %and3A_511, %min3A_489] : memref<8x8x65xf32, #tpu.memory_space<vmem>>[vector<16xi32>, vector<16xi32>, vector<16xi32>], vector<16xf32>,
            %swap3A_513 = arith.index_cast %and3A_457 : i32 to index
            %swap3A_514 = arith.index_cast %scan3A_473 : i32 to index
            %swap3A_515 = arith.constant 16 : index
            %swap3A_516 = tpu.vector_load %arg10[%swap3A_513, %swap3A_514, %swap3A_515] {strides = array<i32>} : memref<8x16x128xf32, #tpu.memory_space<vmem>>, vector<16xf32>,
            tpu.vector_store %arg10[%swap3A_513, %swap3A_514, %swap3A_515], %gather3A_512 {strides = array<i32>} : memref<8x16x128xf32, #tpu.memory_space<vmem>>, vector<16xf32>,
            %add3A_517 = arith.constant 32 : i32
            %add3A_518 = vector.broadcast %add3A_517 : i32 to vector<16xi32>
            %add3A_519 = arith.addi %iota3A, %add3A_518 : vector<16xi32>
            %shift_right_arithmetic3A_520 = arith.constant 3 : i32
            %shift_right_arithmetic3A_521 = vector.broadcast %shift_right_arithmetic3A_520 : i32 to vector<16xi32>
            %shift_right_arithmetic3A_522 = arith.shrsi %add3A_519, %shift_right_arithmetic3A_521 : vector<16xi32>
            %and3A_523 = arith.constant 7 : i32
            %and3A_524 = vector.broadcast %and3A_523 : i32 to vector<16xi32>
            %and3A_525 = arith.andi %add3A_519, %and3A_524 : vector<16xi32>
            %gather3A_526 = tpu.vector_load_idx %arg9[%shift_right_arithmetic3A_522, %and3A_525, %min3A_489] : memref<8x8x65xf32, #tpu.memory_space<vmem>>[vector<16xi32>, vector<16xi32>, vector<16xi32>], vector<16xf32>,
            %swap3A_527 = arith.index_cast %and3A_457 : i32 to index
            %swap3A_528 = arith.index_cast %scan3A_473 : i32 to index
            %swap3A_529 = arith.constant 32 : index
            %swap3A_530 = tpu.vector_load %arg10[%swap3A_527, %swap3A_528, %swap3A_529] {strides = array<i32>} : memref<8x16x128xf32, #tpu.memory_space<vmem>>, vector<16xf32>,
            tpu.vector_store %arg10[%swap3A_527, %swap3A_528, %swap3A_529], %gather3A_526 {strides = array<i32>} : memref<8x16x128xf32, #tpu.memory_space<vmem>>, vector<16xf32>,
            %add3A_531 = arith.constant 48 : i32
            %add3A_532 = vector.broadcast %add3A_531 : i32 to vector<16xi32>
            %add3A_533 = arith.addi %iota3A, %add3A_532 : vector<16xi32>
            %shift_right_arithmetic3A_534 = arith.constant 3 : i32
            %shift_right_arithmetic3A_535 = vector.broadcast %shift_right_arithmetic3A_534 : i32 to vector<16xi32>
            %shift_right_arithmetic3A_536 = arith.shrsi %add3A_533, %shift_right_arithmetic3A_535 : vector<16xi32>
            %and3A_537 = arith.constant 7 : i32
            %and3A_538 = vector.broadcast %and3A_537 : i32 to vector<16xi32>
            %and3A_539 = arith.andi %add3A_533, %and3A_538 : vector<16xi32>
            %gather3A_540 = tpu.vector_load_idx %arg9[%shift_right_arithmetic3A_536, %and3A_539, %min3A_489] : memref<8x8x65xf32, #tpu.memory_space<vmem>>[vector<16xi32>, vector<16xi32>, vector<16xi32>], vector<16xf32>,
            %swap3A_541 = arith.index_cast %and3A_457 : i32 to index
            %swap3A_542 = arith.index_cast %scan3A_473 : i32 to index
            %swap3A_543 = arith.constant 48 : index
            %swap3A_544 = tpu.vector_load %arg10[%swap3A_541, %swap3A_542, %swap3A_543] {strides = array<i32>} : memref<8x16x128xf32, #tpu.memory_space<vmem>>, vector<16xf32>,
            tpu.vector_store %arg10[%swap3A_541, %swap3A_542, %swap3A_543], %gather3A_540 {strides = array<i32>} : memref<8x16x128xf32, #tpu.memory_space<vmem>>, vector<16xf32>,
          }
          %scan3A_462 = arith.constant 16 : i32
          %jit3A_463 = arith.constant 16384 : i32
          %broadcast_in_dim3A_464 = vector.broadcast %jit3A_463 : i32 to vector<16xi32>
          %select_n3A_465 = arith.select %and3A, %gather3A, %broadcast_in_dim3A_464 : vector<16xi1>, vector<16xi32>
          %dma_start3A_466 = arith.constant 0 : i32
          %dma_start3A_467 = arith.constant 0 : i32
          %dma_start3A_468 = tpu.memref_slice %arg10[%and3A_457, %dma_start3A_466, %dma_start3A_467] : memref<8x16x128xf32, #tpu.memory_space<vmem>> -> memref<1x16x128xf32, #tpu.memory_space<vmem>>
          %dma_start3A_469 = tpu.memref_squeeze %dma_start3A_468 : memref<1x16x128xf32, #tpu.memory_space<vmem>> -> memref<16x128xf32, #tpu.memory_space<vmem>>
          %dma_start3A_470 = arith.constant 0 : i32
          %dma_start3A_471 = arith.constant 0 : i32
          %dma_start3A_472 = tpu.memref_slice %arg4[%dma_start3A_470, %dma_start3A_471] : memref<16385x128xf32, #tpu.memory_space<hbm>> -> memref<16385x128xf32, #tpu.memory_space<hbm>>
          tpu.enqueue_indirect_dma source(%dma_start3A_469 : memref<16x128xf32, #tpu.memory_space<vmem>>) target(%dma_start3A_472 : memref<16385x128xf32, #tpu.memory_space<hbm>>) offsets(%select_n3A_465 : vector<16xi32>) semaphore(%arg13 : memref<!tpu.dma_semaphore, #tpu.memory_space<semaphore_mem>>)
        } else {
        }
        %slice3A_444 = vector.extract_strided_slice %all_reduce_population_count3A {offsets = [0], sizes = [1], strides = [1]} : vector<16xi32> to vector<1xi32>
        %squeeze3A_445 = vector.extract %slice3A_444[0] : i32 from vector<1xi32>
        %gt3A_446 = arith.constant 0 : i32
        %gt3A_447 = arith.cmpi sgt, %squeeze3A_445, %gt3A_446 : i32
        %add3A_448 = arith.constant 1 : i32
        %add3A_449 = arith.addi %while3A_422, %add3A_448 : i32
        %select_n3A_450 = arith.select %gt3A_447, %add3A_449, %while3A_422 : i32
        scf.yield %select_n3A_450 : i32
      }
      %while3A_408 = arith.constant 1 : i32
      %while3A_409 = scf.for %while3A_421 = %while3A_405 to %while3A_401 step %while3A_408 iter_args(%while3A_422 = %while3A_407) -> (i32)  : i32 {
        %mul3A_423 = arith.constant 16 : i32
        %mul3A_424 = arith.muli %while3A_421, %mul3A_423 : i32
        %add3A_425 = vector.broadcast %mul3A_424 : i32 to vector<16xi32>
        %add3A_426 = arith.addi %add3A_425, %iota3A : vector<16xi32>
        %gather3A = tpu.vector_load_idx %arg6[%add3A_426] : memref<16384xi32, #tpu.memory_space<vmem>>[vector<16xi32>], vector<16xi32>,
        %mul3A_427 = arith.constant 16 : i32
        %mul3A_428 = arith.muli %while3A_421, %mul3A_427 : i32
        %add3A_429 = vector.broadcast %mul3A_428 : i32 to vector<16xi32>
        %add3A_430 = arith.addi %add3A_429, %iota3A : vector<16xi32>
        %gather3A_431 = tpu.vector_load_idx %arg7[%add3A_430] : memref<16384xi32, #tpu.memory_space<vmem>>[vector<16xi32>], vector<16xi32>,
        %ge3A = arith.constant 999936 : i32
        %ge3A_432 = vector.broadcast %ge3A : i32 to vector<16xi32>
        %ge3A_433 = arith.cmpi sge, %gather3A_431, %ge3A_432 : vector<16xi32>
        %add3A_434 = arith.constant 999936 : i32
        %add3A_435 = arith.constant 65 : i32
        %add3A_436 = arith.addi %add3A_434, %add3A_435 : i32
        %lt3A_437 = vector.broadcast %add3A_436 : i32 to vector<16xi32>
        %lt3A_438 = arith.cmpi slt, %gather3A_431, %lt3A_437 : vector<16xi32>
        %and3A = arith.andi %ge3A_433, %lt3A_438 : vector<16xi1>
        %all_reduce_population_count3A = tpu.all_reduce %and3A {dim = 0 : i64, kind = #tpu.reduction_kind<sum>} : vector<16xi1> -> vector<16xi32>
        %slice3A = vector.extract_strided_slice %all_reduce_population_count3A {offsets = [0], sizes = [1], strides = [1]} : vector<16xi32> to vector<1xi32>
        %squeeze3A = vector.extract %slice3A[0] : i32 from vector<1xi32>
        %gt3A = arith.constant 0 : i32
        %gt3A_439 = arith.cmpi sgt, %squeeze3A, %gt3A : i32
        %convert_element_type3A_440 = arith.extui %gt3A_439 : i1 to i32
        %cond3A_441 = arith.constant 999936 : i32
        %cond3A_442 = arith.constant 0 : i32
        %cond3A_443 = arith.cmpi ne, %convert_element_type3A_440, %cond3A_442 : i32
        scf.if %cond3A_443 {
          %ge3A_451 = arith.constant 8 : i32
          %ge3A_452 = arith.cmpi sge, %while3A_422, %ge3A_451 : i32
          %convert_element_type3A_453 = arith.extui %ge3A_452 : i1 to i32
          %cond3A_454 = arith.constant 0 : i32
          %cond3A_455 = arith.cmpi ne, %convert_element_type3A_453, %cond3A_454 : i32
          scf.if %cond3A_455 {
            %dma_wait3A_473 = arith.constant 0 : i32
            %dma_wait3A_474 = arith.constant 0 : i32
            %dma_wait3A_475 = arith.constant 0 : i32
            %dma_wait3A_476 = tpu.memref_slice %arg10[%dma_wait3A_473, %dma_wait3A_474, %dma_wait3A_475] : memref<8x16x128xf32, #tpu.memory_space<vmem>> -> memref<1x16x128xf32, #tpu.memory_space<vmem>>
            %dma_wait3A_477 = tpu.memref_squeeze %dma_wait3A_476 : memref<1x16x128xf32, #tpu.memory_space<vmem>> -> memref<16x128xf32, #tpu.memory_space<vmem>>
            %dma_wait3A_478 = arith.constant 0 : i32
            %dma_wait3A_479 = arith.constant 0 : i32
            %dma_wait3A_480 = tpu.memref_slice %arg4[%dma_wait3A_478, %dma_wait3A_479] : memref<16385x128xf32, #tpu.memory_space<hbm>> -> memref<16x128xf32, #tpu.memory_space<hbm>>
            %dma_wait3A_481 = arith.constant 0 : i32
            %dma_wait3A_482 = arith.constant 0 : i32
            %dma_wait3A_483 = tpu.memref_slice %arg4[%dma_wait3A_481, %dma_wait3A_482] : memref<16385x128xf32, #tpu.memory_space<hbm>> -> memref<16x128xf32, #tpu.memory_space<hbm>>
            %dma_wait3A_484 = arith.constant 0 : i32
            %dma_wait3A_485 = arith.constant 0 : i32
            %dma_wait3A_486 = tpu.memref_slice %arg10[%dma_wait3A_473, %dma_wait3A_484, %dma_wait3A_485] : memref<8x16x128xf32, #tpu.memory_space<vmem>> -> memref<1x16x128xf32, #tpu.memory_space<vmem>>
            %dma_wait3A_487 = tpu.memref_squeeze %dma_wait3A_486 : memref<1x16x128xf32, #tpu.memory_space<vmem>> -> memref<16x128xf32, #tpu.memory_space<vmem>>
            tpu.wait_dma2 semaphore(%arg13 : memref<!tpu.dma_semaphore, #tpu.memory_space<semaphore_mem>>) src(%dma_wait3A_487 : memref<16x128xf32, #tpu.memory_space<vmem>>) dst(%dma_wait3A_483 : memref<16x128xf32, #tpu.memory_space<hbm>>)
          } else {
          }
          %and3A_456 = arith.constant 7 : i32
          %and3A_457 = arith.andi %while3A_422, %and3A_456 : i32
          %scan3A_458 = arith.constant 0 : i32
          %scan3A_459 = arith.constant 16 : i32
          %scan3A_460 = arith.addi %scan3A_458, %scan3A_459 : i32
          %scan3A_461 = arith.constant 1 : i32
          scf.for %scan3A_473 = %scan3A_458 to %scan3A_460 step %scan3A_461  : i32 {
            %mul3A_474 = arith.constant 16 : i32
            %mul3A_475 = arith.muli %while3A_421, %mul3A_474 : i32
            %add3A_476 = arith.addi %mul3A_475, %scan3A_473 : i32
            %mul3A_477 = arith.constant 0 : i32
            %mul3A_478 = vector.broadcast %mul3A_477 : i32 to vector<16xi32>
            %mul3A_479 = arith.muli %mul3A_478, %iota3A : vector<16xi32>
            %add3A_480 = vector.broadcast %add3A_476 : i32 to vector<16xi32>
            %add3A_481 = arith.addi %add3A_480, %mul3A_479 : vector<16xi32>
            %gather3A_482 = tpu.vector_load_idx %arg7[%add3A_481] : memref<16384xi32, #tpu.memory_space<vmem>>[vector<16xi32>], vector<16xi32>,
            %sub3A_483 = vector.broadcast %cond3A_441 : i32 to vector<16xi32>
            %sub3A_484 = arith.subi %gather3A_482, %sub3A_483 : vector<16xi32>
            %jit3A_485 = arith.constant 0 : i32
            %jit3A_486 = arith.constant 64 : i32
            %max3A = vector.broadcast %jit3A_485 : i32 to vector<16xi32>
            %max3A_487 = arith.maxsi %max3A, %sub3A_484 : vector<16xi32>
            %min3A_488 = vector.broadcast %jit3A_486 : i32 to vector<16xi32>
            %min3A_489 = arith.minsi %min3A_488, %max3A_487 : vector<16xi32>
            %add3A_490 = arith.constant 0 : i32
            %add3A_491 = vector.broadcast %add3A_490 : i32 to vector<16xi32>
            %add3A_492 = arith.addi %iota3A, %add3A_491 : vector<16xi32>
            %shift_right_arithmetic3A_493 = arith.constant 3 : i32
            %shift_right_arithmetic3A_494 = vector.broadcast %shift_right_arithmetic3A_493 : i32 to vector<16xi32>
            %shift_right_arithmetic3A_495 = arith.shrsi %add3A_492, %shift_right_arithmetic3A_494 : vector<16xi32>
            %and3A_496 = arith.constant 7 : i32
            %and3A_497 = vector.broadcast %and3A_496 : i32 to vector<16xi32>
            %and3A_498 = arith.andi %add3A_492, %and3A_497 : vector<16xi32>
            %gather3A_499 = tpu.vector_load_idx %arg9[%shift_right_arithmetic3A_495, %and3A_498, %min3A_489] : memref<8x8x65xf32, #tpu.memory_space<vmem>>[vector<16xi32>, vector<16xi32>, vector<16xi32>], vector<16xf32>,
            %swap3A = arith.index_cast %and3A_457 : i32 to index
            %swap3A_500 = arith.index_cast %scan3A_473 : i32 to index
            %swap3A_501 = arith.constant 0 : index
            %swap3A_502 = tpu.vector_load %arg10[%swap3A, %swap3A_500, %swap3A_501] {strides = array<i32>} : memref<8x16x128xf32, #tpu.memory_space<vmem>>, vector<16xf32>,
            tpu.vector_store %arg10[%swap3A, %swap3A_500, %swap3A_501], %gather3A_499 {strides = array<i32>} : memref<8x16x128xf32, #tpu.memory_space<vmem>>, vector<16xf32>,
            %add3A_503 = arith.constant 16 : i32
            %add3A_504 = vector.broadcast %add3A_503 : i32 to vector<16xi32>
            %add3A_505 = arith.addi %iota3A, %add3A_504 : vector<16xi32>
            %shift_right_arithmetic3A_506 = arith.constant 3 : i32
            %shift_right_arithmetic3A_507 = vector.broadcast %shift_right_arithmetic3A_506 : i32 to vector<16xi32>
            %shift_right_arithmetic3A_508 = arith.shrsi %add3A_505, %shift_right_arithmetic3A_507 : vector<16xi32>
            %and3A_509 = arith.constant 7 : i32
            %and3A_510 = vector.broadcast %and3A_509 : i32 to vector<16xi32>
            %and3A_511 = arith.andi %add3A_505, %and3A_510 : vector<16xi32>
            %gather3A_512 = tpu.vector_load_idx %arg9[%shift_right_arithmetic3A_508, %and3A_511, %min3A_489] : memref<8x8x65xf32, #tpu.memory_space<vmem>>[vector<16xi32>, vector<16xi32>, vector<16xi32>], vector<16xf32>,
            %swap3A_513 = arith.index_cast %and3A_457 : i32 to index
            %swap3A_514 = arith.index_cast %scan3A_473 : i32 to index
            %swap3A_515 = arith.constant 16 : index
            %swap3A_516 = tpu.vector_load %arg10[%swap3A_513, %swap3A_514, %swap3A_515] {strides = array<i32>} : memref<8x16x128xf32, #tpu.memory_space<vmem>>, vector<16xf32>,
            tpu.vector_store %arg10[%swap3A_513, %swap3A_514, %swap3A_515], %gather3A_512 {strides = array<i32>} : memref<8x16x128xf32, #tpu.memory_space<vmem>>, vector<16xf32>,
            %add3A_517 = arith.constant 32 : i32
            %add3A_518 = vector.broadcast %add3A_517 : i32 to vector<16xi32>
            %add3A_519 = arith.addi %iota3A, %add3A_518 : vector<16xi32>
            %shift_right_arithmetic3A_520 = arith.constant 3 : i32
            %shift_right_arithmetic3A_521 = vector.broadcast %shift_right_arithmetic3A_520 : i32 to vector<16xi32>
            %shift_right_arithmetic3A_522 = arith.shrsi %add3A_519, %shift_right_arithmetic3A_521 : vector<16xi32>
            %and3A_523 = arith.constant 7 : i32
            %and3A_524 = vector.broadcast %and3A_523 : i32 to vector<16xi32>
            %and3A_525 = arith.andi %add3A_519, %and3A_524 : vector<16xi32>
            %gather3A_526 = tpu.vector_load_idx %arg9[%shift_right_arithmetic3A_522, %and3A_525, %min3A_489] : memref<8x8x65xf32, #tpu.memory_space<vmem>>[vector<16xi32>, vector<16xi32>, vector<16xi32>], vector<16xf32>,
            %swap3A_527 = arith.index_cast %and3A_457 : i32 to index
            %swap3A_528 = arith.index_cast %scan3A_473 : i32 to index
            %swap3A_529 = arith.constant 32 : index
            %swap3A_530 = tpu.vector_load %arg10[%swap3A_527, %swap3A_528, %swap3A_529] {strides = array<i32>} : memref<8x16x128xf32, #tpu.memory_space<vmem>>, vector<16xf32>,
            tpu.vector_store %arg10[%swap3A_527, %swap3A_528, %swap3A_529], %gather3A_526 {strides = array<i32>} : memref<8x16x128xf32, #tpu.memory_space<vmem>>, vector<16xf32>,
            %add3A_531 = arith.constant 48 : i32
            %add3A_532 = vector.broadcast %add3A_531 : i32 to vector<16xi32>
            %add3A_533 = arith.addi %iota3A, %add3A_532 : vector<16xi32>
            %shift_right_arithmetic3A_534 = arith.constant 3 : i32
            %shift_right_arithmetic3A_535 = vector.broadcast %shift_right_arithmetic3A_534 : i32 to vector<16xi32>
            %shift_right_arithmetic3A_536 = arith.shrsi %add3A_533, %shift_right_arithmetic3A_535 : vector<16xi32>
            %and3A_537 = arith.constant 7 : i32
            %and3A_538 = vector.broadcast %and3A_537 : i32 to vector<16xi32>
            %and3A_539 = arith.andi %add3A_533, %and3A_538 : vector<16xi32>
            %gather3A_540 = tpu.vector_load_idx %arg9[%shift_right_arithmetic3A_536, %and3A_539, %min3A_489] : memref<8x8x65xf32, #tpu.memory_space<vmem>>[vector<16xi32>, vector<16xi32>, vector<16xi32>], vector<16xf32>,
            %swap3A_541 = arith.index_cast %and3A_457 : i32 to index
            %swap3A_542 = arith.index_cast %scan3A_473 : i32 to index
            %swap3A_543 = arith.constant 48 : index
            %swap3A_544 = tpu.vector_load %arg10[%swap3A_541, %swap3A_542, %swap3A_543] {strides = array<i32>} : memref<8x16x128xf32, #tpu.memory_space<vmem>>, vector<16xf32>,
            tpu.vector_store %arg10[%swap3A_541, %swap3A_542, %swap3A_543], %gather3A_540 {strides = array<i32>} : memref<8x16x128xf32, #tpu.memory_space<vmem>>, vector<16xf32>,
          }
          %scan3A_462 = arith.constant 16 : i32
          %jit3A_463 = arith.constant 16384 : i32
          %broadcast_in_dim3A_464 = vector.broadcast %jit3A_463 : i32 to vector<16xi32>
          %select_n3A_465 = arith.select %and3A, %gather3A, %broadcast_in_dim3A_464 : vector<16xi1>, vector<16xi32>
          %dma_start3A_466 = arith.constant 0 : i32
          %dma_start3A_467 = arith.constant 0 : i32
          %dma_start3A_468 = tpu.memref_slice %arg10[%and3A_457, %dma_start3A_466, %dma_start3A_467] : memref<8x16x128xf32, #tpu.memory_space<vmem>> -> memref<1x16x128xf32, #tpu.memory_space<vmem>>
          %dma_start3A_469 = tpu.memref_squeeze %dma_start3A_468 : memref<1x16x128xf32, #tpu.memory_space<vmem>> -> memref<16x128xf32, #tpu.memory_space<vmem>>
          %dma_start3A_470 = arith.constant 0 : i32
          %dma_start3A_471 = arith.constant 0 : i32
          %dma_start3A_472 = tpu.memref_slice %arg4[%dma_start3A_470, %dma_start3A_471] : memref<16385x128xf32, #tpu.memory_space<hbm>> -> memref<16385x128xf32, #tpu.memory_space<hbm>>
          tpu.enqueue_indirect_dma source(%dma_start3A_469 : memref<16x128xf32, #tpu.memory_space<vmem>>) target(%dma_start3A_472 : memref<16385x128xf32, #tpu.memory_space<hbm>>) offsets(%select_n3A_465 : vector<16xi32>) semaphore(%arg13 : memref<!tpu.dma_semaphore, #tpu.memory_space<semaphore_mem>>)
        } else {
        }
        %slice3A_444 = vector.extract_strided_slice %all_reduce_population_count3A {offsets = [0], sizes = [1], strides = [1]} : vector<16xi32> to vector<1xi32>
        %squeeze3A_445 = vector.extract %slice3A_444[0] : i32 from vector<1xi32>
        %gt3A_446 = arith.constant 0 : i32
        %gt3A_447 = arith.cmpi sgt, %squeeze3A_445, %gt3A_446 : i32
        %add3A_448 = arith.constant 1 : i32
        %add3A_449 = arith.addi %while3A_422, %add3A_448 : i32
        %select_n3A_450 = arith.select %gt3A_447, %add3A_449, %while3A_422 : i32
        scf.yield %select_n3A_450 : i32
      }
      %min3A_410 = arith.constant 8 : i32
      %min3A_411 = arith.minsi %while3A_409, %min3A_410 : i32
      %while3A_412 = arith.constant 0 : i32
      %while3A_413 = arith.subi %min3A_411, %while3A_412 : i32
      %while3A_414 = arith.addi %while3A_412, %while3A_413 : i32
      %while3A_415 = arith.constant 1 : i32
      %while3A_416 = arith.divsi %while3A_413, %while3A_415 : i32
      %while3A_417 = arith.muli %while3A_416, %while3A_415 : i32
      %while3A_418 = arith.addi %while3A_412, %while3A_417 : i32
      %while3A_419 = arith.constant 1 : i32
      scf.for %while3A_421 = %while3A_412 to %while3A_418 step %while3A_419  : i32 {
        %dma_wait3A_422 = arith.constant 0 : i32
        %dma_wait3A_423 = arith.constant 0 : i32
        %dma_wait3A_424 = arith.constant 0 : i32
        %dma_wait3A_425 = tpu.memref_slice %arg10[%dma_wait3A_422, %dma_wait3A_423, %dma_wait3A_424] : memref<8x16x128xf32, #tpu.memory_space<vmem>> -> memref<1x16x128xf32, #tpu.memory_space<vmem>>
        %dma_wait3A_426 = tpu.memref_squeeze %dma_wait3A_425 : memref<1x16x128xf32, #tpu.memory_space<vmem>> -> memref<16x128xf32, #tpu.memory_space<vmem>>
        %dma_wait3A_427 = arith.constant 0 : i32
        %dma_wait3A_428 = arith.constant 0 : i32
        %dma_wait3A_429 = tpu.memref_slice %arg4[%dma_wait3A_427, %dma_wait3A_428] : memref<16385x128xf32, #tpu.memory_space<hbm>> -> memref<16x128xf32, #tpu.memory_space<hbm>>
        %dma_wait3A_430 = arith.constant 0 : i32
        %dma_wait3A_431 = arith.constant 0 : i32
        %dma_wait3A_432 = tpu.memref_slice %arg4[%dma_wait3A_430, %dma_wait3A_431] : memref<16385x128xf32, #tpu.memory_space<hbm>> -> memref<16x128xf32, #tpu.memory_space<hbm>>
        %dma_wait3A_433 = arith.constant 0 : i32
        %dma_wait3A_434 = arith.constant 0 : i32
        %dma_wait3A_435 = tpu.memref_slice %arg10[%dma_wait3A_422, %dma_wait3A_433, %dma_wait3A_434] : memref<8x16x128xf32, #tpu.memory_space<vmem>> -> memref<1x16x128xf32, #tpu.memory_space<vmem>>
        %dma_wait3A_436 = tpu.memref_squeeze %dma_wait3A_435 : memref<1x16x128xf32, #tpu.memory_space<vmem>> -> memref<16x128xf32, #tpu.memory_space<vmem>>
        tpu.wait_dma2 semaphore(%arg13 : memref<!tpu.dma_semaphore, #tpu.memory_space<semaphore_mem>>) src(%dma_wait3A_436 : memref<16x128xf32, #tpu.memory_space<vmem>>) dst(%dma_wait3A_432 : memref<16x128xf32, #tpu.memory_space<hbm>>)
      }
      %while3A_420 = arith.constant 1 : i32
      scf.for %while3A_421 = %while3A_418 to %while3A_414 step %while3A_420  : i32 {
        %dma_wait3A_422 = arith.constant 0 : i32
        %dma_wait3A_423 = arith.constant 0 : i32
        %dma_wait3A_424 = arith.constant 0 : i32
        %dma_wait3A_425 = tpu.memref_slice %arg10[%dma_wait3A_422, %dma_wait3A_423, %dma_wait3A_424] : memref<8x16x128xf32, #tpu.memory_space<vmem>> -> memref<1x16x128xf32, #tpu.memory_space<vmem>>
        %dma_wait3A_426 = tpu.memref_squeeze %dma_wait3A_425 : memref<1x16x128xf32, #tpu.memory_space<vmem>> -> memref<16x128xf32, #tpu.memory_space<vmem>>
        %dma_wait3A_427 = arith.constant 0 : i32
        %dma_wait3A_428 = arith.constant 0 : i32
        %dma_wait3A_429 = tpu.memref_slice %arg4[%dma_wait3A_427, %dma_wait3A_428] : memref<16385x128xf32, #tpu.memory_space<hbm>> -> memref<16x128xf32, #tpu.memory_space<hbm>>
        %dma_wait3A_430 = arith.constant 0 : i32
        %dma_wait3A_431 = arith.constant 0 : i32
        %dma_wait3A_432 = tpu.memref_slice %arg4[%dma_wait3A_430, %dma_wait3A_431] : memref<16385x128xf32, #tpu.memory_space<hbm>> -> memref<16x128xf32, #tpu.memory_space<hbm>>
        %dma_wait3A_433 = arith.constant 0 : i32
        %dma_wait3A_434 = arith.constant 0 : i32
        %dma_wait3A_435 = tpu.memref_slice %arg10[%dma_wait3A_422, %dma_wait3A_433, %dma_wait3A_434] : memref<8x16x128xf32, #tpu.memory_space<vmem>> -> memref<1x16x128xf32, #tpu.memory_space<vmem>>
        %dma_wait3A_436 = tpu.memref_squeeze %dma_wait3A_435 : memref<1x16x128xf32, #tpu.memory_space<vmem>> -> memref<16x128xf32, #tpu.memory_space<vmem>>
        tpu.wait_dma2 semaphore(%arg13 : memref<!tpu.dma_semaphore, #tpu.memory_space<semaphore_mem>>) src(%dma_wait3A_436 : memref<16x128xf32, #tpu.memory_space<vmem>>) dst(%dma_wait3A_432 : memref<16x128xf32, #tpu.memory_space<hbm>>)
      }
    } else {
    }
    return
  }
}

</mosaic_0001>

<sc_bundles>
// kernel: kernel.3.cloned.1.call-start
scs
__scs_entry_jumppad:
0x0: {  	(pc) =	sbr.rel $0x88, $3  }
0x1: {  	(tag) =	ssettag $0x0;
	lr =	simm.s32 $0x1  }
0x2: {  	[smem:$0x3F9F] =	sst lr;
	_ =	strace $0xD0000000  }
0x3: {  	_ = 	snop  }
0x4: {  	_ = 	snop  }
0x5: {  	_ = 	snop  }
0x6: {  	_ = 	snop  }
0x7: {  	_ = 	snop  }
__scs_overlays_trampoline_lowered:
0x8: {  	[smem:$0x3FAE] =	sst s0  }
0x9: {  	[smem:$0x3FAF] =	sst s1  }
0xa: {  	[smem:$0x3FB0] =	sst s2  }
0xb: {  	[smem:$0x3FB1] =	sst s3  }
0xc: {  	[smem:$0x3FB2] =	sst s4  }
0xd: {  	[smem:$0x3FB3] =	sst s5  }
0xe: {  	[smem:$0x3FB4] =	sst s6  }
0xf: {  	[smem:$0x3FB5] =	sst s7  }
0x10: {  	[smem:$0x3FB6] =	sst s8  }
0x11: {  	[smem:$0x3FB7] =	sst s9;
	s0 =	simm.s32 @!p0 $0x0  }
0x12: {  	s1 =	sld [smem:$0x3F9D];
	s0 =	simm.s32 @p0 $0x1  }
0x13: {  	[smem:$0x3FB8] =	sst s0;
	s0 =	simm.s32 @!p1 $0x0  }
0x14: {  	s2 =	sld [smem:$0x3F9C];
	s0 =	simm.s32 @p1 $0x1  }
0x15: {  	[smem:$0x3FB9] =	sst s0;
	s0 =	simm.s32 @!p2 $0x0  }
0x16: {  	s3 =	sld [smem:$0x3FDB];
	s0 =	simm.s32 @p2 $0x1  }
0x17: {  	s4 =	simm.s32 $0x1BF5;
	[smem:$0x3FBB] =	sst s0  }
0x18: {  	s0 =	sld [smem:$0x3F9E];
	_ =	swait.ge [sflag:s4], $0x0  }
0x19: {  	s7 =	sld [smem:$0x3F9F]  }
0x1a: {  	s8 =	sadd.s32 $0xFFFFE003, lr  }
0x1b: {  	s9 =	sadd.s32 $0xFFFFFEF7, lr;
	s5 =	simm.s32 $0xFFFFFFFF;
	p2 =	slt.u32 s8, $0xFFFFF086  }
0x1c: {  	p1 =	slt.u32 s9, $0xF7A;
	s5 =	simm.s32 @!p2 $0x0  }
0x1d: {  	s5 =	simm.s32 @p1 $0x1;
	p0 =	seq.s32 s7, s2  }
0x1e: {  	s7 =	smul.u32 @!p0 $0xF7A, s2;
	p2 =	seq.s32 @!p0 s5, $0x0  }
0x1f: {  	s9 =	smul.u32 $0xF7A, s1;
	s8 =	simm.s32 @!p0 $0x1BF5;
	p2 =	por !p2, p0  }
0x20: {  	[sflag:s8] =	ssyncset.s32 @!p0 $0xFFFFF086;
	s6 =	sadd.s32 @!p0 s3, s7;
	s7 =	simm.s32 @!p0 $0x108  }
0x21: {  	s3 =	sadd.s32 s3, s9;
	s6 =	sadd.s32 @!p0 $0x88, s6;
	s7 =	simm.s32 @p2 $0x1082  }
0x22: {  	[simem:s7], [sflag:s8] =	dma.local @!p0 [hbm:s6], $0xF7A  }
0x23: {  	s9 =	sor.u32 $0xD0000000, s2;
	s6 =	simm.s32 $0x108;
	_ =	swait.ge @!p0 [sflag:s8], $0x0  }
0x24: {  	s3 =	sadd.s32 $0x88, s3;
	s6 =	simm.s32 @!p1 $0x1082;
	[sflag:s4] =	ssyncset.s32 $0xFFFFF086  }
0x25: {  	[simem:s6], [sflag:s4] =	dma.local [hbm:s3], $0xF7A  }
0x26: {  	[smem:$0x3F9F] =	sst s1;
	(tag) =	ssettag s2;
	_ =	strace s9  }
0x27: {  	s1 =	sld [smem:$0x3FAF]  }
0x28: {  	s2 =	sld [smem:$0x3FB0]  }
0x29: {  	s4 =	sld [smem:$0x3FB2]  }
0x2a: {  	p0 =	seq.s32 s5, $0x0;
	s5 =	sld [smem:$0x3FB3]  }
0x2b: {  	s6 =	sld [smem:$0x3FB4]  }
0x2c: {  	s7 =	sld [smem:$0x3FB5]  }
0x2d: {  	s3 =	simm.s32 $0x108;
	s8 =	sld [smem:$0x3FB6]  }
0x2e: {  	s3 =	simm.s32 @!p0 $0x1082;
	s9 =	sld [smem:$0x3FB7]  }
0x2f: {  	lr =	sadd.s32 s0, s3;
	s0 =	sld [smem:$0x3FAE]  }
0x30: {  	s3 =	sld [smem:$0x3FB1]  }
0x31: {  	[smem:$0x3FBA] =	sst s10  }
0x32: {  	s10 =	sld [smem:$0x3FB8];
	_ =	sdelay $0x3  }
0x33: {  	p0 =	seq.s32 s10, $0x1;
	s10 =	sld [smem:$0x3FBA];
	_ =	sdelay $0x3  }
0x34: {  	[smem:$0x3FBA] =	sst s10  }
0x35: {  	s10 =	sld [smem:$0x3FB9];
	_ =	sdelay $0x3  }
0x36: {  	p1 =	seq.s32 s10, $0x1;
	s10 =	sld [smem:$0x3FBA];
	_ =	sdelay $0x3  }
0x37: {  	[smem:$0x3FBA] =	sst s10  }
0x38: {  	s10 =	sld [smem:$0x3FBB]  }
0x39: {  	_ = 	snop;
	(pc) =	sbr.ind lr, $3  }
0x3a: {  	_ = 	snop  }
0x3b: {  	_ = 	snop  }
0x3c: {  	p2 =	seq.s32 s10, $0x1;
	s10 =	sld [smem:$0x3FBA]  }
0x3d: {  	_ =	shalt  }
0x3e: {  	_ =	shalt  }
0x3f: {  	_ =	shalt  }
0x40: {  	_ =	shalt  }
0x41: {  	_ =	shalt  }
0x42: {  	_ =	shalt  }
0x43: {  	_ =	shalt  }
0x44: {  	_ =	shalt  }
0x45: {  	_ =	shalt  }
0x46: {  	_ =	shalt  }
0x47: {  	_ =	shalt  }
0x48: {  	_ =	shalt  }
0x49: {  	_ =	shalt  }
0x4a: {  	_ =	shalt  }
0x4b: {  	_ =	shalt  }
0x4c: {  	_ =	shalt  }
0x4d: {  	_ =	shalt  }
0x4e: {  	_ =	shalt  }
0x4f: {  	_ =	shalt  }
0x50: {  	_ =	shalt  }
0x51: {  	_ =	shalt  }
0x52: {  	_ =	shalt  }
0x53: {  	_ =	shalt  }
0x54: {  	_ =	shalt  }
0x55: {  	_ =	shalt  }
0x56: {  	_ =	shalt  }
0x57: {  	_ =	shalt  }
0x58: {  	_ =	shalt  }
0x59: {  	_ =	shalt  }
0x5a: {  	_ =	shalt  }
0x5b: {  	_ =	shalt  }
0x5c: {  	_ =	shalt  }
0x5d: {  	_ =	shalt  }
0x5e: {  	_ =	shalt  }
0x5f: {  	_ =	shalt  }
0x60: {  	_ =	shalt  }
0x61: {  	_ =	shalt  }
0x62: {  	_ =	shalt  }
0x63: {  	_ =	shalt  }
0x64: {  	_ =	shalt  }
0x65: {  	_ =	shalt  }
0x66: {  	_ =	shalt  }
0x67: {  	_ =	shalt  }
0x68: {  	_ =	shalt  }
0x69: {  	_ =	shalt  }
0x6a: {  	_ =	shalt  }
0x6b: {  	_ =	shalt  }
0x6c: {  	_ =	shalt  }
0x6d: {  	_ =	shalt  }
0x6e: {  	_ =	shalt  }
0x6f: {  	_ =	shalt  }
0x70: {  	_ =	shalt  }
0x71: {  	_ =	shalt  }
0x72: {  	_ =	shalt  }
0x73: {  	_ =	shalt  }
0x74: {  	_ =	shalt  }
0x75: {  	_ =	shalt  }
0x76: {  	_ =	shalt  }
0x77: {  	_ =	shalt  }
0x78: {  	_ =	shalt  }
0x79: {  	_ =	shalt  }
0x7a: {  	_ =	shalt  }
0x7b: {  	_ =	shalt  }
0x7c: {  	_ =	shalt  }
0x7d: {  	_ =	shalt  }
0x7e: {  	_ =	shalt  }
0x7f: {  	_ =	shalt  }
0x80: {  	_ =	shalt  }
0x81: {  	_ =	shalt  }
0x82: {  	_ =	shalt  }
0x83: {  	_ =	shalt  }
0x84: {  	_ =	shalt  }
0x85: {  	_ =	shalt  }
0x86: {  	_ =	shalt  }
0x87: {  	_ =	shalt  }
.Lfunc_end0:
.L_simem_size_0:
called_computation_lowered:
.L_overlay_start_0:
0x88: {  	s2 =	sld [smem:$0x3FD9]  }
0x89: {  	s3 =	sld [smem:$0x3FFE];
	_ =	sdelay $0x1  }
0x8a: {  	s1 =	srdreg.scid  }
0x8b: {  	s0 =	sand.u32 $0x1, s1  }
0x8c: {  	s17 =	sshll.u32 s0, $0xA;
	s2 =	sadd.s32 s3, s2  }
0x8d: {  	s2 =	sadd.s32 s2, s17  }
0x8e: {  	[smem:$0x3FC6] =	sst s2  }
0x8f: {  	_ = 	snop  }
0x90: {  	s2 =	sld [smem:$0x3FC9]  }
0x91: {  	s18 =	sld [smem:$0x3FC8];
	(tm) =	ssettm $0x1  }
0x92: {  	s4 =	sld [smem:$0x3FFB];
	_ =	sdelay $0x3  }
0x93: {  	_ =	strace s4  }
0x94: {  	s4 =	sld [smem:$0x3FFC];
	_ =	sdelay $0x3  }
0x95: {  	_ =	strace s4  }
0x96: {  	s4 =	sld [smem:$0x3FFD];
	_ =	sdelay $0x3  }
0x97: {  	_ =	strace s4  }
0x98: {  	_ =	strace $0x8FFFFFFF  }
0x99: {  	s19 =	sld [smem:$0x3FDB];
	_ =	sdelay $0x1  }
0x9a: {  	s5 =	simm.s32 $_scs_section_size  }
0x9b: {  	s6 =	simm.s32 $_size__tile_overlayer_lowered;
	s7 =	simm.s32 $_tile_overlayer_lowered  }
0x9c: {  	s22 =	simm.s32 $0x1BFF;
	s21 =	sshll.u32 s7, $0x1;
	s4 =	sadd.s32 s5, s19  }
0x9d: {  	s8 =	simm.s32 $0x0;
	s20 =	sshll.u32 s6, $0x1;
	s6 =	sadd.s32 s21, s4  }
0x9e: {  	[timem:s8], [sflag:s22] =	dma.local [hbm:s6], s20  }
0x9f: {  	_ =	swait.ge [sflag:s22], s20  }
0xa0: {  	s5 =	ssub.s32 $0x0, s20;
	[sflag:s22] =	ssyncset.done $0x0  }
0xa1: {  	[sflag:s22] =	ssyncadd.s32 s5;
	_ =	sdelay $0x1  }
0xa2: {  	s23 =	simm.s32 $0x1B8B  }
0xa3: {  	_ =	swait.ge [sflag:s23], $0x1  }
0xa4: {  	[sflag:s23] =	ssyncset.done $0x0  }
0xa5: {  	s25 =	simm.s32 $0x1B8E;
	s24 =	sld [smem:$0x3FFE];
	[sflag:s23] =	ssyncadd.s32 $0xFFFFFFFF  }
0xa6: {  	s26 =	simm.s32 $execute0_lowered;
	[smem:$0x3FD2] =	sst s25  }
0xa7: {  	s6 =	sshll.u32 s26, $0x1;
	_ =	strace $0x80000046;
	[dreg:$0x1] =	wrdreg $0xFFFFFFFF  }
0xa8: {  	s28 =	simm.s32 $_size_execute0_lowered;
	s4 =	sadd.s32 s4, s6;
	[dreg:$0x0] =	wrdreg $0x0  }
0xa9: {  	s6 =	sshll.u32 s28, $0x1;
	[dreg:$0x2] =	wrdreg s4  }
0xaa: {  	[dreg:$0x3] =	wrdreg s6  }
0xab: {  	[dreg:$0x4] =	wrdreg $0xC0  }
0xac: {  	_ =	task [dreg:s8], $0x5FFFF  }
0xad: {  	[dreg:$0x1] =	wrdreg $0xFFFFFFFF  }
0xae: {  	[dreg:$0x0] =	wrdreg $0x60  }
0xaf: {  	[dreg:$0x2] =	wrdreg s2  }
0xb0: {  	[dreg:$0x3] =	wrdreg s18  }
0xb1: {  	[dreg:$0x4] =	wrdreg s24  }
0xb2: {  	[dreg:$0x5] =	wrdreg $0x9  }
0xb3: {  	_ =	task.clear_ibuf [dreg:s8], $0x6FFFF;
	_ =	strace $0x90000046  }
0xb4: {  	s29 =	simm.s32 $0x9;
	_ =	strace $0x80000048  }
0xb5: {  	_ =	swait.ge [sflag:s29], $0x1  }
0xb6: {  	[sflag:s29] =	ssyncadd.s32 $0xFFFFFFFF  }
0xb7: {  	_ =	strace $0x90000048  }
0xb8: {  	_ =	sfence  }
0xb9: {  	s30 =	sld [smem:$0x0];
	_ =	sdelay $0x2  }
0xba: {  	s31 =	sshll.u32 s1, $0xD;
	s1 =	sshrl.u32 s1, $0x2  }
0xbb: {  	s3 =	sand.u32 $0x4000, s31;
	s1 =	sadd.s32 s1, s30  }
0xbc: {  	s0 =	sor.u32 s3, s0;
	s1 =	sshll.u32 s1, $0x11  }
0xbd: {  	s0 =	sor.u32 s1, s0  }
0xbe: {  	s0 =	sadd.s32 $0x8F2B, s0  }
0xbf: {  	[sflag:s0] =	ssyncadd.remote.s32 $0x1  }
0xc0: {  	_ =	sfence.sel $0xFFFF  }
0xc1: {  	[dreg:$0x0] =	wrdreg $0xFFFFFFFF;
	(pc) =	sbr.abs _section_cstart, $3  }
0xc2: {  	[dreg:$0x1] =	wrdreg $0xFFFFFFFF  }
0xc3: {  	_ =	task.clear_ibuf [dreg:s8], $0x2FFFF;
	_ =	strace $0x9FFFFFFF  }
0xc4: {  	(tm) =	ssettm $0x7FFFFFFF  }
0xc5: {  	_ =	shalt  }
tec
execute0_lowered:
.L_overlay_start_1:
0x0: {  	(tag) =	ssettag $0x1  }
0x1: {  	v0 =	vimm.s32 $0xB80;
	vm14 =	vcmask $0x300  }
0x2: {  	vm13 =	vcmask $0x704;
	vm12 =	vcmask $0xB08;
	vm9 =	vcmask $0xF0C  }
0x3: {  	vm10 =	vcmask $0x1310;
	vm11 =	vcmask $0x1714;
	vm8 =	vcmask $0x1B18  }
0x4: {  	vm7 =	vcmask $0x1F1C;
	vm6 =	vcmask $0x2320;
	vm4 =	vcmask $0x2724  }
0x5: {  	vm1 =	vcmask $0x2B28;
	vm2 =	vcmask $0x2F2C;
	vm3 =	vcmask $0x3330  }
0x6: {  	vm5 =	vcmask $0x3734;
	vm0 =	vcmask $0x3B38;
	v6 =	vimm.s32 $0x1B80  }
0x7: {  	v7 =	vimm.s32 $0x2B80;
	v8 =	vimm.s32 $0x3B80;
	v0 =	vsel vm14, $0x0, v0  }
0x8: {  	v6 =	vsel vm14, $0x1000, v6;
	v7 =	vsel vm14, $0x2000, v7;
	v8 =	vsel vm14, $0x3000, v8  }
0x9: {  	v0 =	vsel vm13, $0x80, v0;
	v6 =	vsel vm13, $0x1080, v6;
	v7 =	vsel vm13, $0x2080, v7  }
0xa: {  	v8 =	vsel vm13, $0x3080, v8;
	v0 =	vsel vm12, $0x100, v0;
	v6 =	vsel vm12, $0x1100, v6  }
0xb: {  	s0 =	srdreg.scid;
	s1 =	stileid.u32;
	v7 =	vsel vm12, $0x2100, v7;
	v8 =	vsel vm12, $0x3100, v8;
	v0 =	vsel vm9, $0x180, v0  }
0xc: {  	s3 =	sand.u32 $0x1, s0;
	s19 =	sshll.u32 s1, $0x1;
	v6 =	vsel vm9, $0x1180, v6;
	v7 =	vsel vm9, $0x2180, v7;
	v8 =	vsel vm9, $0x3180, v8  }
0xd: {  	s2 =	rddreg [dreg:$0x1];
	s28 =	simm.s32 $0x8000;
	s0 =	sor.u32 s3, s19;
	v0 =	vsel vm10, $0x200, v0;
	v6 =	vsel vm10, $0x1200, v6;
	v7 =	vsel vm10, $0x2200, v7  }
0xe: {  	s26 =	sadd.s32 $0x1E8480, s2;
	s20 =	smul.u32 $0x7B00, s0;
	v8 =	vsel vm10, $0x3200, v8;
	v0 =	vsel vm11, $0x280, v0;
	v6 =	vsel vm11, $0x1280, v6  }
0xf: {  	s6 =	rddreg [dreg:$0x2];
	s29 =	sadd.s32 $0x2DC700, s2;
	s5 =	smul.u32 $0x3D800, s0;
	v7 =	vsel vm11, $0x2280, v7;
	v8 =	vsel vm11, $0x3280, v8;
	v0 =	vsel vm8, $0x300, v0  }
0x10: {  	s13 =	sadd.s32 $0x400, s6;
	s14 =	sadd.s32 $0x3D0980, s2;
	v6 =	vsel vm8, $0x1300, v6;
	v7 =	vsel vm8, $0x2300, v7;
	v8 =	vsel vm8, $0x3300, v8  }
0x11: {  	p0 =	seq.s32 s0, $0x1F;
	s4 =	sadd.s32 $0x7B00, s20;
	s5 =	sshrl.u32 s5, $0x3;
	v0 =	vsel vm7, $0x380, v0;
	v6 =	vsel vm7, $0x1380, v6;
	v7 =	vsel vm7, $0x2380, v7  }
0x12: {  	s16 =	sadd.s32 $0x4C4C00, s2;
	s4 =	simm.s32 @p0 $0xF4241;
	s5 =	sadd.s32 s2, s5;
	v8 =	vsel vm7, $0x3380, v8;
	v1 =	vsel vm6, $0x800, v0;
	v0 =	vmov s20  }
0x13: {  	s18 =	sadd.s32 $0x5B8E80, s2;
	s7 =	sadd.s32 $0x1E8500, s5;
	v6 =	vsel vm6, $0x1800, v6;
	v2 =	vsel vm4, $0x880, v1;
	v1 =	vmov s4;
	s4 =	simm.s32 $0x0  }
0x14: {  	s31 =	simm.s32 $0x3;
	s21 =	sadd.s32 $0x2DC780, s5;
	v7 =	vsel vm6, $0x2800, v7;
	v8 =	vsel vm6, $0x3800, v8;
	v6 =	vsel vm4, $0x1880, v6;
	[smem:$0x7FF] =	sst s4  }
0x15: {  	s3 =	ssub.s32 $0x2, s3;
	v7 =	vsel vm4, $0x2880, v7;
	v8 =	vsel vm4, $0x3880, v8;
	v3 =	vsel vm1, $0x900, v2;
	_ =	strace $0x80000047;
	[dreg:$0x4] =	wrdreg s7  }
0x16: {  	s30 =	sshrl.u32 s3, $0x1;
	s22 =	sadd.s32 $0x3D0A00, s5;
	v2 =	vlaneseq.u32;
	v6 =	vsel vm1, $0x1900, v6;
	v7 =	vsel vm1, $0x2900, v7;
	[dreg:$0x5] =	wrdreg s21  }
0x17: {  	s15 =	smul.u32 $0xF6, s0;
	s23 =	sadd.s32 $0x4C4C80, s5;
	v8 =	vsel vm1, $0x3900, v8;
	v4 =	vsel vm2, $0x980, v3;
	v3 =	vimm.s32 $0x0;
	[dreg:$0x6] =	wrdreg s22  }
0x18: {  	s3 =	ssub.s32 s3, s30;
	s24 =	sadd.s32 $0x5B8F00, s5;
	[dreg:$0x7] =	wrdreg s23;
	v6 =	vsel vm2, $0x1980, v6;
	v7 =	vsel vm2, $0x2980, v7;
	v8 =	vsel vm2, $0x3980, v8  }
0x19: {  	s17 =	sadd.s32 s2, s20;
	s25 =	sadd.s32 $0x6AD180, s5;
	[dreg:$0x8] =	wrdreg s24;
	v4 =	vsel vm3, $0xA00, v4;
	v6 =	vsel vm3, $0x1A00, v6;
	v7 =	vsel vm3, $0x2A00, v7  }
.Ltmp0:
0x1a: {  	p0 =	sne.s32 s0, $0x1F;
	[dreg:$0x9] =	wrdreg s25;
	v8 =	vsel vm3, $0x3A00, v8;
	v5 =	vsel vm5, $0xA80, v4;
	v4 =	vimm.s32 $0xFFFFFFFF;
	(pc) =	sbr.rel .LBB2_1-.Ltmp0, $4  }
0x1b: {  	s0 =	simm.s32 $0x0;
	s19 =	sadd.s32 $0xF4280, s5;
	[dreg:$0xa] =	wrdreg s26;
	v6 =	vsel vm5, $0x1A80, v6;
	v9 =	vsel vm5, $0x2A80, v7;
	v10 =	vsel vm5, $0x3A80, v8  }
0x1c: {  	s20 =	sadd.s32 $0x2, s15;
	[dreg:$0xb] =	wrdreg s29;
	s21 =	sadd.s32 $0x6AD100, s2;
	v7 =	vmul.u32 $0x80, v2;
	v5 =	vsel vm0, $0xB00, v5;
	v6 =	vsel vm0, $0x1B00, v6  }
0x1d: {  	s22 =	sadd.s32 $0xF4200, s2;
	s23 =	sadd.s32 $0x7A1380, s2;
	s24 =	smax.u32 s3, $0x1;
	v8 =	vsel vm0, $0x2B00, v9;
	v9 =	vsel vm0, $0x3B00, v10;
	vm0 =	vmmov $0xffff  }
0x1e: {  	s25 =	simm.s32 $0x4;
	s26 =	simm.s32 $0x4000;
	s3 =	simm.s32 $0x14000;
	v10 =	vor.u32 $0x800, v7;
	v11 =	vor.u32 $0x1000, v7;
	v12 =	vor.u32 $0x1800, v7  }
.LBB2_25:
0x1f: {  	[sflag:s31] =	ssyncadd.s32 $0xFFFFF800  }
.LBB2_26:
0x20: {  	s0 =	sadd.s32 $0x1, s0  }
0x21: {  	p1 =	sne.s32 s0, s24  }
.Ltmp1:
0x22: {  	_ = 	snop;
	(pc) =	sbr.rel @!p1 .LBB2_27-.Ltmp1, $1  }
0x23: {  	_ =	sdelay $0x3  }
.LBB2_1:
0x24: {  	v13 =	vor.u32 s4, v2;
	s1 =	rddreg [dreg:$0x0]  }
0x25: {  	[tilespmem:s4], [sflag:$0x4] =	stream.linear.gather [hbm4b:s1+s4], $0x4000, $0x38;
	[tilespmem:$0x1A000] =	vst v63  }
0x26: {  	_ =	swait.ge [sflag:s25], $0x4000  }
0x27: {  	[sflag:s25] =	ssyncset.done $0x0  }
0x28: {  	[sflag:s25] =	ssyncadd.s32 $0xFFFFC000  }
0x29: {  	v14 =	vld.idx.msk [tilespmem:v13+s4+$0x0], $0xffff;
	_ =	sdelay $0x4  }
0x2a: {  	vm1 =	vge.s32 v14, v0;
	vm2 =	vlt.s32 v14, v1  }
0x2b: {  	vm1 =	vmand vm1, vm2  }
0x2c: {  	v15 =	vsel vm1, $0x1, v3  }
0x2d: {  	(xrf0) =	vadd.scan.msk.s32 $0xffff, v15;
	_ =	sdelay $0x2  }
0x2e: {  	v15 =	vmov s4  }
0x2f: {  	v15 =	vadd.s32 $0xFFFFFFFF, v15  }
0x30: {  	v15 =	vbroadcast v15, $0x0  }
0x31: {  	v17, _, _ =	vpop (xrf0)  }
0x32: {  	v16 =	vadd.s32 v17, v15;
	(v2sf) =	vpush v17, $0xF  }
0x33: {  	s30 =	simm.s32 $0x10  }
0x34: {  	s5 =	simm.s32 $0x20;
	s1 =	simm.s32 $0x0;
	v15 =	vor.u32 s30, v2  }
.LBB2_2:
0x35: {  	p1 =	sne.s32 s5, $0x3FF0;
	_ =	sdelay $0x1  }
0x36: {  	[tilespmem:v16+s26+$0x0] =	vst.idx.msk vm1, v13;
	v13 =	vmov v15  }
0x37: {  	[tilespmem:v16+s28+$0x0] =	vst.idx.msk vm1, v14  }
0x38: {  	v14 =	vld.idx.msk [tilespmem:v15+s4+$0x0], $0xffff;
	_ =	sdelay $0x5  }
0x39: {  	vm1 =	vge.s32 v14, v0;
	vm2 =	vlt.s32 v14, v1  }
0x3a: {  	vm1 =	vmand vm1, vm2  }
0x3b: {  	v15 =	vsel vm1, $0x1, v3;
	s6 =	spop (v2sf)  }
0x3c: {  	(xrf0) =	vadd.scan.msk.s32 $0xffff, v15;
	s1 =	sadd.s32 s1, s6  }
0x3d: {  	v15 =	vmov s1  }
0x3e: {  	v15 =	vadd.s32 $0xFFFFFFFF, v15  }
0x3f: {  	v15 =	vbroadcast v15, $0x0;
	_ =	sdelay $0x1  }
.Ltmp2:
0x40: {  	(pc) =	sbr.rel @p1 .LBB2_2-.Ltmp2, $3  }
0x41: {  	v17, _, _ =	vpop (xrf0)  }
0x42: {  	v16 =	vadd.s32 v17, v15;
	(v2sf) =	vpush v17, $0xF;
	_ =	sdelay $0x1  }
0x43: {  	v15 =	vor.u32 s5, v2;
	s5 =	sadd.s32 $0x10, s5  }
0x44: {  	_ =	sdelay $0x4  }
0x45: {  	[tilespmem:v16+s26+$0x0] =	vst.idx.msk vm1, v13  }
0x46: {  	[tilespmem:v16+s28+$0x0] =	vst.idx.msk vm1, v14  }
0x47: {  	v13 =	vld.idx.msk [tilespmem:v15+s4+$0x0], $0xffff;
	_ =	sdelay $0x4  }
0x48: {  	vm1 =	vge.s32 v13, v0;
	vm2 =	vlt.s32 v13, v1  }
0x49: {  	vm1 =	vmand vm1, vm2  }
0x4a: {  	v14 =	vsel vm1, $0x1, v3  }
0x4b: {  	(xrf0) =	vadd.scan.msk.s32 $0xffff, v14;
	_ =	sdelay $0x5  }
0x4c: {  	v14, _, _ =	vpop (xrf0)  }
0x4d: {  	(v2sf) =	vpush v14, $0xF;
	_ =	sdelay $0xa  }
0x4e: {  	s5 =	spop (v2sf)  }
0x4f: {  	s1 =	sadd.s32 s1, s5  }
0x50: {  	v62 =	vmov s1  }
0x51: {  	v16 =	vadd.s32 $0xFFFFFFFF, v62  }
0x52: {  	v16 =	vbroadcast v16, $0x0;
	s12 =	spop (v2sf)  }
0x53: {  	s1 =	sadd.s32 s1, s12  }
0x54: {  	v14 =	vadd.s32 v14, v16;
	v63 =	vadd.s32 s1, v2  }
0x55: {  	vm2 =	vlt.s32 v63, $0x4000;
	_ =	sdelay $0x3  }
0x56: {  	[tilespmem:v14+s26+$0x0] =	vst.idx.msk vm1, v15  }
0x57: {  	[tilespmem:v14+s28+$0x0] =	vst.idx.msk vm1, v13  }
0x58: {  	s29 =	simm.s32 $0x0;
	s6 =	simm.s32 $0xC000;
	[tilespmem:v63+s28+$0x0] =	vst.idx.msk vm2, v4  }
0x59: {  	[tilespmem:s6], [sflag:$0x1] =	stream.linear.gather [hbm4b:s17+s29], $0x800, $0x38;
	[tilespmem:$0x1A000] =	vst v63  }
0x5a: {  	s7 =	simm.s32 $0xC800  }
0x5b: {  	[tilespmem:s7], [sflag:$0x1] =	stream.linear.gather [hbm4b:s19+s29], $0x800, $0x38;
	[tilespmem:$0x1A000] =	vst v63  }
0x5c: {  	s8 =	rddreg [dreg:$0x4];
	s6 =	simm.s32 $0xD000  }
0x5d: {  	[tilespmem:s6], [sflag:$0x1] =	stream.linear.gather [hbm4b:s8+s29], $0x800, $0x38;
	[tilespmem:$0x1A000] =	vst v63  }
0x5e: {  	s9 =	rddreg [dreg:$0x5];
	s10 =	simm.s32 $0xD800  }
0x5f: {  	[tilespmem:s10], [sflag:$0x1] =	stream.linear.gather [hbm4b:s9+s29], $0x800, $0x38;
	[tilespmem:$0x1A000] =	vst v63  }
0x60: {  	s11 =	rddreg [dreg:$0x6];
	s12 =	simm.s32 $0xE000  }
0x61: {  	[tilespmem:s12], [sflag:$0x1] =	stream.linear.gather [hbm4b:s11+s29], $0x800, $0x38;
	[tilespmem:$0x1A000] =	vst v63  }
0x62: {  	s7 =	rddreg [dreg:$0x7];
	s8 =	simm.s32 $0xE800  }
0x63: {  	[tilespmem:s8], [sflag:$0x1] =	stream.linear.gather [hbm4b:s7+s29], $0x800, $0x38;
	[tilespmem:$0x1A000] =	vst v63  }
.Ltmp3:
0x64: {  	s30 =	simm.s32 $0x0;
	s1 =	sadd.s32 $0xF, s1;
	(pc) =	sbr.rel .LBB2_4-.Ltmp3, $4  }
0x65: {  	s1 =	sshra.s32 s1, $0x4;
	s9 =	rddreg [dreg:$0x8];
	s10 =	simm.s32 $0xF000  }
0x66: {  	[tilespmem:s10], [sflag:$0x1] =	stream.linear.gather [hbm4b:s9+s29], $0x800, $0x38;
	[tilespmem:$0x1A000] =	vst v63  }
0x67: {  	p1 =	slt.s32 s1, $0x1;
	s11 =	rddreg [dreg:$0x9];
	s12 =	simm.s32 $0xF800  }
0x68: {  	[tilespmem:s12], [sflag:$0x1] =	stream.linear.gather [hbm4b:s11+s29], $0x800, $0x38;
	[tilespmem:$0x1A000] =	vst v63  }
.LBB2_11:
0x69: {  	s30 =	sadd.s32 $0x1, s30  }
0x6a: {  	p2 =	sne.s32 s30, $0x7B  }
.Ltmp4:
0x6b: {  	_ = 	snop;
	(pc) =	sbr.rel @!p2 .LBB2_12-.Ltmp4, $1  }
0x6c: {  	_ =	sdelay $0x3  }
.LBB2_4:
0x6d: {  	p2 =	seq.s32 s30, $0x7A;
	s5 =	sand.u32 $0x1, s30  }
0x6e: {  	p3 =	sne.s32 @!p2 s5, $0x0  }
0x6f: {  	p2 =	por p3, p2  }
0x70: {  	s6 =	sshll.u32 @!p2 s30, $0x1  }
0x71: {  	s6 =	sadd.s32 @!p2 s6, s20  }
0x72: {  	s6 =	smin.u32 @!p2 s6, $0x1E82  }
0x73: {  	s6 =	sshll.u32 @!p2 s6, $0x7  }
0x74: {  	s7 =	simm.s32 @!p2 $0x0;
	s8 =	simm.s32 @!p2 $0x10000;
	s6 =	sadd.s32 @!p2 s2, s6  }
0x75: {  	[tilespmem:s8], [sflag:$0x2] =	stream.linear.gather @!p2 [hbm4b:s6+s7], $0x800, $0x38;
	[tilespmem:$0x1A000] =	vst v63  }
0x76: {  	s9 =	simm.s32 @!p2 $0x10800;
	s8 =	sadd.s32 @!p2 $0xF4280, s6  }
0x77: {  	[tilespmem:s9], [sflag:$0x2] =	stream.linear.gather @!p2 [hbm4b:s8+s7], $0x800, $0x38;
	[tilespmem:$0x1A000] =	vst v63  }
0x78: {  	s8 =	sadd.s32 @!p2 $0x1E8500, s6;
	s9 =	simm.s32 @!p2 $0x11000  }
0x79: {  	[tilespmem:s9], [sflag:$0x2] =	stream.linear.gather @!p2 [hbm4b:s8+s7], $0x800, $0x38;
	[tilespmem:$0x1A000] =	vst v63  }
0x7a: {  	s8 =	sadd.s32 @!p2 $0x2DC780, s6;
	s9 =	simm.s32 @!p2 $0x11800  }
0x7b: {  	[tilespmem:s9], [sflag:$0x2] =	stream.linear.gather @!p2 [hbm4b:s8+s7], $0x800, $0x38;
	[tilespmem:$0x1A000] =	vst v63  }
0x7c: {  	s8 =	sadd.s32 @!p2 $0x3D0A00, s6;
	s9 =	simm.s32 @!p2 $0x12000  }
0x7d: {  	[tilespmem:s9], [sflag:$0x2] =	stream.linear.gather @!p2 [hbm4b:s8+s7], $0x800, $0x38;
	[tilespmem:$0x1A000] =	vst v63  }
0x7e: {  	s8 =	sadd.s32 @!p2 $0x4C4C80, s6;
	s9 =	simm.s32 @!p2 $0x12800  }
0x7f: {  	[tilespmem:s9], [sflag:$0x2] =	stream.linear.gather @!p2 [hbm4b:s8+s7], $0x800, $0x38;
	[tilespmem:$0x1A000] =	vst v63  }
0x80: {  	s8 =	sadd.s32 @!p2 $0x5B8F00, s6;
	s9 =	simm.s32 @!p2 $0x13000  }
0x81: {  	[tilespmem:s9], [sflag:$0x2] =	stream.linear.gather @!p2 [hbm4b:s8+s7], $0x800, $0x38;
	[tilespmem:$0x1A000] =	vst v63  }
0x82: {  	s6 =	sadd.s32 @!p2 $0x6AD180, s6;
	s8 =	simm.s32 @!p2 $0x13800  }
0x83: {  	[tilespmem:s8], [sflag:$0x2] =	stream.linear.gather @!p2 [hbm4b:s6+s7], $0x800, $0x38;
	[tilespmem:$0x1A000] =	vst v63  }
0x84: {  	p2 =	seq.s32 s5, $0x0  }
0x85: {  	s6 =	sshll.u32 @!p2 s30, $0x1  }
0x86: {  	s6 =	sadd.s32 @!p2 s6, s20  }
0x87: {  	s6 =	smin.u32 @!p2 s6, $0x1E82  }
0x88: {  	s6 =	sshll.u32 @!p2 s6, $0x7  }
0x89: {  	s7 =	simm.s32 @!p2 $0x0;
	s8 =	simm.s32 @!p2 $0xC000;
	s6 =	sadd.s32 @!p2 s2, s6  }
0x8a: {  	[tilespmem:s8], [sflag:$0x1] =	stream.linear.gather @!p2 [hbm4b:s6+s7], $0x800, $0x38;
	[tilespmem:$0x1A000] =	vst v63  }
0x8b: {  	s9 =	simm.s32 @!p2 $0xC800;
	s8 =	sadd.s32 @!p2 $0xF4280, s6  }
0x8c: {  	[tilespmem:s9], [sflag:$0x1] =	stream.linear.gather @!p2 [hbm4b:s8+s7], $0x800, $0x38;
	[tilespmem:$0x1A000] =	vst v63  }
0x8d: {  	s8 =	sadd.s32 @!p2 $0x1E8500, s6;
	s9 =	simm.s32 @!p2 $0xD000  }
0x8e: {  	[tilespmem:s9], [sflag:$0x1] =	stream.linear.gather @!p2 [hbm4b:s8+s7], $0x800, $0x38;
	[tilespmem:$0x1A000] =	vst v63  }
0x8f: {  	s8 =	sadd.s32 @!p2 $0x2DC780, s6;
	s9 =	simm.s32 @!p2 $0xD800  }
0x90: {  	[tilespmem:s9], [sflag:$0x1] =	stream.linear.gather @!p2 [hbm4b:s8+s7], $0x800, $0x38;
	[tilespmem:$0x1A000] =	vst v63  }
0x91: {  	s8 =	sadd.s32 @!p2 $0x3D0A00, s6;
	s9 =	simm.s32 @!p2 $0xE000  }
0x92: {  	[tilespmem:s9], [sflag:$0x1] =	stream.linear.gather @!p2 [hbm4b:s8+s7], $0x800, $0x38;
	[tilespmem:$0x1A000] =	vst v63  }
0x93: {  	s8 =	sadd.s32 @!p2 $0x4C4C80, s6;
	s9 =	simm.s32 @!p2 $0xE800  }
0x94: {  	[tilespmem:s9], [sflag:$0x1] =	stream.linear.gather @!p2 [hbm4b:s8+s7], $0x800, $0x38;
	[tilespmem:$0x1A000] =	vst v63  }
0x95: {  	s8 =	sadd.s32 @!p2 $0x5B8F00, s6;
	s9 =	simm.s32 @!p2 $0xF000  }
0x96: {  	[tilespmem:s9], [sflag:$0x1] =	stream.linear.gather @!p2 [hbm4b:s8+s7], $0x800, $0x38;
	[tilespmem:$0x1A000] =	vst v63  }
0x97: {  	p3 =	sne.s32 s5, $0x0;
	s6 =	sadd.s32 @!p2 $0x6AD180, s6;
	s8 =	simm.s32 @!p2 $0xF800  }
0x98: {  	[tilespmem:s8], [sflag:$0x1] =	stream.linear.gather @!p2 [hbm4b:s6+s7], $0x800, $0x38;
	[tilespmem:$0x1A000] =	vst v63  }
0x99: {  	s6 =	simm.s32 @!p3 $0x1  }
0x9a: {  	_ =	swait.ge @!p3 [sflag:s6], $0x800  }
0x9b: {  	[sflag:s6] =	ssyncset.done @!p3 $0x0  }
0x9c: {  	[sflag:s6] =	ssyncadd.s32 @!p3 $0xFFFFF800  }
0x9d: {  	_ =	swait.ge @!p3 [sflag:s6], $0x800  }
0x9e: {  	[sflag:s6] =	ssyncset.done @!p3 $0x0  }
0x9f: {  	[sflag:s6] =	ssyncadd.s32 @!p3 $0xFFFFF800  }
0xa0: {  	_ =	swait.ge @!p3 [sflag:s6], $0x800  }
0xa1: {  	[sflag:s6] =	ssyncset.done @!p3 $0x0  }
0xa2: {  	[sflag:s6] =	ssyncadd.s32 @!p3 $0xFFFFF800  }
0xa3: {  	_ =	swait.ge @!p3 [sflag:s6], $0x800  }
0xa4: {  	[sflag:s6] =	ssyncset.done @!p3 $0x0  }
0xa5: {  	[sflag:s6] =	ssyncadd.s32 @!p3 $0xFFFFF800  }
0xa6: {  	_ =	swait.ge @!p3 [sflag:s6], $0x800  }
0xa7: {  	[sflag:s6] =	ssyncset.done @!p3 $0x0  }
0xa8: {  	[sflag:s6] =	ssyncadd.s32 @!p3 $0xFFFFF800  }
0xa9: {  	_ =	swait.ge @!p3 [sflag:s6], $0x800  }
0xaa: {  	[sflag:s6] =	ssyncset.done @!p3 $0x0  }
0xab: {  	[sflag:s6] =	ssyncadd.s32 @!p3 $0xFFFFF800  }
0xac: {  	_ =	swait.ge @!p3 [sflag:s6], $0x800  }
0xad: {  	[sflag:s6] =	ssyncset.done @!p3 $0x0  }
0xae: {  	[sflag:s6] =	ssyncadd.s32 @!p3 $0xFFFFF800  }
0xaf: {  	_ =	swait.ge @!p3 [sflag:s6], $0x800  }
0xb0: {  	p2 =	seq.s32 s5, $0x1;
	[sflag:s6] =	ssyncset.done @!p3 $0x0  }
0xb1: {  	s5 =	simm.s32 @p2 $0x2;
	[sflag:s6] =	ssyncadd.s32 @!p3 $0xFFFFF800  }
0xb2: {  	_ =	swait.ge @p2 [sflag:s5], $0x800  }
0xb3: {  	[sflag:s5] =	ssyncset.done @p2 $0x0  }
0xb4: {  	[sflag:s5] =	ssyncadd.s32 @p2 $0xFFFFF800  }
0xb5: {  	_ =	swait.ge @p2 [sflag:s5], $0x800  }
0xb6: {  	[sflag:s5] =	ssyncset.done @p2 $0x0  }
0xb7: {  	[sflag:s5] =	ssyncadd.s32 @p2 $0xFFFFF800  }
0xb8: {  	_ =	swait.ge @p2 [sflag:s5], $0x800  }
0xb9: {  	[sflag:s5] =	ssyncset.done @p2 $0x0  }
0xba: {  	[sflag:s5] =	ssyncadd.s32 @p2 $0xFFFFF800  }
0xbb: {  	_ =	swait.ge @p2 [sflag:s5], $0x800  }
0xbc: {  	[sflag:s5] =	ssyncset.done @p2 $0x0  }
0xbd: {  	[sflag:s5] =	ssyncadd.s32 @p2 $0xFFFFF800  }
0xbe: {  	_ =	swait.ge @p2 [sflag:s5], $0x800  }
0xbf: {  	[sflag:s5] =	ssyncset.done @p2 $0x0  }
0xc0: {  	[sflag:s5] =	ssyncadd.s32 @p2 $0xFFFFF800  }
0xc1: {  	_ =	swait.ge @p2 [sflag:s5], $0x800  }
0xc2: {  	[sflag:s5] =	ssyncset.done @p2 $0x0  }
0xc3: {  	[sflag:s5] =	ssyncadd.s32 @p2 $0xFFFFF800  }
0xc4: {  	_ =	swait.ge @p2 [sflag:s5], $0x800  }
.Ltmp5:
0xc5: {  	[sflag:s5] =	ssyncset.done @p2 $0x0;
	(pc) =	sbr.rel @p1 .LBB2_11-.Ltmp5, $4  }
0xc6: {  	[sflag:s5] =	ssyncadd.s32 @p2 $0xFFFFF800  }
0xc7: {  	_ =	swait.ge @p2 [sflag:s5], $0x800  }
0xc8: {  	[sflag:s5] =	ssyncset.done @p2 $0x0  }
0xc9: {  	[sflag:s5] =	ssyncadd.s32 @p2 $0xFFFFF800  }
0xca: {  	s5 =	sshll.u32 s30, $0x1  }
.Ltmp6:
0xcb: {  	s5 =	sadd.s32 s15, s5;
	(pc) =	sbr.rel .LBB2_6-.Ltmp6, $4  }
0xcc: {  	s5 =	smin.u32 s5, $0x1E82  }
0xcd: {  	s6 =	sshll.u32 s30, $0xE;
	s5 =	sshll.u32 s5, $0x7  }
0xce: {  	s6 =	sand.u32 $0x4000, s6;
	s7 =	sadd.s32 $0x100, s5  }
0xcf: {  	v13 =	vmov s5;
	s5 =	sadd.s32 $0xC000, s6;
	s6 =	simm.s32 $0x0;
	v14 =	vmov s7;
	s7 =	simm.s32 $0x0  }
.LBB2_10:
0xd0: {  	p2 =	sgt.s32 s8, $0x0;
	s8 =	simm.s32 $0x1;
	s7 =	sadd.s32 $0x1, s7  }
0xd1: {  	s8 =	simm.s32 @!p2 $0x0;
	p2 =	sne.s32 s7, s1  }
.Ltmp7:
0xd2: {  	_ = 	snop;
	(pc) =	sbr.rel @!p2 .LBB2_11-.Ltmp7, $2  }
0xd3: {  	_ =	sdelay $0x2  }
0xd4: {  	s6 =	sadd.s32 $0x10, s6;
	s29 =	sadd.s32 s8, s29  }
.LBB2_6:
0xd5: {  	s8 =	sshll.u32 s7, $0x4  }
0xd6: {  	v15 =	vor.u32 s8, v2;
	_ =	sdelay $0x4  }
0xd7: {  	v16 =	vld.idx.msk [tilespmem:v15+s28+$0x0], $0xffff;
	_ =	sdelay $0x4  }
0xd8: {  	vm1 =	vge.s32 v16, v13;
	vm2 =	vlt.s32 v16, v14  }
0xd9: {  	vm1 =	vmand vm1, vm2  }
0xda: {  	v16 =	vmpcnt.ones.xlane vm1;
	_ =	sdelay $0x1  }
0xdb: {  	(v2sf) =	vpush v16, $0x0;
	_ =	sdelay $0xe  }
0xdc: {  	s8 =	spop (v2sf)  }
0xdd: {  	p2 =	slt.s32 s8, $0x1  }
.Ltmp8:
0xde: {  	_ = 	snop;
	(pc) =	sbr.rel @p2 .LBB2_10-.Ltmp8, $2  }
0xdf: {  	_ =	sdelay $0x2  }
0xe0: {  	v15 =	vld.idx.msk [tilespmem:v15+s26+$0x0], $0xffff  }
0xe1: {  	s9 =	sadd.s32 $0x0, s6  }
0xe2: {  	p2 =	slt.s32 s29, $0x8;
	v16 =	vmov s9  }
0xe3: {  	s9 =	simm.s32 @!p2 $0x3  }
0xe4: {  	_ =	swait.ge @!p2 [sflag:s9], $0x800  }
0xe5: {  	[sflag:s9] =	ssyncset.done @!p2 $0x0  }
0xe6: {  	[sflag:s9] =	ssyncadd.s32 @!p2 $0xFFFFF800  }
0xe7: {  	v16 =	vld.idx.msk [tilespmem:v16+s28+$0x0], $0xffff;
	_ =	sdelay $0x4  }
0xe8: {  	v16 =	vsub.s32 v16, v13  }
0xe9: {  	vm2 =	vgt.s32 v16, $0x0  }
0xea: {  	v16 =	vnsel vm2, $0x0, v16  }
0xeb: {  	v16 =	vmin.u32 v16, $0xFF  }
0xec: {  	v17 =	vshll.u32 v16, $0x3  }
0xed: {  	v16 =	vand.u32 $0x7F, v16;
	v17 =	vand.u32 $0x400, v17  }
0xee: {  	v16 =	vor.u32 v16, v17  }
0xef: {  	v17 =	vor.u32 v5, v16;
	_ =	sdelay $0x4  }
0xf0: {  	v17 =	vld.idx.msk [tilespmem:v17+s5+$0x0], $0xffff  }
0xf1: {  	v18 =	vor.u32 v6, v16  }
0xf2: {  	s12 =	sshll.u32 s29, $0xB  }
0xf3: {  	s9 =	sand.u32 $0x3800, s12  }
0xf4: {  	s10 =	sadd.s32 $0x16020, s9  }
0xf5: {  	[tilespmem:s10+$0xFFFFFFE0] =	vst v17  }
0xf6: {  	v17 =	vld.idx.msk [tilespmem:v18+s5+$0x0], $0xffff  }
0xf7: {  	v18 =	vor.u32 v8, v16;
	_ =	sdelay $0x3  }
0xf8: {  	[tilespmem:s10+$0xFFFFFFF0] =	vst v17  }
0xf9: {  	v17 =	vld.idx.msk [tilespmem:v18+s5+$0x0], $0xffff  }
0xfa: {  	v16 =	vor.u32 v9, v16;
	_ =	sdelay $0x3  }
0xfb: {  	[tilespmem:s10+$0x0] =	vst v17  }
0xfc: {  	s12 =	sadd.s32 $0x1, s6;
	v17 =	vld.idx.msk [tilespmem:v16+s5+$0x0], $0xffff  }
0xfd: {  	s11 =	simm.s32 $0x2;
	s9 =	sadd.s32 $0x16000, s9;
	v16 =	vmov s12  }
.LBB2_8:
0xfe: {  	_ =	sdelay $0x1  }
0xff: {  	p2 =	sne.s32 s11, $0xF  }
0x100: {  	s12 =	smov.u32 s11;
	s11 =	sadd.s32 $0x1, s11;
	[tilespmem:s10+$0x10] =	vst v17;
	s10 =	sadd.s32 $0x80, s10  }
0x101: {  	v16 =	vld.idx.msk [tilespmem:v16+s28+$0x0], $0xffff;
	_ =	sdelay $0x5  }
0x102: {  	v16 =	vsub.s32 v16, v13  }
0x103: {  	vm2 =	vgt.s32 v16, $0x0  }
0x104: {  	v16 =	vnsel vm2, $0x0, v16  }
0x105: {  	v16 =	vmin.u32 v16, $0xFF  }
0x106: {  	v17 =	vshll.u32 v16, $0x3  }
0x107: {  	v16 =	vand.u32 $0x7F, v16;
	v17 =	vand.u32 $0x400, v17  }
0x108: {  	v16 =	vor.u32 v16, v17  }
0x109: {  	v17 =	vor.u32 v5, v16;
	_ =	sdelay $0x4  }
0x10a: {  	v17 =	vld.idx.msk [tilespmem:v17+s5+$0x0], $0xffff;
	_ =	sdelay $0x1  }
0x10b: {  	v18 =	vor.u32 v6, v16;
	_ =	sdelay $0x3  }
0x10c: {  	[tilespmem:s10+$0xFFFFFFE0] =	vst v17  }
0x10d: {  	v17 =	vld.idx.msk [tilespmem:v18+s5+$0x0], $0xffff;
	_ =	sdelay $0x1  }
0x10e: {  	v18 =	vor.u32 v8, v16;
	_ =	sdelay $0x3  }
0x10f: {  	[tilespmem:s10+$0xFFFFFFF0] =	vst v17  }
0x110: {  	v17 =	vld.idx.msk [tilespmem:v18+s5+$0x0], $0xffff;
	_ =	sdelay $0x1  }
0x111: {  	v16 =	vor.u32 v9, v16;
	_ =	sdelay $0x2  }
.Ltmp9:
0x112: {  	(pc) =	sbr.rel @p2 .LBB2_8-.Ltmp9, $4  }
0x113: {  	[tilespmem:s10+$0x0] =	vst v17  }
0x114: {  	v17 =	vld.idx.msk [tilespmem:v16+s5+$0x0], $0xffff  }
0x115: {  	s12 =	sadd.s32 s12, s6  }
0x116: {  	v16 =	vmov s12  }
0x117: {  	_ =	sdelay $0x2  }
0x118: {  	[tilespmem:s10+$0x10] =	vst v17  }
0x119: {  	v16 =	vld.idx.msk [tilespmem:v16+s28+$0x0], $0xffff;
	_ =	sdelay $0x4  }
0x11a: {  	v16 =	vsub.s32 v16, v13  }
0x11b: {  	vm2 =	vgt.s32 v16, $0x0  }
0x11c: {  	v16 =	vnsel vm2, $0x0, v16  }
0x11d: {  	v16 =	vmin.u32 v16, $0xFF  }
0x11e: {  	v62 =	vshll.u32 v16, $0x3  }
0x11f: {  	v16 =	vand.u32 $0x7F, v16;
	v17 =	vand.u32 $0x400, v62  }
0x120: {  	v16 =	vor.u32 v16, v17  }
0x121: {  	v17 =	vor.u32 v5, v16;
	_ =	sdelay $0x4  }
0x122: {  	v17 =	vld.idx.msk [tilespmem:v17+s5+$0x0], $0xffff  }
0x123: {  	v18 =	vor.u32 v6, v16;
	_ =	sdelay $0x2  }
0x124: {  	s12 =	sadd.s32 $0x80, s10  }
0x125: {  	[tilespmem:s12+$0xFFFFFFE0] =	vst v17  }
0x126: {  	v17 =	vld.idx.msk [tilespmem:v18+s5+$0x0], $0xffff  }
0x127: {  	v63 =	vor.u32 v8, v16;
	_ =	sdelay $0x3  }
0x128: {  	[tilespmem:s12+$0xFFFFFFF0] =	vst v17  }
0x129: {  	v17 =	vld.idx.msk [tilespmem:v63+s5+$0x0], $0xffff  }
0x12a: {  	v16 =	vor.u32 v9, v16;
	_ =	sdelay $0x3  }
0x12b: {  	[tilespmem:s12+$0x0] =	vst v17  }
0x12c: {  	v16 =	vld.idx.msk [tilespmem:v16+s5+$0x0], $0xffff  }
0x12d: {  	v15 =	vnsel vm1, $0x4000, v15  }
.Ltmp10:
0x12e: {  	_ = 	snop;
	(pc) =	sbr.rel .LBB2_10-.Ltmp10, $3  }
0x12f: {  	_ =	sdelay $0x1  }
0x130: {  	[tilespmem:s12+$0x10] =	vst v16  }
0x131: {  	[hbm4b:s13+s4] =	stream.indirect_vreg.scatter [tilespmem:s9], [sflag:$0x3], $0x80, v15, vm0, $0xb8;
	[tilespmem:$0x1A000] =	vst v63  }
.LBB2_12:
0x132: {  	p1 =	slt.s32 s29, $0x1  }
.Ltmp11:
0x133: {  	_ = 	snop;
	(pc) =	sbr.rel @p1 .LBB2_16-.Ltmp11, $1  }
0x134: {  	_ =	sdelay $0x3  }
0x135: {  	p1 =	slt.s32 s29, $0x8  }
0x136: {  	s29 =	simm.s32 @!p1 $0x8  }
0x137: {  	p1 =	sne.s32 s29, $0x1  }
.Ltmp12:
0x138: {  	_ = 	snop;
	(pc) =	sbr.rel @!p1 .LBB2_15-.Ltmp12, $3  }
0x139: {  	_ =	sdelay $0x1  }
0x13a: {  	_ =	swait.ge [sflag:s31], $0x800  }
0x13b: {  	[sflag:s31] =	ssyncset.done $0x0;
	s5 =	sadd.s32 $0xFFFFFFFF, s29  }
.LBB2_14:
0x13c: {  	p1 =	sne.s32 s5, $0x1;
	s5 =	sadd.s32 $0xFFFFFFFF, s5;
	[sflag:s31] =	ssyncadd.s32 $0xFFFFF800  }
.Ltmp13:
0x13d: {  	(pc) =	sbr.rel @p1 .LBB2_14-.Ltmp13, $3  }
0x13e: {  	_ =	sdelay $0x1  }
0x13f: {  	_ =	swait.ge [sflag:s31], $0x800  }
0x140: {  	[sflag:s31] =	ssyncset.done $0x0  }
.LBB2_15:
0x141: {  	[sflag:s31] =	ssyncadd.s32 $0xFFFFF800  }
.LBB2_16:
0x142: {  	s29 =	simm.s32 @!p0 $0x0;
	s5 =	simm.s32 @!p0 $0x14000  }
0x143: {  	[tilespmem:s5], [sflag:$0x1] =	stream.linear.gather @!p0 [hbm4b:s22+s29], $0x400, $0x38;
	[tilespmem:$0x1A000] =	vst v63  }
0x144: {  	s6 =	rddreg [dreg:$0xa];
	s5 =	simm.s32 @!p0 $0x14400  }
0x145: {  	[tilespmem:s5], [sflag:$0x1] =	stream.linear.gather @!p0 [hbm4b:s6+s29], $0x400, $0x38;
	[tilespmem:$0x1A000] =	vst v63  }
0x146: {  	s5 =	simm.s32 @!p0 $0x14800;
	s6 =	rddreg [dreg:$0xb]  }
0x147: {  	[tilespmem:s5], [sflag:$0x1] =	stream.linear.gather @!p0 [hbm4b:s6+s29], $0x400, $0x38;
	[tilespmem:$0x1A000] =	vst v63  }
0x148: {  	s5 =	simm.s32 @!p0 $0x14C00  }
0x149: {  	[tilespmem:s5], [sflag:$0x1] =	stream.linear.gather @!p0 [hbm4b:s14+s29], $0x400, $0x38;
	[tilespmem:$0x1A000] =	vst v63  }
0x14a: {  	s5 =	simm.s32 @!p0 $0x15000  }
0x14b: {  	[tilespmem:s5], [sflag:$0x1] =	stream.linear.gather @!p0 [hbm4b:s16+s29], $0x400, $0x38;
	[tilespmem:$0x1A000] =	vst v63  }
0x14c: {  	s5 =	simm.s32 @!p0 $0x15400  }
0x14d: {  	[tilespmem:s5], [sflag:$0x1] =	stream.linear.gather @!p0 [hbm4b:s18+s29], $0x400, $0x38;
	[tilespmem:$0x1A000] =	vst v63  }
0x14e: {  	s5 =	simm.s32 @!p0 $0x15800  }
0x14f: {  	[tilespmem:s5], [sflag:$0x1] =	stream.linear.gather @!p0 [hbm4b:s21+s29], $0x400, $0x38;
	[tilespmem:$0x1A000] =	vst v63  }
0x150: {  	s5 =	simm.s32 @!p0 $0x15C00  }
0x151: {  	[tilespmem:s5], [sflag:$0x1] =	stream.linear.gather @!p0 [hbm4b:s23+s29], $0x400, $0x38;
	[tilespmem:$0x1A000] =	vst v63  }
0x152: {  	s5 =	simm.s32 @!p0 $0x1  }
0x153: {  	_ =	swait.ge @!p0 [sflag:s5], $0x400  }
0x154: {  	[sflag:s5] =	ssyncset.done @!p0 $0x0  }
0x155: {  	[sflag:s5] =	ssyncadd.s32 @!p0 $0xFFFFFC00  }
0x156: {  	_ =	swait.ge @!p0 [sflag:s5], $0x400  }
0x157: {  	[sflag:s5] =	ssyncset.done @!p0 $0x0  }
0x158: {  	[sflag:s5] =	ssyncadd.s32 @!p0 $0xFFFFFC00  }
0x159: {  	_ =	swait.ge @!p0 [sflag:s5], $0x400  }
0x15a: {  	[sflag:s5] =	ssyncset.done @!p0 $0x0  }
0x15b: {  	[sflag:s5] =	ssyncadd.s32 @!p0 $0xFFFFFC00  }
0x15c: {  	_ =	swait.ge @!p0 [sflag:s5], $0x400  }
0x15d: {  	[sflag:s5] =	ssyncset.done @!p0 $0x0  }
0x15e: {  	[sflag:s5] =	ssyncadd.s32 @!p0 $0xFFFFFC00  }
0x15f: {  	_ =	swait.ge @!p0 [sflag:s5], $0x400  }
0x160: {  	[sflag:s5] =	ssyncset.done @!p0 $0x0  }
0x161: {  	[sflag:s5] =	ssyncadd.s32 @!p0 $0xFFFFFC00  }
0x162: {  	_ =	swait.ge @!p0 [sflag:s5], $0x400  }
0x163: {  	[sflag:s5] =	ssyncset.done @!p0 $0x0  }
0x164: {  	p1 =	slt.s32 @!p0 s1, $0x1;
	[sflag:s5] =	ssyncadd.s32 @!p0 $0xFFFFFC00  }
0x165: {  	p1 =	por p0, p1;
	_ =	swait.ge @!p0 [sflag:s5], $0x400  }
.Ltmp14:
0x166: {  	[sflag:s5] =	ssyncset.done @!p0 $0x0;
	(pc) =	sbr.rel @!p1 .LBB2_17-.Ltmp14, $4  }
.Ltmp15:
0x167: {  	[sflag:s5] =	ssyncadd.s32 @!p0 $0xFFFFFC00;
	(pc) =	sbr.rel @p1 .LBB2_26-.Ltmp15, $4  }
0x168: {  	_ =	swait.ge @!p0 [sflag:s5], $0x400  }
0x169: {  	[sflag:s5] =	ssyncset.done @!p0 $0x0  }
0x16a: {  	s6 =	simm.s32 @!p0 $0x0;
	[sflag:s5] =	ssyncadd.s32 @!p0 $0xFFFFFC00;
	s5 =	simm.s32 @!p0 $0x0  }
0x16b: {  	_ = 	snop  }
.LBB2_21:
0x16c: {  	p1 =	sgt.s32 s7, $0x0;
	s7 =	simm.s32 $0x1;
	s6 =	sadd.s32 $0x1, s6  }
0x16d: {  	s7 =	simm.s32 @!p1 $0x0;
	p1 =	sne.s32 s6, s1  }
.Ltmp16:
0x16e: {  	_ = 	snop;
	(pc) =	sbr.rel @!p1 .LBB2_22-.Ltmp16, $2  }
0x16f: {  	_ =	sdelay $0x2  }
0x170: {  	s5 =	sadd.s32 $0x10, s5;
	s29 =	sadd.s32 s7, s29  }
.LBB2_17:
0x171: {  	s7 =	sshll.u32 s6, $0x4  }
0x172: {  	v13 =	vor.u32 s7, v2;
	_ =	sdelay $0x4  }
0x173: {  	v14 =	vld.idx.msk [tilespmem:v13+s28+$0x0], $0xffff;
	_ =	sdelay $0x4  }
0x174: {  	v14 =	vadd.s32 $0xFFF0BE00, v14  }
0x175: {  	vm1 =	vlt.u32 v14, $0x41  }
0x176: {  	v14 =	vmpcnt.ones.xlane vm1;
	_ =	sdelay $0x1  }
0x177: {  	(v2sf) =	vpush v14, $0x0;
	_ =	sdelay $0xe  }
0x178: {  	s7 =	spop (v2sf)  }
0x179: {  	p1 =	slt.s32 s7, $0x1  }
.Ltmp17:
0x17a: {  	_ = 	snop;
	(pc) =	sbr.rel @p1 .LBB2_21-.Ltmp17, $2  }
0x17b: {  	_ =	sdelay $0x2  }
0x17c: {  	v13 =	vld.idx.msk [tilespmem:v13+s26+$0x0], $0xffff  }
0x17d: {  	s8 =	sadd.s32 $0x0, s5  }
0x17e: {  	p1 =	slt.s32 s29, $0x8;
	v14 =	vmov s8  }
0x17f: {  	s8 =	simm.s32 @!p1 $0x3  }
0x180: {  	_ =	swait.ge @!p1 [sflag:s8], $0x800  }
0x181: {  	[sflag:s8] =	ssyncset.done @!p1 $0x0  }
0x182: {  	[sflag:s8] =	ssyncadd.s32 @!p1 $0xFFFFF800  }
0x183: {  	v14 =	vld.idx.msk [tilespmem:v14+s28+$0x0], $0xffff;
	_ =	sdelay $0x4  }
0x184: {  	v14 =	vadd.s32 $0xFFF0BE00, v14  }
0x185: {  	vm2 =	vgt.s32 v14, $0x0  }
0x186: {  	v14 =	vnsel vm2, $0x0, v14  }
0x187: {  	v14 =	vmin.u32 v14, $0x40  }
0x188: {  	v15 =	vor.u32 v7, v14;
	_ =	sdelay $0x4  }
0x189: {  	v15 =	vld.idx.msk [tilespmem:v15+s3+$0x0], $0xffff  }
0x18a: {  	v16 =	vor.u32 v10, v14  }
0x18b: {  	s30 =	sshll.u32 s29, $0xB  }
0x18c: {  	s8 =	sand.u32 $0x3800, s30  }
0x18d: {  	s9 =	sadd.s32 $0x16020, s8  }
0x18e: {  	[tilespmem:s9+$0xFFFFFFE0] =	vst v15  }
0x18f: {  	v15 =	vld.idx.msk [tilespmem:v16+s3+$0x0], $0xffff  }
0x190: {  	v16 =	vor.u32 v11, v14;
	_ =	sdelay $0x3  }
0x191: {  	[tilespmem:s9+$0xFFFFFFF0] =	vst v15  }
0x192: {  	v15 =	vld.idx.msk [tilespmem:v16+s3+$0x0], $0xffff  }
0x193: {  	v14 =	vor.u32 v12, v14;
	_ =	sdelay $0x3  }
0x194: {  	[tilespmem:s9+$0x0] =	vst v15  }
0x195: {  	s11 =	sadd.s32 $0x1, s5;
	v15 =	vld.idx.msk [tilespmem:v14+s3+$0x0], $0xffff  }
0x196: {  	s10 =	simm.s32 $0x2;
	s8 =	sadd.s32 $0x16000, s8;
	v14 =	vmov s11  }
.LBB2_19:
0x197: {  	_ =	sdelay $0x1  }
0x198: {  	p1 =	sne.s32 s10, $0xF  }
0x199: {  	s11 =	smov.u32 s10;
	s10 =	sadd.s32 $0x1, s10;
	[tilespmem:s9+$0x10] =	vst v15;
	s9 =	sadd.s32 $0x80, s9  }
0x19a: {  	v14 =	vld.idx.msk [tilespmem:v14+s28+$0x0], $0xffff;
	_ =	sdelay $0x5  }
0x19b: {  	v14 =	vadd.s32 $0xFFF0BE00, v14  }
0x19c: {  	vm2 =	vgt.s32 v14, $0x0  }
0x19d: {  	v14 =	vnsel vm2, $0x0, v14  }
0x19e: {  	v14 =	vmin.u32 v14, $0x40  }
0x19f: {  	v15 =	vor.u32 v7, v14;
	_ =	sdelay $0x4  }
0x1a0: {  	v15 =	vld.idx.msk [tilespmem:v15+s3+$0x0], $0xffff;
	_ =	sdelay $0x1  }
0x1a1: {  	v16 =	vor.u32 v10, v14;
	_ =	sdelay $0x3  }
0x1a2: {  	[tilespmem:s9+$0xFFFFFFE0] =	vst v15  }
0x1a3: {  	v15 =	vld.idx.msk [tilespmem:v16+s3+$0x0], $0xffff;
	_ =	sdelay $0x1  }
0x1a4: {  	v16 =	vor.u32 v11, v14;
	_ =	sdelay $0x3  }
0x1a5: {  	[tilespmem:s9+$0xFFFFFFF0] =	vst v15  }
0x1a6: {  	v15 =	vld.idx.msk [tilespmem:v16+s3+$0x0], $0xffff;
	_ =	sdelay $0x1  }
0x1a7: {  	v14 =	vor.u32 v12, v14;
	_ =	sdelay $0x2  }
.Ltmp18:
0x1a8: {  	(pc) =	sbr.rel @p1 .LBB2_19-.Ltmp18, $4  }
0x1a9: {  	[tilespmem:s9+$0x0] =	vst v15  }
0x1aa: {  	v15 =	vld.idx.msk [tilespmem:v14+s3+$0x0], $0xffff  }
0x1ab: {  	s11 =	sadd.s32 s11, s5  }
0x1ac: {  	v14 =	vmov s11  }
0x1ad: {  	_ =	sdelay $0x2  }
0x1ae: {  	[tilespmem:s9+$0x10] =	vst v15  }
0x1af: {  	v14 =	vld.idx.msk [tilespmem:v14+s28+$0x0], $0xffff;
	_ =	sdelay $0x4  }
0x1b0: {  	v14 =	vadd.s32 $0xFFF0BE00, v14  }
0x1b1: {  	vm2 =	vgt.s32 v14, $0x0  }
0x1b2: {  	v14 =	vnsel vm2, $0x0, v14  }
0x1b3: {  	v14 =	vmin.u32 v14, $0x40  }
0x1b4: {  	v15 =	vor.u32 v7, v14;
	_ =	sdelay $0x4  }
0x1b5: {  	v15 =	vld.idx.msk [tilespmem:v15+s3+$0x0], $0xffff  }
0x1b6: {  	v16 =	vor.u32 v10, v14;
	_ =	sdelay $0x2  }
0x1b7: {  	s30 =	sadd.s32 $0x80, s9  }
0x1b8: {  	[tilespmem:s30+$0xFFFFFFE0] =	vst v15  }
0x1b9: {  	v15 =	vld.idx.msk [tilespmem:v16+s3+$0x0], $0xffff  }
0x1ba: {  	v63 =	vor.u32 v11, v14;
	_ =	sdelay $0x3  }
0x1bb: {  	[tilespmem:s30+$0xFFFFFFF0] =	vst v15  }
0x1bc: {  	v15 =	vld.idx.msk [tilespmem:v63+s3+$0x0], $0xffff  }
0x1bd: {  	v14 =	vor.u32 v12, v14;
	_ =	sdelay $0x3  }
0x1be: {  	[tilespmem:s30+$0x0] =	vst v15  }
0x1bf: {  	v14 =	vld.idx.msk [tilespmem:v14+s3+$0x0], $0xffff  }
0x1c0: {  	v13 =	vnsel vm1, $0x4000, v13  }
.Ltmp19:
0x1c1: {  	_ = 	snop;
	(pc) =	sbr.rel .LBB2_21-.Ltmp19, $3  }
0x1c2: {  	_ =	sdelay $0x1  }
0x1c3: {  	[tilespmem:s30+$0x10] =	vst v14  }
0x1c4: {  	[hbm4b:s13+s4] =	stream.indirect_vreg.scatter [tilespmem:s8], [sflag:$0x3], $0x80, v13, vm0, $0xb8;
	[tilespmem:$0x1A000] =	vst v63  }
.LBB2_22:
0x1c5: {  	p1 =	slt.s32 s29, $0x1  }
.Ltmp20:
0x1c6: {  	_ = 	snop;
	(pc) =	sbr.rel @p1 .LBB2_26-.Ltmp20, $1  }
0x1c7: {  	_ =	sdelay $0x3  }
0x1c8: {  	p1 =	slt.s32 s29, $0x8  }
0x1c9: {  	s29 =	simm.s32 @!p1 $0x8  }
0x1ca: {  	p1 =	sne.s32 s29, $0x1  }
.Ltmp21:
0x1cb: {  	_ = 	snop;
	(pc) =	sbr.rel @!p1 .LBB2_25-.Ltmp21, $3  }
0x1cc: {  	_ =	sdelay $0x1  }
0x1cd: {  	_ =	swait.ge [sflag:s31], $0x800  }
0x1ce: {  	[sflag:s31] =	ssyncset.done $0x0;
	s1 =	sadd.s32 $0xFFFFFFFF, s29  }
.LBB2_24:
0x1cf: {  	p1 =	sne.s32 s1, $0x1;
	s1 =	sadd.s32 $0xFFFFFFFF, s1;
	[sflag:s31] =	ssyncadd.s32 $0xFFFFF800  }
.Ltmp22:
0x1d0: {  	(pc) =	sbr.rel @p1 .LBB2_24-.Ltmp22, $3  }
0x1d1: {  	_ =	sdelay $0x1  }
0x1d2: {  	_ =	swait.ge [sflag:s31], $0x800  }
0x1d3: {  	[sflag:s31] =	ssyncset.done $0x0  }
.Ltmp23:
0x1d4: {  	_ = 	snop;
	(pc) =	sbr.rel .LBB2_25-.Ltmp23, $1  }
0x1d5: {  	_ =	sdelay $0x3  }
.LBB2_27:
0x1d6: {  	_ =	sfence.sel $0x180000  }
0x1d7: {  	[bflag:$0x0] =	sbarrier.arrive $0xFFFF  }
0x1d8: {  	_ =	strace $0x90000047  }
0x1d9: {  	s0 =	stileid.u32;
	[bflag:$0x2] =	sbarrier.arrive $0xFFFF  }
0x1da: {  	p0 =	sne.s32 s0, $0x0;
	s0 =	rddreg [dreg:$0x3]  }
0x1db: {  	s0 =	sadd.s32 @!p0 $0x100000, s0  }
0x1dc: {  	[sflag:s0] =	ssyncadd.tile.s32 @!p0 $0x1;
	_ =	shalt  }
.Lfunc_end2:
_tile_overlayer_lowered:
.L_overlay_start_2:
0x1dd: {  	(tag) =	ssettag $0x2  }
0x1de: {  	s0 =	rddreg [dreg:$0x0];
	s2 =	stileid.u32  }
0x1df: {  	s1 =	rddreg [dreg:$0x1];
	p0 =	sne.s32 s2, $0x0  }
0x1e0: {  	s3 =	rddreg [dreg:$0x2];
	[bflag:$0x3] =	sbarrier.arrive $0xFFFF;
	s2 =	simm.s32 @!p0 $0x1C04  }
0x1e1: {  	[timem:s3], [sflag:s2] =	dma.local @!p0 [hbm:s0], s1  }
0x1e2: {  	s0 =	simm.s32 @!p0 $0x4  }
0x1e3: {  	_ =	swait.ge @!p0 [sflag:s0], s1  }
0x1e4: {  	s1 =	ssub.s32 @!p0 $0x0, s1;
	[sflag:s0] =	ssyncset.done @!p0 $0x0  }
0x1e5: {  	[sflag:s0] =	ssyncadd.s32 @!p0 s1  }
0x1e6: {  	[bflag:$0x3] =	sbarrier.arrive $0xFFFF  }
0x1e7: {  	_ =	shalt  }

</sc_bundles>
